<compile_context>
chip_gen: v7x
topology: tpu7x:2x2x1
jax: 0.10.2.dev20260603
libtpu: 0.0.44.dev20260713+nightly
codegen_flags: <defaults>
</compile_context>

<pallas_src>
import functools

import jax
import jax.numpy as jnp
from jax import lax
from jax.experimental import pallas as pl
from jax.experimental.pallas import tpu as pltpu
from jax.experimental.pallas import tpu_sc as plsc

N = 100000
D = 128
N_TYPES = 4
L = 16
BLK = 400
NB = N // BLK
NW = 32
GROUPS = BLK // L


def _body(desc_hbm, elems_hbm, w_hbm, b_hbm, out_hbm,
          wv, bv, desc_v, elems_v, out_v):
    c = lax.axis_index("c")
    s = lax.axis_index("s")
    wid = s * 2 + c
    lo = (wid * NB) // NW
    hi = ((wid + 1) * NB) // NW

    pltpu.sync_copy(w_hbm, wv)
    pltpu.sync_copy(b_hbm, bv)

    lane = lax.broadcasted_iota(jnp.int32, (L,), 0)
    bvec = bv[...]

    def block_body(g, carry):
        base = g * BLK
        pltpu.sync_copy(desc_hbm.at[pl.ds(base * D, BLK * D)], desc_v)
        pltpu.sync_copy(elems_hbm.at[pl.ds(base, BLK)], elems_v)

        def group_body(gi, carry2):
            rowbase = (gi * L + lane) * D
            e16 = elems_v[pl.ds(gi * L, L)]
            ebase = e16 * D
            acc = bvec
            for k in range(D):
                kk = jnp.full((L,), k, jnp.int32)
                dk = plsc.load_gather(desc_v, [rowbase + kk])
                wk = plsc.load_gather(wv, [ebase + kk])
                acc = acc + dk * wk
            out_v[pl.ds(gi * L, L)] = acc
            return carry2

        lax.fori_loop(0, GROUPS, group_body, 0)
        pltpu.sync_copy(out_v, out_hbm.at[pl.ds(base, BLK)])
        return carry

    lax.fori_loop(lo, hi, block_body, 0)


def kernel(descriptors, elems, W, b):
    wf = W.reshape(N_TYPES * D)
    b16 = jnp.broadcast_to(b.astype(jnp.float32), (L,))
    e32 = elems.astype(jnp.int32)
    df = descriptors.reshape(N * D)
    mesh = plsc.VectorSubcoreMesh(core_axis_name="c", subcore_axis_name="s")
    out = pl.kernel(
        _body,
        mesh=mesh,
        out_type=jax.ShapeDtypeStruct((N,), jnp.float32),
        compiler_params=pltpu.CompilerParams(needs_layout_passes=False),
        scratch_types=[
            pltpu.VMEM((N_TYPES * D,), jnp.float32),
            pltpu.VMEM((L,), jnp.float32),
            pltpu.VMEM((BLK * D,), jnp.float32),
            pltpu.VMEM((BLK,), jnp.int32),
            pltpu.VMEM((BLK,), jnp.float32),
        ],
    )(df, e32, wf, b16)
    return out.reshape(N, 1)

# --- scband reference (transcript-rebuilt; emitter-appended) ---
"""Pipeline reference for scband-unpack-elems-240518169181 (READ-ONLY COPY).

The authoritative reference and input builder live on the scoring server;
editing this copy changes nothing except your own understanding.
"""

import jax, jax.numpy as jnp
import numpy as np

N = 100000
D = 128
N_TYPES = 4

def setup_inputs(seed: int = 0) -> dict:
    key = jax.random.key(seed)
    k1, k2, k3 = jax.random.split(key, 3)
    descriptors = jax.random.normal(k1, (N, D), dtype=jnp.float32)
    elems = jax.random.randint(k2, (N,), 0, N_TYPES)
    # subnet parameters: a linear layer mapping the unpacked (n_types*D) descriptor
    # vector to a per-atom scalar attribute (e.g., per-atom energy)
    W = jax.random.normal(k3, (N_TYPES * D, 1), dtype=jnp.float32) * 0.02
    b = jnp.zeros((1,), dtype=jnp.float32)
    return {"descriptors": descriptors, "elems": elems, "W": W, "b": b}

def reference(descriptors, elems, W, b):
    n = descriptors.shape[0]
    d = descriptors.shape[1]
    n_types = W.shape[0] // d
    # UnpackElems: scatter each atom's descriptor into the slice for its element type
    unpacked = jnp.zeros((n, n_types, d), dtype=descriptors.dtype)
    unpacked = unpacked.at[jnp.arange(n), elems, :].set(descriptors)
    flat = unpacked.reshape(n, n_types * d)
    # subnet(flat, elems): linear per-atom readout (elems unused by this subnet)
    return flat @ W + b

if __name__ == "__main__":
    import jax
    _d = setup_inputs()
    print(jax.jit(kernel)(*tuple(_d.values())))

</pallas_src>

<mosaic_0001>
#map = affine_map<(d0, d1) -> (0)>
module attributes {stable_mosaic.version = 14 : i64} {
  func.func @_body(%arg0: i32, %arg1: i32, %arg2: memref<12800000xf32, #tpu.memory_space<hbm>>, %arg3: memref<100000xi32, #tpu.memory_space<hbm>>, %arg4: memref<512xf32, #tpu.memory_space<hbm>>, %arg5: memref<16xf32, #tpu.memory_space<hbm>>, %arg6: memref<100000xf32, #tpu.memory_space<hbm>>, %arg7: memref<512xf32, #tpu.memory_space<vmem>>, %arg8: memref<16xf32, #tpu.memory_space<vmem>>, %arg9: memref<51200xf32, #tpu.memory_space<vmem>>, %arg10: memref<400xi32, #tpu.memory_space<vmem>>, %arg11: memref<400xf32, #tpu.memory_space<vmem>>) attributes {dimension_semantics = [#tpu.dimension_semantics<core_parallel>, #tpu.dimension_semantics<subcore_parallel>], iteration_bounds = array<i64: 2, 16>, scalar_prefetch = 0 : i64, scratch_operands = 5 : i64, tpu.core_type = #tpu.core_type<sc_vector_subcore>, window_params = [{transform_indices = #map}, {transform_indices = #map}, {transform_indices = #map}, {transform_indices = #map}, {transform_indices = #map}]} {
    %mul3A = arith.constant 2 : i32
    %mul3A_0 = arith.muli %arg1, %mul3A : i32
    %add3A = arith.addi %mul3A_0, %arg0 : i32
    %mul3A_1 = arith.constant 250 : i32
    %mul3A_2 = arith.muli %add3A, %mul3A_1 : i32
    %jit3A = arith.constant 32 : i32
    %div3A = arith.divsi %mul3A_2, %jit3A : i32
    %sign3A = arith.constant 0 : i32
    %sign3A_3 = arith.cmpi sgt, %mul3A_2, %sign3A : i32
    %sign3A_4 = arith.extui %sign3A_3 : i1 to i32
    %sign3A_5 = arith.constant 0 : i32
    %sign3A_6 = arith.cmpi slt, %mul3A_2, %sign3A_5 : i32
    %sign3A_7 = arith.extui %sign3A_6 : i1 to i32
    %sign3A_8 = arith.subi %sign3A_4, %sign3A_7 : i32
    %sign3A_9 = arith.constant 0 : i32
    %sign3A_10 = arith.cmpi sgt, %jit3A, %sign3A_9 : i32
    %sign3A_11 = arith.extui %sign3A_10 : i1 to i32
    %sign3A_12 = arith.constant 0 : i32
    %sign3A_13 = arith.cmpi slt, %jit3A, %sign3A_12 : i32
    %sign3A_14 = arith.extui %sign3A_13 : i1 to i32
    %sign3A_15 = arith.subi %sign3A_11, %sign3A_14 : i32
    %ne3A = arith.cmpi ne, %sign3A_8, %sign3A_15 : i32
    %rem3A = arith.remsi %mul3A_2, %jit3A : i32
    %ne3A_16 = arith.constant 0 : i32
    %ne3A_17 = arith.cmpi ne, %rem3A, %ne3A_16 : i32
    %and3A = arith.andi %ne3A, %ne3A_17 : i1
    %sub3A = arith.constant 1 : i32
    %sub3A_18 = arith.subi %div3A, %sub3A : i32
    %select_n3A = arith.select %and3A, %sub3A_18, %div3A : i32
    %add3A_19 = arith.constant 1 : i32
    %add3A_20 = arith.addi %add3A, %add3A_19 : i32
    %mul3A_21 = arith.constant 250 : i32
    %mul3A_22 = arith.muli %add3A_20, %mul3A_21 : i32
    %jit3A_23 = arith.constant 32 : i32
    %div3A_24 = arith.divsi %mul3A_22, %jit3A_23 : i32
    %sign3A_25 = arith.constant 0 : i32
    %sign3A_26 = arith.cmpi sgt, %mul3A_22, %sign3A_25 : i32
    %sign3A_27 = arith.extui %sign3A_26 : i1 to i32
    %sign3A_28 = arith.constant 0 : i32
    %sign3A_29 = arith.cmpi slt, %mul3A_22, %sign3A_28 : i32
    %sign3A_30 = arith.extui %sign3A_29 : i1 to i32
    %sign3A_31 = arith.subi %sign3A_27, %sign3A_30 : i32
    %sign3A_32 = arith.constant 0 : i32
    %sign3A_33 = arith.cmpi sgt, %jit3A_23, %sign3A_32 : i32
    %sign3A_34 = arith.extui %sign3A_33 : i1 to i32
    %sign3A_35 = arith.constant 0 : i32
    %sign3A_36 = arith.cmpi slt, %jit3A_23, %sign3A_35 : i32
    %sign3A_37 = arith.extui %sign3A_36 : i1 to i32
    %sign3A_38 = arith.subi %sign3A_34, %sign3A_37 : i32
    %ne3A_39 = arith.cmpi ne, %sign3A_31, %sign3A_38 : i32
    %rem3A_40 = arith.remsi %mul3A_22, %jit3A_23 : i32
    %ne3A_41 = arith.constant 0 : i32
    %ne3A_42 = arith.cmpi ne, %rem3A_40, %ne3A_41 : i32
    %and3A_43 = arith.andi %ne3A_39, %ne3A_42 : i1
    %sub3A_44 = arith.constant 1 : i32
    %sub3A_45 = arith.subi %div3A_24, %sub3A_44 : i32
    %select_n3A_46 = arith.select %and3A_43, %sub3A_45, %div3A_24 : i32
    "tpu.region"() ({
      %run_scoped3A = tpu.sem_alloc : memref<!tpu.dma_semaphore, #tpu.memory_space<semaphore_mem>>
      tpu.enqueue_dma source(%arg4 : memref<512xf32, #tpu.memory_space<hbm>>) target(%arg7 : memref<512xf32, #tpu.memory_space<vmem>>) target_semaphore(%run_scoped3A : memref<!tpu.dma_semaphore, #tpu.memory_space<semaphore_mem>>)
      tpu.wait_dma2 semaphore(%run_scoped3A : memref<!tpu.dma_semaphore, #tpu.memory_space<semaphore_mem>>) src(%arg4 : memref<512xf32, #tpu.memory_space<hbm>>) dst(%arg7 : memref<512xf32, #tpu.memory_space<vmem>>)
      tpu.yield
    }) : () -> ()
    "tpu.region"() ({
      %run_scoped3A = tpu.sem_alloc : memref<!tpu.dma_semaphore, #tpu.memory_space<semaphore_mem>>
      tpu.enqueue_dma source(%arg5 : memref<16xf32, #tpu.memory_space<hbm>>) target(%arg8 : memref<16xf32, #tpu.memory_space<vmem>>) target_semaphore(%run_scoped3A : memref<!tpu.dma_semaphore, #tpu.memory_space<semaphore_mem>>)
      tpu.wait_dma2 semaphore(%run_scoped3A : memref<!tpu.dma_semaphore, #tpu.memory_space<semaphore_mem>>) src(%arg5 : memref<16xf32, #tpu.memory_space<hbm>>) dst(%arg8 : memref<16xf32, #tpu.memory_space<vmem>>)
      tpu.yield
    }) : () -> ()
    %iota3A = tpu.iota {dimensions = array<i32: 0>} : vector<16xi32>
    %get3A = arith.constant 0 : index
    %get3A_47 = tpu.vector_load %arg8[%get3A] {strides = array<i32>} : memref<16xf32, #tpu.memory_space<vmem>>, vector<16xf32>,
    %while3A = arith.constant 0 : i32
    %while3A_48 = arith.subi %select_n3A_46, %select_n3A : i32
    %while3A_49 = arith.addi %select_n3A, %while3A_48 : i32
    %while3A_50 = arith.constant 1 : i32
    %while3A_51 = arith.divsi %while3A_48, %while3A_50 : i32
    %while3A_52 = arith.muli %while3A_51, %while3A_50 : i32
    %while3A_53 = arith.addi %select_n3A, %while3A_52 : i32
    %while3A_54 = arith.constant 1 : i32
    scf.for %while3A_56 = %select_n3A to %while3A_53 step %while3A_54  : i32 {
      %mul3A_57 = arith.constant 400 : i32
      %mul3A_58 = arith.muli %while3A_56, %mul3A_57 : i32
      %mul3A_59 = arith.constant 128 : i32
      %mul3A_60 = arith.muli %mul3A_58, %mul3A_59 : i32
      "tpu.region"() ({
        %run_scoped3A = tpu.sem_alloc : memref<!tpu.dma_semaphore, #tpu.memory_space<semaphore_mem>>
        %dma_start3A = tpu.memref_slice %arg2[%mul3A_60] : memref<12800000xf32, #tpu.memory_space<hbm>> -> memref<51200xf32, #tpu.memory_space<hbm>>
        %dma_start3A_66 = tpu.memref_slice %arg2[%mul3A_60] : memref<12800000xf32, #tpu.memory_space<hbm>> -> memref<51200xf32, #tpu.memory_space<hbm>>
        tpu.enqueue_dma source(%dma_start3A_66 : memref<51200xf32, #tpu.memory_space<hbm>>) target(%arg9 : memref<51200xf32, #tpu.memory_space<vmem>>) target_semaphore(%run_scoped3A : memref<!tpu.dma_semaphore, #tpu.memory_space<semaphore_mem>>)
        %dma_wait3A = tpu.memref_slice %arg2[%mul3A_60] : memref<12800000xf32, #tpu.memory_space<hbm>> -> memref<51200xf32, #tpu.memory_space<hbm>>
        %dma_wait3A_67 = tpu.memref_slice %arg2[%mul3A_60] : memref<12800000xf32, #tpu.memory_space<hbm>> -> memref<51200xf32, #tpu.memory_space<hbm>>
        tpu.wait_dma2 semaphore(%run_scoped3A : memref<!tpu.dma_semaphore, #tpu.memory_space<semaphore_mem>>) src(%dma_wait3A_67 : memref<51200xf32, #tpu.memory_space<hbm>>) dst(%arg9 : memref<51200xf32, #tpu.memory_space<vmem>>)
        tpu.yield
      }) : () -> ()
      "tpu.region"() ({
        %run_scoped3A = tpu.sem_alloc : memref<!tpu.dma_semaphore, #tpu.memory_space<semaphore_mem>>
        %dma_start3A = tpu.memref_slice %arg3[%mul3A_58] : memref<100000xi32, #tpu.memory_space<hbm>> -> memref<400xi32, #tpu.memory_space<hbm>>
        %dma_start3A_66 = tpu.memref_slice %arg3[%mul3A_58] : memref<100000xi32, #tpu.memory_space<hbm>> -> memref<400xi32, #tpu.memory_space<hbm>>
        tpu.enqueue_dma source(%dma_start3A_66 : memref<400xi32, #tpu.memory_space<hbm>>) target(%arg10 : memref<400xi32, #tpu.memory_space<vmem>>) target_semaphore(%run_scoped3A : memref<!tpu.dma_semaphore, #tpu.memory_space<semaphore_mem>>)
        %dma_wait3A = tpu.memref_slice %arg3[%mul3A_58] : memref<100000xi32, #tpu.memory_space<hbm>> -> memref<400xi32, #tpu.memory_space<hbm>>
        %dma_wait3A_67 = tpu.memref_slice %arg3[%mul3A_58] : memref<100000xi32, #tpu.memory_space<hbm>> -> memref<400xi32, #tpu.memory_space<hbm>>
        tpu.wait_dma2 semaphore(%run_scoped3A : memref<!tpu.dma_semaphore, #tpu.memory_space<semaphore_mem>>) src(%dma_wait3A_67 : memref<400xi32, #tpu.memory_space<hbm>>) dst(%arg10 : memref<400xi32, #tpu.memory_space<vmem>>)
        tpu.yield
      }) : () -> ()
      %scan3A = arith.constant 0 : i32
      %scan3A_61 = arith.constant 0 : i32
      %scan3A_62 = arith.constant 25 : i32
      %scan3A_63 = arith.addi %scan3A_61, %scan3A_62 : i32
      %scan3A_64 = arith.constant 1 : i32
      scf.for %scan3A_66 = %scan3A_61 to %scan3A_63 step %scan3A_64  : i32 {
        %mul3A_67 = arith.constant 16 : i32
        %mul3A_68 = arith.muli %scan3A_66, %mul3A_67 : i32
        %add3A_69 = vector.broadcast %mul3A_68 : i32 to vector<16xi32>
        %add3A_70 = arith.addi %add3A_69, %iota3A : vector<16xi32>
        %mul3A_71 = arith.constant 128 : i32
        %mul3A_72 = vector.broadcast %mul3A_71 : i32 to vector<16xi32>
        %mul3A_73 = arith.muli %add3A_70, %mul3A_72 : vector<16xi32>
        %mul3A_74 = arith.constant 16 : i32
        %mul3A_75 = arith.muli %scan3A_66, %mul3A_74 : i32
        %get3A_76 = arith.index_cast %mul3A_75 : i32 to index
        %get3A_77 = tpu.vector_load %arg10[%get3A_76] {strides = array<i32>} : memref<400xi32, #tpu.memory_space<vmem>>, vector<16xi32>,
        %mul3A_78 = arith.constant 128 : i32
        %mul3A_79 = vector.broadcast %mul3A_78 : i32 to vector<16xi32>
        %mul3A_80 = arith.muli %get3A_77, %mul3A_79 : vector<16xi32>
        %broadcast_in_dim3A = arith.constant 0 : i32
        %broadcast_in_dim3A_81 = vector.broadcast %broadcast_in_dim3A : i32 to vector<16xi32>
        %add3A_82 = arith.addi %mul3A_73, %broadcast_in_dim3A_81 : vector<16xi32>
        %gather3A = tpu.vector_load_idx %arg9[%add3A_82] : memref<51200xf32, #tpu.memory_space<vmem>>[vector<16xi32>], vector<16xf32>,
        %add3A_83 = arith.addi %mul3A_80, %broadcast_in_dim3A_81 : vector<16xi32>
        %gather3A_84 = tpu.vector_load_idx %arg7[%add3A_83] : memref<512xf32, #tpu.memory_space<vmem>>[vector<16xi32>], vector<16xf32>,
        %mul3A_85 = arith.mulf %gather3A, %gather3A_84 : vector<16xf32>
        %add3A_86 = arith.addf %get3A_47, %mul3A_85 : vector<16xf32>
        %broadcast_in_dim3A_87 = arith.constant 1 : i32
        %broadcast_in_dim3A_88 = vector.broadcast %broadcast_in_dim3A_87 : i32 to vector<16xi32>
        %add3A_89 = arith.addi %mul3A_73, %broadcast_in_dim3A_88 : vector<16xi32>
        %gather3A_90 = tpu.vector_load_idx %arg9[%add3A_89] : memref<51200xf32, #tpu.memory_space<vmem>>[vector<16xi32>], vector<16xf32>,
        %add3A_91 = arith.addi %mul3A_80, %broadcast_in_dim3A_88 : vector<16xi32>
        %gather3A_92 = tpu.vector_load_idx %arg7[%add3A_91] : memref<512xf32, #tpu.memory_space<vmem>>[vector<16xi32>], vector<16xf32>,
        %mul3A_93 = arith.mulf %gather3A_90, %gather3A_92 : vector<16xf32>
        %add3A_94 = arith.addf %add3A_86, %mul3A_93 : vector<16xf32>
        %broadcast_in_dim3A_95 = arith.constant 2 : i32
        %broadcast_in_dim3A_96 = vector.broadcast %broadcast_in_dim3A_95 : i32 to vector<16xi32>
        %add3A_97 = arith.addi %mul3A_73, %broadcast_in_dim3A_96 : vector<16xi32>
        %gather3A_98 = tpu.vector_load_idx %arg9[%add3A_97] : memref<51200xf32, #tpu.memory_space<vmem>>[vector<16xi32>], vector<16xf32>,
        %add3A_99 = arith.addi %mul3A_80, %broadcast_in_dim3A_96 : vector<16xi32>
        %gather3A_100 = tpu.vector_load_idx %arg7[%add3A_99] : memref<512xf32, #tpu.memory_space<vmem>>[vector<16xi32>], vector<16xf32>,
        %mul3A_101 = arith.mulf %gather3A_98, %gather3A_100 : vector<16xf32>
        %add3A_102 = arith.addf %add3A_94, %mul3A_101 : vector<16xf32>
        %broadcast_in_dim3A_103 = arith.constant 3 : i32
        %broadcast_in_dim3A_104 = vector.broadcast %broadcast_in_dim3A_103 : i32 to vector<16xi32>
        %add3A_105 = arith.addi %mul3A_73, %broadcast_in_dim3A_104 : vector<16xi32>
        %gather3A_106 = tpu.vector_load_idx %arg9[%add3A_105] : memref<51200xf32, #tpu.memory_space<vmem>>[vector<16xi32>], vector<16xf32>,
        %add3A_107 = arith.addi %mul3A_80, %broadcast_in_dim3A_104 : vector<16xi32>
        %gather3A_108 = tpu.vector_load_idx %arg7[%add3A_107] : memref<512xf32, #tpu.memory_space<vmem>>[vector<16xi32>], vector<16xf32>,
        %mul3A_109 = arith.mulf %gather3A_106, %gather3A_108 : vector<16xf32>
        %add3A_110 = arith.addf %add3A_102, %mul3A_109 : vector<16xf32>
        %broadcast_in_dim3A_111 = arith.constant 4 : i32
        %broadcast_in_dim3A_112 = vector.broadcast %broadcast_in_dim3A_111 : i32 to vector<16xi32>
        %add3A_113 = arith.addi %mul3A_73, %broadcast_in_dim3A_112 : vector<16xi32>
        %gather3A_114 = tpu.vector_load_idx %arg9[%add3A_113] : memref<51200xf32, #tpu.memory_space<vmem>>[vector<16xi32>], vector<16xf32>,
        %add3A_115 = arith.addi %mul3A_80, %broadcast_in_dim3A_112 : vector<16xi32>
        %gather3A_116 = tpu.vector_load_idx %arg7[%add3A_115] : memref<512xf32, #tpu.memory_space<vmem>>[vector<16xi32>], vector<16xf32>,
        %mul3A_117 = arith.mulf %gather3A_114, %gather3A_116 : vector<16xf32>
        %add3A_118 = arith.addf %add3A_110, %mul3A_117 : vector<16xf32>
        %broadcast_in_dim3A_119 = arith.constant 5 : i32
        %broadcast_in_dim3A_120 = vector.broadcast %broadcast_in_dim3A_119 : i32 to vector<16xi32>
        %add3A_121 = arith.addi %mul3A_73, %broadcast_in_dim3A_120 : vector<16xi32>
        %gather3A_122 = tpu.vector_load_idx %arg9[%add3A_121] : memref<51200xf32, #tpu.memory_space<vmem>>[vector<16xi32>], vector<16xf32>,
        %add3A_123 = arith.addi %mul3A_80, %broadcast_in_dim3A_120 : vector<16xi32>
        %gather3A_124 = tpu.vector_load_idx %arg7[%add3A_123] : memref<512xf32, #tpu.memory_space<vmem>>[vector<16xi32>], vector<16xf32>,
        %mul3A_125 = arith.mulf %gather3A_122, %gather3A_124 : vector<16xf32>
        %add3A_126 = arith.addf %add3A_118, %mul3A_125 : vector<16xf32>
        %broadcast_in_dim3A_127 = arith.constant 6 : i32
        %broadcast_in_dim3A_128 = vector.broadcast %broadcast_in_dim3A_127 : i32 to vector<16xi32>
        %add3A_129 = arith.addi %mul3A_73, %broadcast_in_dim3A_128 : vector<16xi32>
        %gather3A_130 = tpu.vector_load_idx %arg9[%add3A_129] : memref<51200xf32, #tpu.memory_space<vmem>>[vector<16xi32>], vector<16xf32>,
        %add3A_131 = arith.addi %mul3A_80, %broadcast_in_dim3A_128 : vector<16xi32>
        %gather3A_132 = tpu.vector_load_idx %arg7[%add3A_131] : memref<512xf32, #tpu.memory_space<vmem>>[vector<16xi32>], vector<16xf32>,
        %mul3A_133 = arith.mulf %gather3A_130, %gather3A_132 : vector<16xf32>
        %add3A_134 = arith.addf %add3A_126, %mul3A_133 : vector<16xf32>
        %broadcast_in_dim3A_135 = arith.constant 7 : i32
        %broadcast_in_dim3A_136 = vector.broadcast %broadcast_in_dim3A_135 : i32 to vector<16xi32>
        %add3A_137 = arith.addi %mul3A_73, %broadcast_in_dim3A_136 : vector<16xi32>
        %gather3A_138 = tpu.vector_load_idx %arg9[%add3A_137] : memref<51200xf32, #tpu.memory_space<vmem>>[vector<16xi32>], vector<16xf32>,
        %add3A_139 = arith.addi %mul3A_80, %broadcast_in_dim3A_136 : vector<16xi32>
        %gather3A_140 = tpu.vector_load_idx %arg7[%add3A_139] : memref<512xf32, #tpu.memory_space<vmem>>[vector<16xi32>], vector<16xf32>,
        %mul3A_141 = arith.mulf %gather3A_138, %gather3A_140 : vector<16xf32>
        %add3A_142 = arith.addf %add3A_134, %mul3A_141 : vector<16xf32>
        %broadcast_in_dim3A_143 = arith.constant 8 : i32
        %broadcast_in_dim3A_144 = vector.broadcast %broadcast_in_dim3A_143 : i32 to vector<16xi32>
        %add3A_145 = arith.addi %mul3A_73, %broadcast_in_dim3A_144 : vector<16xi32>
        %gather3A_146 = tpu.vector_load_idx %arg9[%add3A_145] : memref<51200xf32, #tpu.memory_space<vmem>>[vector<16xi32>], vector<16xf32>,
        %add3A_147 = arith.addi %mul3A_80, %broadcast_in_dim3A_144 : vector<16xi32>
        %gather3A_148 = tpu.vector_load_idx %arg7[%add3A_147] : memref<512xf32, #tpu.memory_space<vmem>>[vector<16xi32>], vector<16xf32>,
        %mul3A_149 = arith.mulf %gather3A_146, %gather3A_148 : vector<16xf32>
        %add3A_150 = arith.addf %add3A_142, %mul3A_149 : vector<16xf32>
        %broadcast_in_dim3A_151 = arith.constant 9 : i32
        %broadcast_in_dim3A_152 = vector.broadcast %broadcast_in_dim3A_151 : i32 to vector<16xi32>
        %add3A_153 = arith.addi %mul3A_73, %broadcast_in_dim3A_152 : vector<16xi32>
        %gather3A_154 = tpu.vector_load_idx %arg9[%add3A_153] : memref<51200xf32, #tpu.memory_space<vmem>>[vector<16xi32>], vector<16xf32>,
        %add3A_155 = arith.addi %mul3A_80, %broadcast_in_dim3A_152 : vector<16xi32>
        %gather3A_156 = tpu.vector_load_idx %arg7[%add3A_155] : memref<512xf32, #tpu.memory_space<vmem>>[vector<16xi32>], vector<16xf32>,
        %mul3A_157 = arith.mulf %gather3A_154, %gather3A_156 : vector<16xf32>
        %add3A_158 = arith.addf %add3A_150, %mul3A_157 : vector<16xf32>
        %broadcast_in_dim3A_159 = arith.constant 10 : i32
        %broadcast_in_dim3A_160 = vector.broadcast %broadcast_in_dim3A_159 : i32 to vector<16xi32>
        %add3A_161 = arith.addi %mul3A_73, %broadcast_in_dim3A_160 : vector<16xi32>
        %gather3A_162 = tpu.vector_load_idx %arg9[%add3A_161] : memref<51200xf32, #tpu.memory_space<vmem>>[vector<16xi32>], vector<16xf32>,
        %add3A_163 = arith.addi %mul3A_80, %broadcast_in_dim3A_160 : vector<16xi32>
        %gather3A_164 = tpu.vector_load_idx %arg7[%add3A_163] : memref<512xf32, #tpu.memory_space<vmem>>[vector<16xi32>], vector<16xf32>,
        %mul3A_165 = arith.mulf %gather3A_162, %gather3A_164 : vector<16xf32>
        %add3A_166 = arith.addf %add3A_158, %mul3A_165 : vector<16xf32>
        %broadcast_in_dim3A_167 = arith.constant 11 : i32
        %broadcast_in_dim3A_168 = vector.broadcast %broadcast_in_dim3A_167 : i32 to vector<16xi32>
        %add3A_169 = arith.addi %mul3A_73, %broadcast_in_dim3A_168 : vector<16xi32>
        %gather3A_170 = tpu.vector_load_idx %arg9[%add3A_169] : memref<51200xf32, #tpu.memory_space<vmem>>[vector<16xi32>], vector<16xf32>,
        %add3A_171 = arith.addi %mul3A_80, %broadcast_in_dim3A_168 : vector<16xi32>
        %gather3A_172 = tpu.vector_load_idx %arg7[%add3A_171] : memref<512xf32, #tpu.memory_space<vmem>>[vector<16xi32>], vector<16xf32>,
        %mul3A_173 = arith.mulf %gather3A_170, %gather3A_172 : vector<16xf32>
        %add3A_174 = arith.addf %add3A_166, %mul3A_173 : vector<16xf32>
        %broadcast_in_dim3A_175 = arith.constant 12 : i32
        %broadcast_in_dim3A_176 = vector.broadcast %broadcast_in_dim3A_175 : i32 to vector<16xi32>
        %add3A_177 = arith.addi %mul3A_73, %broadcast_in_dim3A_176 : vector<16xi32>
        %gather3A_178 = tpu.vector_load_idx %arg9[%add3A_177] : memref<51200xf32, #tpu.memory_space<vmem>>[vector<16xi32>], vector<16xf32>,
        %add3A_179 = arith.addi %mul3A_80, %broadcast_in_dim3A_176 : vector<16xi32>
        %gather3A_180 = tpu.vector_load_idx %arg7[%add3A_179] : memref<512xf32, #tpu.memory_space<vmem>>[vector<16xi32>], vector<16xf32>,
        %mul3A_181 = arith.mulf %gather3A_178, %gather3A_180 : vector<16xf32>
        %add3A_182 = arith.addf %add3A_174, %mul3A_181 : vector<16xf32>
        %broadcast_in_dim3A_183 = arith.constant 13 : i32
        %broadcast_in_dim3A_184 = vector.broadcast %broadcast_in_dim3A_183 : i32 to vector<16xi32>
        %add3A_185 = arith.addi %mul3A_73, %broadcast_in_dim3A_184 : vector<16xi32>
        %gather3A_186 = tpu.vector_load_idx %arg9[%add3A_185] : memref<51200xf32, #tpu.memory_space<vmem>>[vector<16xi32>], vector<16xf32>,
        %add3A_187 = arith.addi %mul3A_80, %broadcast_in_dim3A_184 : vector<16xi32>
        %gather3A_188 = tpu.vector_load_idx %arg7[%add3A_187] : memref<512xf32, #tpu.memory_space<vmem>>[vector<16xi32>], vector<16xf32>,
        %mul3A_189 = arith.mulf %gather3A_186, %gather3A_188 : vector<16xf32>
        %add3A_190 = arith.addf %add3A_182, %mul3A_189 : vector<16xf32>
        %broadcast_in_dim3A_191 = arith.constant 14 : i32
        %broadcast_in_dim3A_192 = vector.broadcast %broadcast_in_dim3A_191 : i32 to vector<16xi32>
        %add3A_193 = arith.addi %mul3A_73, %broadcast_in_dim3A_192 : vector<16xi32>
        %gather3A_194 = tpu.vector_load_idx %arg9[%add3A_193] : memref<51200xf32, #tpu.memory_space<vmem>>[vector<16xi32>], vector<16xf32>,
        %add3A_195 = arith.addi %mul3A_80, %broadcast_in_dim3A_192 : vector<16xi32>
        %gather3A_196 = tpu.vector_load_idx %arg7[%add3A_195] : memref<512xf32, #tpu.memory_space<vmem>>[vector<16xi32>], vector<16xf32>,
        %mul3A_197 = arith.mulf %gather3A_194, %gather3A_196 : vector<16xf32>
        %add3A_198 = arith.addf %add3A_190, %mul3A_197 : vector<16xf32>
        %broadcast_in_dim3A_199 = arith.constant 15 : i32
        %broadcast_in_dim3A_200 = vector.broadcast %broadcast_in_dim3A_199 : i32 to vector<16xi32>
        %add3A_201 = arith.addi %mul3A_73, %broadcast_in_dim3A_200 : vector<16xi32>
        %gather3A_202 = tpu.vector_load_idx %arg9[%add3A_201] : memref<51200xf32, #tpu.memory_space<vmem>>[vector<16xi32>], vector<16xf32>,
        %add3A_203 = arith.addi %mul3A_80, %broadcast_in_dim3A_200 : vector<16xi32>
        %gather3A_204 = tpu.vector_load_idx %arg7[%add3A_203] : memref<512xf32, #tpu.memory_space<vmem>>[vector<16xi32>], vector<16xf32>,
        %mul3A_205 = arith.mulf %gather3A_202, %gather3A_204 : vector<16xf32>
        %add3A_206 = arith.addf %add3A_198, %mul3A_205 : vector<16xf32>
        %broadcast_in_dim3A_207 = arith.constant 16 : i32
        %broadcast_in_dim3A_208 = vector.broadcast %broadcast_in_dim3A_207 : i32 to vector<16xi32>
        %add3A_209 = arith.addi %mul3A_73, %broadcast_in_dim3A_208 : vector<16xi32>
        %gather3A_210 = tpu.vector_load_idx %arg9[%add3A_209] : memref<51200xf32, #tpu.memory_space<vmem>>[vector<16xi32>], vector<16xf32>,
        %add3A_211 = arith.addi %mul3A_80, %broadcast_in_dim3A_208 : vector<16xi32>
        %gather3A_212 = tpu.vector_load_idx %arg7[%add3A_211] : memref<512xf32, #tpu.memory_space<vmem>>[vector<16xi32>], vector<16xf32>,
        %mul3A_213 = arith.mulf %gather3A_210, %gather3A_212 : vector<16xf32>
        %add3A_214 = arith.addf %add3A_206, %mul3A_213 : vector<16xf32>
        %broadcast_in_dim3A_215 = arith.constant 17 : i32
        %broadcast_in_dim3A_216 = vector.broadcast %broadcast_in_dim3A_215 : i32 to vector<16xi32>
        %add3A_217 = arith.addi %mul3A_73, %broadcast_in_dim3A_216 : vector<16xi32>
        %gather3A_218 = tpu.vector_load_idx %arg9[%add3A_217] : memref<51200xf32, #tpu.memory_space<vmem>>[vector<16xi32>], vector<16xf32>,
        %add3A_219 = arith.addi %mul3A_80, %broadcast_in_dim3A_216 : vector<16xi32>
        %gather3A_220 = tpu.vector_load_idx %arg7[%add3A_219] : memref<512xf32, #tpu.memory_space<vmem>>[vector<16xi32>], vector<16xf32>,
        %mul3A_221 = arith.mulf %gather3A_218, %gather3A_220 : vector<16xf32>
        %add3A_222 = arith.addf %add3A_214, %mul3A_221 : vector<16xf32>
        %broadcast_in_dim3A_223 = arith.constant 18 : i32
        %broadcast_in_dim3A_224 = vector.broadcast %broadcast_in_dim3A_223 : i32 to vector<16xi32>
        %add3A_225 = arith.addi %mul3A_73, %broadcast_in_dim3A_224 : vector<16xi32>
        %gather3A_226 = tpu.vector_load_idx %arg9[%add3A_225] : memref<51200xf32, #tpu.memory_space<vmem>>[vector<16xi32>], vector<16xf32>,
        %add3A_227 = arith.addi %mul3A_80, %broadcast_in_dim3A_224 : vector<16xi32>
        %gather3A_228 = tpu.vector_load_idx %arg7[%add3A_227] : memref<512xf32, #tpu.memory_space<vmem>>[vector<16xi32>], vector<16xf32>,
        %mul3A_229 = arith.mulf %gather3A_226, %gather3A_228 : vector<16xf32>
        %add3A_230 = arith.addf %add3A_222, %mul3A_229 : vector<16xf32>
        %broadcast_in_dim3A_231 = arith.constant 19 : i32
        %broadcast_in_dim3A_232 = vector.broadcast %broadcast_in_dim3A_231 : i32 to vector<16xi32>
        %add3A_233 = arith.addi %mul3A_73, %broadcast_in_dim3A_232 : vector<16xi32>
        %gather3A_234 = tpu.vector_load_idx %arg9[%add3A_233] : memref<51200xf32, #tpu.memory_space<vmem>>[vector<16xi32>], vector<16xf32>,
        %add3A_235 = arith.addi %mul3A_80, %broadcast_in_dim3A_232 : vector<16xi32>
        %gather3A_236 = tpu.vector_load_idx %arg7[%add3A_235] : memref<512xf32, #tpu.memory_space<vmem>>[vector<16xi32>], vector<16xf32>,
        %mul3A_237 = arith.mulf %gather3A_234, %gather3A_236 : vector<16xf32>
        %add3A_238 = arith.addf %add3A_230, %mul3A_237 : vector<16xf32>
        %broadcast_in_dim3A_239 = arith.constant 20 : i32
        %broadcast_in_dim3A_240 = vector.broadcast %broadcast_in_dim3A_239 : i32 to vector<16xi32>
        %add3A_241 = arith.addi %mul3A_73, %broadcast_in_dim3A_240 : vector<16xi32>
        %gather3A_242 = tpu.vector_load_idx %arg9[%add3A_241] : memref<51200xf32, #tpu.memory_space<vmem>>[vector<16xi32>], vector<16xf32>,
        %add3A_243 = arith.addi %mul3A_80, %broadcast_in_dim3A_240 : vector<16xi32>
        %gather3A_244 = tpu.vector_load_idx %arg7[%add3A_243] : memref<512xf32, #tpu.memory_space<vmem>>[vector<16xi32>], vector<16xf32>,
        %mul3A_245 = arith.mulf %gather3A_242, %gather3A_244 : vector<16xf32>
        %add3A_246 = arith.addf %add3A_238, %mul3A_245 : vector<16xf32>
        %broadcast_in_dim3A_247 = arith.constant 21 : i32
        %broadcast_in_dim3A_248 = vector.broadcast %broadcast_in_dim3A_247 : i32 to vector<16xi32>
        %add3A_249 = arith.addi %mul3A_73, %broadcast_in_dim3A_248 : vector<16xi32>
        %gather3A_250 = tpu.vector_load_idx %arg9[%add3A_249] : memref<51200xf32, #tpu.memory_space<vmem>>[vector<16xi32>], vector<16xf32>,
        %add3A_251 = arith.addi %mul3A_80, %broadcast_in_dim3A_248 : vector<16xi32>
        %gather3A_252 = tpu.vector_load_idx %arg7[%add3A_251] : memref<512xf32, #tpu.memory_space<vmem>>[vector<16xi32>], vector<16xf32>,
        %mul3A_253 = arith.mulf %gather3A_250, %gather3A_252 : vector<16xf32>
        %add3A_254 = arith.addf %add3A_246, %mul3A_253 : vector<16xf32>
        %broadcast_in_dim3A_255 = arith.constant 22 : i32
        %broadcast_in_dim3A_256 = vector.broadcast %broadcast_in_dim3A_255 : i32 to vector<16xi32>
        %add3A_257 = arith.addi %mul3A_73, %broadcast_in_dim3A_256 : vector<16xi32>
        %gather3A_258 = tpu.vector_load_idx %arg9[%add3A_257] : memref<51200xf32, #tpu.memory_space<vmem>>[vector<16xi32>], vector<16xf32>,
        %add3A_259 = arith.addi %mul3A_80, %broadcast_in_dim3A_256 : vector<16xi32>
        %gather3A_260 = tpu.vector_load_idx %arg7[%add3A_259] : memref<512xf32, #tpu.memory_space<vmem>>[vector<16xi32>], vector<16xf32>,
        %mul3A_261 = arith.mulf %gather3A_258, %gather3A_260 : vector<16xf32>
        %add3A_262 = arith.addf %add3A_254, %mul3A_261 : vector<16xf32>
        %broadcast_in_dim3A_263 = arith.constant 23 : i32
        %broadcast_in_dim3A_264 = vector.broadcast %broadcast_in_dim3A_263 : i32 to vector<16xi32>
        %add3A_265 = arith.addi %mul3A_73, %broadcast_in_dim3A_264 : vector<16xi32>
        %gather3A_266 = tpu.vector_load_idx %arg9[%add3A_265] : memref<51200xf32, #tpu.memory_space<vmem>>[vector<16xi32>], vector<16xf32>,
        %add3A_267 = arith.addi %mul3A_80, %broadcast_in_dim3A_264 : vector<16xi32>
        %gather3A_268 = tpu.vector_load_idx %arg7[%add3A_267] : memref<512xf32, #tpu.memory_space<vmem>>[vector<16xi32>], vector<16xf32>,
        %mul3A_269 = arith.mulf %gather3A_266, %gather3A_268 : vector<16xf32>
        %add3A_270 = arith.addf %add3A_262, %mul3A_269 : vector<16xf32>
        %broadcast_in_dim3A_271 = arith.constant 24 : i32
        %broadcast_in_dim3A_272 = vector.broadcast %broadcast_in_dim3A_271 : i32 to vector<16xi32>
        %add3A_273 = arith.addi %mul3A_73, %broadcast_in_dim3A_272 : vector<16xi32>
        %gather3A_274 = tpu.vector_load_idx %arg9[%add3A_273] : memref<51200xf32, #tpu.memory_space<vmem>>[vector<16xi32>], vector<16xf32>,
        %add3A_275 = arith.addi %mul3A_80, %broadcast_in_dim3A_272 : vector<16xi32>
        %gather3A_276 = tpu.vector_load_idx %arg7[%add3A_275] : memref<512xf32, #tpu.memory_space<vmem>>[vector<16xi32>], vector<16xf32>,
        %mul3A_277 = arith.mulf %gather3A_274, %gather3A_276 : vector<16xf32>
        %add3A_278 = arith.addf %add3A_270, %mul3A_277 : vector<16xf32>
        %broadcast_in_dim3A_279 = arith.constant 25 : i32
        %broadcast_in_dim3A_280 = vector.broadcast %broadcast_in_dim3A_279 : i32 to vector<16xi32>
        %add3A_281 = arith.addi %mul3A_73, %broadcast_in_dim3A_280 : vector<16xi32>
        %gather3A_282 = tpu.vector_load_idx %arg9[%add3A_281] : memref<51200xf32, #tpu.memory_space<vmem>>[vector<16xi32>], vector<16xf32>,
        %add3A_283 = arith.addi %mul3A_80, %broadcast_in_dim3A_280 : vector<16xi32>
        %gather3A_284 = tpu.vector_load_idx %arg7[%add3A_283] : memref<512xf32, #tpu.memory_space<vmem>>[vector<16xi32>], vector<16xf32>,
        %mul3A_285 = arith.mulf %gather3A_282, %gather3A_284 : vector<16xf32>
        %add3A_286 = arith.addf %add3A_278, %mul3A_285 : vector<16xf32>
        %broadcast_in_dim3A_287 = arith.constant 26 : i32
        %broadcast_in_dim3A_288 = vector.broadcast %broadcast_in_dim3A_287 : i32 to vector<16xi32>
        %add3A_289 = arith.addi %mul3A_73, %broadcast_in_dim3A_288 : vector<16xi32>
        %gather3A_290 = tpu.vector_load_idx %arg9[%add3A_289] : memref<51200xf32, #tpu.memory_space<vmem>>[vector<16xi32>], vector<16xf32>,
        %add3A_291 = arith.addi %mul3A_80, %broadcast_in_dim3A_288 : vector<16xi32>
        %gather3A_292 = tpu.vector_load_idx %arg7[%add3A_291] : memref<512xf32, #tpu.memory_space<vmem>>[vector<16xi32>], vector<16xf32>,
        %mul3A_293 = arith.mulf %gather3A_290, %gather3A_292 : vector<16xf32>
        %add3A_294 = arith.addf %add3A_286, %mul3A_293 : vector<16xf32>
        %broadcast_in_dim3A_295 = arith.constant 27 : i32
        %broadcast_in_dim3A_296 = vector.broadcast %broadcast_in_dim3A_295 : i32 to vector<16xi32>
        %add3A_297 = arith.addi %mul3A_73, %broadcast_in_dim3A_296 : vector<16xi32>
        %gather3A_298 = tpu.vector_load_idx %arg9[%add3A_297] : memref<51200xf32, #tpu.memory_space<vmem>>[vector<16xi32>], vector<16xf32>,
        %add3A_299 = arith.addi %mul3A_80, %broadcast_in_dim3A_296 : vector<16xi32>
        %gather3A_300 = tpu.vector_load_idx %arg7[%add3A_299] : memref<512xf32, #tpu.memory_space<vmem>>[vector<16xi32>], vector<16xf32>,
        %mul3A_301 = arith.mulf %gather3A_298, %gather3A_300 : vector<16xf32>
        %add3A_302 = arith.addf %add3A_294, %mul3A_301 : vector<16xf32>
        %broadcast_in_dim3A_303 = arith.constant 28 : i32
        %broadcast_in_dim3A_304 = vector.broadcast %broadcast_in_dim3A_303 : i32 to vector<16xi32>
        %add3A_305 = arith.addi %mul3A_73, %broadcast_in_dim3A_304 : vector<16xi32>
        %gather3A_306 = tpu.vector_load_idx %arg9[%add3A_305] : memref<51200xf32, #tpu.memory_space<vmem>>[vector<16xi32>], vector<16xf32>,
        %add3A_307 = arith.addi %mul3A_80, %broadcast_in_dim3A_304 : vector<16xi32>
        %gather3A_308 = tpu.vector_load_idx %arg7[%add3A_307] : memref<512xf32, #tpu.memory_space<vmem>>[vector<16xi32>], vector<16xf32>,
        %mul3A_309 = arith.mulf %gather3A_306, %gather3A_308 : vector<16xf32>
        %add3A_310 = arith.addf %add3A_302, %mul3A_309 : vector<16xf32>
        %broadcast_in_dim3A_311 = arith.constant 29 : i32
        %broadcast_in_dim3A_312 = vector.broadcast %broadcast_in_dim3A_311 : i32 to vector<16xi32>
        %add3A_313 = arith.addi %mul3A_73, %broadcast_in_dim3A_312 : vector<16xi32>
        %gather3A_314 = tpu.vector_load_idx %arg9[%add3A_313] : memref<51200xf32, #tpu.memory_space<vmem>>[vector<16xi32>], vector<16xf32>,
        %add3A_315 = arith.addi %mul3A_80, %broadcast_in_dim3A_312 : vector<16xi32>
        %gather3A_316 = tpu.vector_load_idx %arg7[%add3A_315] : memref<512xf32, #tpu.memory_space<vmem>>[vector<16xi32>], vector<16xf32>,
        %mul3A_317 = arith.mulf %gather3A_314, %gather3A_316 : vector<16xf32>
        %add3A_318 = arith.addf %add3A_310, %mul3A_317 : vector<16xf32>
        %broadcast_in_dim3A_319 = arith.constant 30 : i32
        %broadcast_in_dim3A_320 = vector.broadcast %broadcast_in_dim3A_319 : i32 to vector<16xi32>
        %add3A_321 = arith.addi %mul3A_73, %broadcast_in_dim3A_320 : vector<16xi32>
        %gather3A_322 = tpu.vector_load_idx %arg9[%add3A_321] : memref<51200xf32, #tpu.memory_space<vmem>>[vector<16xi32>], vector<16xf32>,
        %add3A_323 = arith.addi %mul3A_80, %broadcast_in_dim3A_320 : vector<16xi32>
        %gather3A_324 = tpu.vector_load_idx %arg7[%add3A_323] : memref<512xf32, #tpu.memory_space<vmem>>[vector<16xi32>], vector<16xf32>,
        %mul3A_325 = arith.mulf %gather3A_322, %gather3A_324 : vector<16xf32>
        %add3A_326 = arith.addf %add3A_318, %mul3A_325 : vector<16xf32>
        %broadcast_in_dim3A_327 = arith.constant 31 : i32
        %broadcast_in_dim3A_328 = vector.broadcast %broadcast_in_dim3A_327 : i32 to vector<16xi32>
        %add3A_329 = arith.addi %mul3A_73, %broadcast_in_dim3A_328 : vector<16xi32>
        %gather3A_330 = tpu.vector_load_idx %arg9[%add3A_329] : memref<51200xf32, #tpu.memory_space<vmem>>[vector<16xi32>], vector<16xf32>,
        %add3A_331 = arith.addi %mul3A_80, %broadcast_in_dim3A_328 : vector<16xi32>
        %gather3A_332 = tpu.vector_load_idx %arg7[%add3A_331] : memref<512xf32, #tpu.memory_space<vmem>>[vector<16xi32>], vector<16xf32>,
        %mul3A_333 = arith.mulf %gather3A_330, %gather3A_332 : vector<16xf32>
        %add3A_334 = arith.addf %add3A_326, %mul3A_333 : vector<16xf32>
        %broadcast_in_dim3A_335 = arith.constant 32 : i32
        %broadcast_in_dim3A_336 = vector.broadcast %broadcast_in_dim3A_335 : i32 to vector<16xi32>
        %add3A_337 = arith.addi %mul3A_73, %broadcast_in_dim3A_336 : vector<16xi32>
        %gather3A_338 = tpu.vector_load_idx %arg9[%add3A_337] : memref<51200xf32, #tpu.memory_space<vmem>>[vector<16xi32>], vector<16xf32>,
        %add3A_339 = arith.addi %mul3A_80, %broadcast_in_dim3A_336 : vector<16xi32>
        %gather3A_340 = tpu.vector_load_idx %arg7[%add3A_339] : memref<512xf32, #tpu.memory_space<vmem>>[vector<16xi32>], vector<16xf32>,
        %mul3A_341 = arith.mulf %gather3A_338, %gather3A_340 : vector<16xf32>
        %add3A_342 = arith.addf %add3A_334, %mul3A_341 : vector<16xf32>
        %broadcast_in_dim3A_343 = arith.constant 33 : i32
        %broadcast_in_dim3A_344 = vector.broadcast %broadcast_in_dim3A_343 : i32 to vector<16xi32>
        %add3A_345 = arith.addi %mul3A_73, %broadcast_in_dim3A_344 : vector<16xi32>
        %gather3A_346 = tpu.vector_load_idx %arg9[%add3A_345] : memref<51200xf32, #tpu.memory_space<vmem>>[vector<16xi32>], vector<16xf32>,
        %add3A_347 = arith.addi %mul3A_80, %broadcast_in_dim3A_344 : vector<16xi32>
        %gather3A_348 = tpu.vector_load_idx %arg7[%add3A_347] : memref<512xf32, #tpu.memory_space<vmem>>[vector<16xi32>], vector<16xf32>,
        %mul3A_349 = arith.mulf %gather3A_346, %gather3A_348 : vector<16xf32>
        %add3A_350 = arith.addf %add3A_342, %mul3A_349 : vector<16xf32>
        %broadcast_in_dim3A_351 = arith.constant 34 : i32
        %broadcast_in_dim3A_352 = vector.broadcast %broadcast_in_dim3A_351 : i32 to vector<16xi32>
        %add3A_353 = arith.addi %mul3A_73, %broadcast_in_dim3A_352 : vector<16xi32>
        %gather3A_354 = tpu.vector_load_idx %arg9[%add3A_353] : memref<51200xf32, #tpu.memory_space<vmem>>[vector<16xi32>], vector<16xf32>,
        %add3A_355 = arith.addi %mul3A_80, %broadcast_in_dim3A_352 : vector<16xi32>
        %gather3A_356 = tpu.vector_load_idx %arg7[%add3A_355] : memref<512xf32, #tpu.memory_space<vmem>>[vector<16xi32>], vector<16xf32>,
        %mul3A_357 = arith.mulf %gather3A_354, %gather3A_356 : vector<16xf32>
        %add3A_358 = arith.addf %add3A_350, %mul3A_357 : vector<16xf32>
        %broadcast_in_dim3A_359 = arith.constant 35 : i32
        %broadcast_in_dim3A_360 = vector.broadcast %broadcast_in_dim3A_359 : i32 to vector<16xi32>
        %add3A_361 = arith.addi %mul3A_73, %broadcast_in_dim3A_360 : vector<16xi32>
        %gather3A_362 = tpu.vector_load_idx %arg9[%add3A_361] : memref<51200xf32, #tpu.memory_space<vmem>>[vector<16xi32>], vector<16xf32>,
        %add3A_363 = arith.addi %mul3A_80, %broadcast_in_dim3A_360 : vector<16xi32>
        %gather3A_364 = tpu.vector_load_idx %arg7[%add3A_363] : memref<512xf32, #tpu.memory_space<vmem>>[vector<16xi32>], vector<16xf32>,
        %mul3A_365 = arith.mulf %gather3A_362, %gather3A_364 : vector<16xf32>
        %add3A_366 = arith.addf %add3A_358, %mul3A_365 : vector<16xf32>
        %broadcast_in_dim3A_367 = arith.constant 36 : i32
        %broadcast_in_dim3A_368 = vector.broadcast %broadcast_in_dim3A_367 : i32 to vector<16xi32>
        %add3A_369 = arith.addi %mul3A_73, %broadcast_in_dim3A_368 : vector<16xi32>
        %gather3A_370 = tpu.vector_load_idx %arg9[%add3A_369] : memref<51200xf32, #tpu.memory_space<vmem>>[vector<16xi32>], vector<16xf32>,
        %add3A_371 = arith.addi %mul3A_80, %broadcast_in_dim3A_368 : vector<16xi32>
        %gather3A_372 = tpu.vector_load_idx %arg7[%add3A_371] : memref<512xf32, #tpu.memory_space<vmem>>[vector<16xi32>], vector<16xf32>,
        %mul3A_373 = arith.mulf %gather3A_370, %gather3A_372 : vector<16xf32>
        %add3A_374 = arith.addf %add3A_366, %mul3A_373 : vector<16xf32>
        %broadcast_in_dim3A_375 = arith.constant 37 : i32
        %broadcast_in_dim3A_376 = vector.broadcast %broadcast_in_dim3A_375 : i32 to vector<16xi32>
        %add3A_377 = arith.addi %mul3A_73, %broadcast_in_dim3A_376 : vector<16xi32>
        %gather3A_378 = tpu.vector_load_idx %arg9[%add3A_377] : memref<51200xf32, #tpu.memory_space<vmem>>[vector<16xi32>], vector<16xf32>,
        %add3A_379 = arith.addi %mul3A_80, %broadcast_in_dim3A_376 : vector<16xi32>
        %gather3A_380 = tpu.vector_load_idx %arg7[%add3A_379] : memref<512xf32, #tpu.memory_space<vmem>>[vector<16xi32>], vector<16xf32>,
        %mul3A_381 = arith.mulf %gather3A_378, %gather3A_380 : vector<16xf32>
        %add3A_382 = arith.addf %add3A_374, %mul3A_381 : vector<16xf32>
        %broadcast_in_dim3A_383 = arith.constant 38 : i32
        %broadcast_in_dim3A_384 = vector.broadcast %broadcast_in_dim3A_383 : i32 to vector<16xi32>
        %add3A_385 = arith.addi %mul3A_73, %broadcast_in_dim3A_384 : vector<16xi32>
        %gather3A_386 = tpu.vector_load_idx %arg9[%add3A_385] : memref<51200xf32, #tpu.memory_space<vmem>>[vector<16xi32>], vector<16xf32>,
        %add3A_387 = arith.addi %mul3A_80, %broadcast_in_dim3A_384 : vector<16xi32>
        %gather3A_388 = tpu.vector_load_idx %arg7[%add3A_387] : memref<512xf32, #tpu.memory_space<vmem>>[vector<16xi32>], vector<16xf32>,
        %mul3A_389 = arith.mulf %gather3A_386, %gather3A_388 : vector<16xf32>
        %add3A_390 = arith.addf %add3A_382, %mul3A_389 : vector<16xf32>
        %broadcast_in_dim3A_391 = arith.constant 39 : i32
        %broadcast_in_dim3A_392 = vector.broadcast %broadcast_in_dim3A_391 : i32 to vector<16xi32>
        %add3A_393 = arith.addi %mul3A_73, %broadcast_in_dim3A_392 : vector<16xi32>
        %gather3A_394 = tpu.vector_load_idx %arg9[%add3A_393] : memref<51200xf32, #tpu.memory_space<vmem>>[vector<16xi32>], vector<16xf32>,
        %add3A_395 = arith.addi %mul3A_80, %broadcast_in_dim3A_392 : vector<16xi32>
        %gather3A_396 = tpu.vector_load_idx %arg7[%add3A_395] : memref<512xf32, #tpu.memory_space<vmem>>[vector<16xi32>], vector<16xf32>,
        %mul3A_397 = arith.mulf %gather3A_394, %gather3A_396 : vector<16xf32>
        %add3A_398 = arith.addf %add3A_390, %mul3A_397 : vector<16xf32>
        %broadcast_in_dim3A_399 = arith.constant 40 : i32
        %broadcast_in_dim3A_400 = vector.broadcast %broadcast_in_dim3A_399 : i32 to vector<16xi32>
        %add3A_401 = arith.addi %mul3A_73, %broadcast_in_dim3A_400 : vector<16xi32>
        %gather3A_402 = tpu.vector_load_idx %arg9[%add3A_401] : memref<51200xf32, #tpu.memory_space<vmem>>[vector<16xi32>], vector<16xf32>,
        %add3A_403 = arith.addi %mul3A_80, %broadcast_in_dim3A_400 : vector<16xi32>
        %gather3A_404 = tpu.vector_load_idx %arg7[%add3A_403] : memref<512xf32, #tpu.memory_space<vmem>>[vector<16xi32>], vector<16xf32>,
        %mul3A_405 = arith.mulf %gather3A_402, %gather3A_404 : vector<16xf32>
        %add3A_406 = arith.addf %add3A_398, %mul3A_405 : vector<16xf32>
        %broadcast_in_dim3A_407 = arith.constant 41 : i32
        %broadcast_in_dim3A_408 = vector.broadcast %broadcast_in_dim3A_407 : i32 to vector<16xi32>
        %add3A_409 = arith.addi %mul3A_73, %broadcast_in_dim3A_408 : vector<16xi32>
        %gather3A_410 = tpu.vector_load_idx %arg9[%add3A_409] : memref<51200xf32, #tpu.memory_space<vmem>>[vector<16xi32>], vector<16xf32>,
        %add3A_411 = arith.addi %mul3A_80, %broadcast_in_dim3A_408 : vector<16xi32>
        %gather3A_412 = tpu.vector_load_idx %arg7[%add3A_411] : memref<512xf32, #tpu.memory_space<vmem>>[vector<16xi32>], vector<16xf32>,
        %mul3A_413 = arith.mulf %gather3A_410, %gather3A_412 : vector<16xf32>
        %add3A_414 = arith.addf %add3A_406, %mul3A_413 : vector<16xf32>
        %broadcast_in_dim3A_415 = arith.constant 42 : i32
        %broadcast_in_dim3A_416 = vector.broadcast %broadcast_in_dim3A_415 : i32 to vector<16xi32>
        %add3A_417 = arith.addi %mul3A_73, %broadcast_in_dim3A_416 : vector<16xi32>
        %gather3A_418 = tpu.vector_load_idx %arg9[%add3A_417] : memref<51200xf32, #tpu.memory_space<vmem>>[vector<16xi32>], vector<16xf32>,
        %add3A_419 = arith.addi %mul3A_80, %broadcast_in_dim3A_416 : vector<16xi32>
        %gather3A_420 = tpu.vector_load_idx %arg7[%add3A_419] : memref<512xf32, #tpu.memory_space<vmem>>[vector<16xi32>], vector<16xf32>,
        %mul3A_421 = arith.mulf %gather3A_418, %gather3A_420 : vector<16xf32>
        %add3A_422 = arith.addf %add3A_414, %mul3A_421 : vector<16xf32>
        %broadcast_in_dim3A_423 = arith.constant 43 : i32
        %broadcast_in_dim3A_424 = vector.broadcast %broadcast_in_dim3A_423 : i32 to vector<16xi32>
        %add3A_425 = arith.addi %mul3A_73, %broadcast_in_dim3A_424 : vector<16xi32>
        %gather3A_426 = tpu.vector_load_idx %arg9[%add3A_425] : memref<51200xf32, #tpu.memory_space<vmem>>[vector<16xi32>], vector<16xf32>,
        %add3A_427 = arith.addi %mul3A_80, %broadcast_in_dim3A_424 : vector<16xi32>
        %gather3A_428 = tpu.vector_load_idx %arg7[%add3A_427] : memref<512xf32, #tpu.memory_space<vmem>>[vector<16xi32>], vector<16xf32>,
        %mul3A_429 = arith.mulf %gather3A_426, %gather3A_428 : vector<16xf32>
        %add3A_430 = arith.addf %add3A_422, %mul3A_429 : vector<16xf32>
        %broadcast_in_dim3A_431 = arith.constant 44 : i32
        %broadcast_in_dim3A_432 = vector.broadcast %broadcast_in_dim3A_431 : i32 to vector<16xi32>
        %add3A_433 = arith.addi %mul3A_73, %broadcast_in_dim3A_432 : vector<16xi32>
        %gather3A_434 = tpu.vector_load_idx %arg9[%add3A_433] : memref<51200xf32, #tpu.memory_space<vmem>>[vector<16xi32>], vector<16xf32>,
        %add3A_435 = arith.addi %mul3A_80, %broadcast_in_dim3A_432 : vector<16xi32>
        %gather3A_436 = tpu.vector_load_idx %arg7[%add3A_435] : memref<512xf32, #tpu.memory_space<vmem>>[vector<16xi32>], vector<16xf32>,
        %mul3A_437 = arith.mulf %gather3A_434, %gather3A_436 : vector<16xf32>
        %add3A_438 = arith.addf %add3A_430, %mul3A_437 : vector<16xf32>
        %broadcast_in_dim3A_439 = arith.constant 45 : i32
        %broadcast_in_dim3A_440 = vector.broadcast %broadcast_in_dim3A_439 : i32 to vector<16xi32>
        %add3A_441 = arith.addi %mul3A_73, %broadcast_in_dim3A_440 : vector<16xi32>
        %gather3A_442 = tpu.vector_load_idx %arg9[%add3A_441] : memref<51200xf32, #tpu.memory_space<vmem>>[vector<16xi32>], vector<16xf32>,
        %add3A_443 = arith.addi %mul3A_80, %broadcast_in_dim3A_440 : vector<16xi32>
        %gather3A_444 = tpu.vector_load_idx %arg7[%add3A_443] : memref<512xf32, #tpu.memory_space<vmem>>[vector<16xi32>], vector<16xf32>,
        %mul3A_445 = arith.mulf %gather3A_442, %gather3A_444 : vector<16xf32>
        %add3A_446 = arith.addf %add3A_438, %mul3A_445 : vector<16xf32>
        %broadcast_in_dim3A_447 = arith.constant 46 : i32
        %broadcast_in_dim3A_448 = vector.broadcast %broadcast_in_dim3A_447 : i32 to vector<16xi32>
        %add3A_449 = arith.addi %mul3A_73, %broadcast_in_dim3A_448 : vector<16xi32>
        %gather3A_450 = tpu.vector_load_idx %arg9[%add3A_449] : memref<51200xf32, #tpu.memory_space<vmem>>[vector<16xi32>], vector<16xf32>,
        %add3A_451 = arith.addi %mul3A_80, %broadcast_in_dim3A_448 : vector<16xi32>
        %gather3A_452 = tpu.vector_load_idx %arg7[%add3A_451] : memref<512xf32, #tpu.memory_space<vmem>>[vector<16xi32>], vector<16xf32>,
        %mul3A_453 = arith.mulf %gather3A_450, %gather3A_452 : vector<16xf32>
        %add3A_454 = arith.addf %add3A_446, %mul3A_453 : vector<16xf32>
        %broadcast_in_dim3A_455 = arith.constant 47 : i32
        %broadcast_in_dim3A_456 = vector.broadcast %broadcast_in_dim3A_455 : i32 to vector<16xi32>
        %add3A_457 = arith.addi %mul3A_73, %broadcast_in_dim3A_456 : vector<16xi32>
        %gather3A_458 = tpu.vector_load_idx %arg9[%add3A_457] : memref<51200xf32, #tpu.memory_space<vmem>>[vector<16xi32>], vector<16xf32>,
        %add3A_459 = arith.addi %mul3A_80, %broadcast_in_dim3A_456 : vector<16xi32>
        %gather3A_460 = tpu.vector_load_idx %arg7[%add3A_459] : memref<512xf32, #tpu.memory_space<vmem>>[vector<16xi32>], vector<16xf32>,
        %mul3A_461 = arith.mulf %gather3A_458, %gather3A_460 : vector<16xf32>
        %add3A_462 = arith.addf %add3A_454, %mul3A_461 : vector<16xf32>
        %broadcast_in_dim3A_463 = arith.constant 48 : i32
        %broadcast_in_dim3A_464 = vector.broadcast %broadcast_in_dim3A_463 : i32 to vector<16xi32>
        %add3A_465 = arith.addi %mul3A_73, %broadcast_in_dim3A_464 : vector<16xi32>
        %gather3A_466 = tpu.vector_load_idx %arg9[%add3A_465] : memref<51200xf32, #tpu.memory_space<vmem>>[vector<16xi32>], vector<16xf32>,
        %add3A_467 = arith.addi %mul3A_80, %broadcast_in_dim3A_464 : vector<16xi32>
        %gather3A_468 = tpu.vector_load_idx %arg7[%add3A_467] : memref<512xf32, #tpu.memory_space<vmem>>[vector<16xi32>], vector<16xf32>,
        %mul3A_469 = arith.mulf %gather3A_466, %gather3A_468 : vector<16xf32>
        %add3A_470 = arith.addf %add3A_462, %mul3A_469 : vector<16xf32>
        %broadcast_in_dim3A_471 = arith.constant 49 : i32
        %broadcast_in_dim3A_472 = vector.broadcast %broadcast_in_dim3A_471 : i32 to vector<16xi32>
        %add3A_473 = arith.addi %mul3A_73, %broadcast_in_dim3A_472 : vector<16xi32>
        %gather3A_474 = tpu.vector_load_idx %arg9[%add3A_473] : memref<51200xf32, #tpu.memory_space<vmem>>[vector<16xi32>], vector<16xf32>,
        %add3A_475 = arith.addi %mul3A_80, %broadcast_in_dim3A_472 : vector<16xi32>
        %gather3A_476 = tpu.vector_load_idx %arg7[%add3A_475] : memref<512xf32, #tpu.memory_space<vmem>>[vector<16xi32>], vector<16xf32>,
        %mul3A_477 = arith.mulf %gather3A_474, %gather3A_476 : vector<16xf32>
        %add3A_478 = arith.addf %add3A_470, %mul3A_477 : vector<16xf32>
        %broadcast_in_dim3A_479 = arith.constant 50 : i32
        %broadcast_in_dim3A_480 = vector.broadcast %broadcast_in_dim3A_479 : i32 to vector<16xi32>
        %add3A_481 = arith.addi %mul3A_73, %broadcast_in_dim3A_480 : vector<16xi32>
        %gather3A_482 = tpu.vector_load_idx %arg9[%add3A_481] : memref<51200xf32, #tpu.memory_space<vmem>>[vector<16xi32>], vector<16xf32>,
        %add3A_483 = arith.addi %mul3A_80, %broadcast_in_dim3A_480 : vector<16xi32>
        %gather3A_484 = tpu.vector_load_idx %arg7[%add3A_483] : memref<512xf32, #tpu.memory_space<vmem>>[vector<16xi32>], vector<16xf32>,
        %mul3A_485 = arith.mulf %gather3A_482, %gather3A_484 : vector<16xf32>
        %add3A_486 = arith.addf %add3A_478, %mul3A_485 : vector<16xf32>
        %broadcast_in_dim3A_487 = arith.constant 51 : i32
        %broadcast_in_dim3A_488 = vector.broadcast %broadcast_in_dim3A_487 : i32 to vector<16xi32>
        %add3A_489 = arith.addi %mul3A_73, %broadcast_in_dim3A_488 : vector<16xi32>
        %gather3A_490 = tpu.vector_load_idx %arg9[%add3A_489] : memref<51200xf32, #tpu.memory_space<vmem>>[vector<16xi32>], vector<16xf32>,
        %add3A_491 = arith.addi %mul3A_80, %broadcast_in_dim3A_488 : vector<16xi32>
        %gather3A_492 = tpu.vector_load_idx %arg7[%add3A_491] : memref<512xf32, #tpu.memory_space<vmem>>[vector<16xi32>], vector<16xf32>,
        %mul3A_493 = arith.mulf %gather3A_490, %gather3A_492 : vector<16xf32>
        %add3A_494 = arith.addf %add3A_486, %mul3A_493 : vector<16xf32>
        %broadcast_in_dim3A_495 = arith.constant 52 : i32
        %broadcast_in_dim3A_496 = vector.broadcast %broadcast_in_dim3A_495 : i32 to vector<16xi32>
        %add3A_497 = arith.addi %mul3A_73, %broadcast_in_dim3A_496 : vector<16xi32>
        %gather3A_498 = tpu.vector_load_idx %arg9[%add3A_497] : memref<51200xf32, #tpu.memory_space<vmem>>[vector<16xi32>], vector<16xf32>,
        %add3A_499 = arith.addi %mul3A_80, %broadcast_in_dim3A_496 : vector<16xi32>
        %gather3A_500 = tpu.vector_load_idx %arg7[%add3A_499] : memref<512xf32, #tpu.memory_space<vmem>>[vector<16xi32>], vector<16xf32>,
        %mul3A_501 = arith.mulf %gather3A_498, %gather3A_500 : vector<16xf32>
        %add3A_502 = arith.addf %add3A_494, %mul3A_501 : vector<16xf32>
        %broadcast_in_dim3A_503 = arith.constant 53 : i32
        %broadcast_in_dim3A_504 = vector.broadcast %broadcast_in_dim3A_503 : i32 to vector<16xi32>
        %add3A_505 = arith.addi %mul3A_73, %broadcast_in_dim3A_504 : vector<16xi32>
        %gather3A_506 = tpu.vector_load_idx %arg9[%add3A_505] : memref<51200xf32, #tpu.memory_space<vmem>>[vector<16xi32>], vector<16xf32>,
        %add3A_507 = arith.addi %mul3A_80, %broadcast_in_dim3A_504 : vector<16xi32>
        %gather3A_508 = tpu.vector_load_idx %arg7[%add3A_507] : memref<512xf32, #tpu.memory_space<vmem>>[vector<16xi32>], vector<16xf32>,
        %mul3A_509 = arith.mulf %gather3A_506, %gather3A_508 : vector<16xf32>
        %add3A_510 = arith.addf %add3A_502, %mul3A_509 : vector<16xf32>
        %broadcast_in_dim3A_511 = arith.constant 54 : i32
        %broadcast_in_dim3A_512 = vector.broadcast %broadcast_in_dim3A_511 : i32 to vector<16xi32>
        %add3A_513 = arith.addi %mul3A_73, %broadcast_in_dim3A_512 : vector<16xi32>
        %gather3A_514 = tpu.vector_load_idx %arg9[%add3A_513] : memref<51200xf32, #tpu.memory_space<vmem>>[vector<16xi32>], vector<16xf32>,
        %add3A_515 = arith.addi %mul3A_80, %broadcast_in_dim3A_512 : vector<16xi32>
        %gather3A_516 = tpu.vector_load_idx %arg7[%add3A_515] : memref<512xf32, #tpu.memory_space<vmem>>[vector<16xi32>], vector<16xf32>,
        %mul3A_517 = arith.mulf %gather3A_514, %gather3A_516 : vector<16xf32>
        %add3A_518 = arith.addf %add3A_510, %mul3A_517 : vector<16xf32>
        %broadcast_in_dim3A_519 = arith.constant 55 : i32
        %broadcast_in_dim3A_520 = vector.broadcast %broadcast_in_dim3A_519 : i32 to vector<16xi32>
        %add3A_521 = arith.addi %mul3A_73, %broadcast_in_dim3A_520 : vector<16xi32>
        %gather3A_522 = tpu.vector_load_idx %arg9[%add3A_521] : memref<51200xf32, #tpu.memory_space<vmem>>[vector<16xi32>], vector<16xf32>,
        %add3A_523 = arith.addi %mul3A_80, %broadcast_in_dim3A_520 : vector<16xi32>
        %gather3A_524 = tpu.vector_load_idx %arg7[%add3A_523] : memref<512xf32, #tpu.memory_space<vmem>>[vector<16xi32>], vector<16xf32>,
        %mul3A_525 = arith.mulf %gather3A_522, %gather3A_524 : vector<16xf32>
        %add3A_526 = arith.addf %add3A_518, %mul3A_525 : vector<16xf32>
        %broadcast_in_dim3A_527 = arith.constant 56 : i32
        %broadcast_in_dim3A_528 = vector.broadcast %broadcast_in_dim3A_527 : i32 to vector<16xi32>
        %add3A_529 = arith.addi %mul3A_73, %broadcast_in_dim3A_528 : vector<16xi32>
        %gather3A_530 = tpu.vector_load_idx %arg9[%add3A_529] : memref<51200xf32, #tpu.memory_space<vmem>>[vector<16xi32>], vector<16xf32>,
        %add3A_531 = arith.addi %mul3A_80, %broadcast_in_dim3A_528 : vector<16xi32>
        %gather3A_532 = tpu.vector_load_idx %arg7[%add3A_531] : memref<512xf32, #tpu.memory_space<vmem>>[vector<16xi32>], vector<16xf32>,
        %mul3A_533 = arith.mulf %gather3A_530, %gather3A_532 : vector<16xf32>
        %add3A_534 = arith.addf %add3A_526, %mul3A_533 : vector<16xf32>
        %broadcast_in_dim3A_535 = arith.constant 57 : i32
        %broadcast_in_dim3A_536 = vector.broadcast %broadcast_in_dim3A_535 : i32 to vector<16xi32>
        %add3A_537 = arith.addi %mul3A_73, %broadcast_in_dim3A_536 : vector<16xi32>
        %gather3A_538 = tpu.vector_load_idx %arg9[%add3A_537] : memref<51200xf32, #tpu.memory_space<vmem>>[vector<16xi32>], vector<16xf32>,
        %add3A_539 = arith.addi %mul3A_80, %broadcast_in_dim3A_536 : vector<16xi32>
        %gather3A_540 = tpu.vector_load_idx %arg7[%add3A_539] : memref<512xf32, #tpu.memory_space<vmem>>[vector<16xi32>], vector<16xf32>,
        %mul3A_541 = arith.mulf %gather3A_538, %gather3A_540 : vector<16xf32>
        %add3A_542 = arith.addf %add3A_534, %mul3A_541 : vector<16xf32>
        %broadcast_in_dim3A_543 = arith.constant 58 : i32
        %broadcast_in_dim3A_544 = vector.broadcast %broadcast_in_dim3A_543 : i32 to vector<16xi32>
        %add3A_545 = arith.addi %mul3A_73, %broadcast_in_dim3A_544 : vector<16xi32>
        %gather3A_546 = tpu.vector_load_idx %arg9[%add3A_545] : memref<51200xf32, #tpu.memory_space<vmem>>[vector<16xi32>], vector<16xf32>,
        %add3A_547 = arith.addi %mul3A_80, %broadcast_in_dim3A_544 : vector<16xi32>
        %gather3A_548 = tpu.vector_load_idx %arg7[%add3A_547] : memref<512xf32, #tpu.memory_space<vmem>>[vector<16xi32>], vector<16xf32>,
        %mul3A_549 = arith.mulf %gather3A_546, %gather3A_548 : vector<16xf32>
        %add3A_550 = arith.addf %add3A_542, %mul3A_549 : vector<16xf32>
        %broadcast_in_dim3A_551 = arith.constant 59 : i32
        %broadcast_in_dim3A_552 = vector.broadcast %broadcast_in_dim3A_551 : i32 to vector<16xi32>
        %add3A_553 = arith.addi %mul3A_73, %broadcast_in_dim3A_552 : vector<16xi32>
        %gather3A_554 = tpu.vector_load_idx %arg9[%add3A_553] : memref<51200xf32, #tpu.memory_space<vmem>>[vector<16xi32>], vector<16xf32>,
        %add3A_555 = arith.addi %mul3A_80, %broadcast_in_dim3A_552 : vector<16xi32>
        %gather3A_556 = tpu.vector_load_idx %arg7[%add3A_555] : memref<512xf32, #tpu.memory_space<vmem>>[vector<16xi32>], vector<16xf32>,
        %mul3A_557 = arith.mulf %gather3A_554, %gather3A_556 : vector<16xf32>
        %add3A_558 = arith.addf %add3A_550, %mul3A_557 : vector<16xf32>
        %broadcast_in_dim3A_559 = arith.constant 60 : i32
        %broadcast_in_dim3A_560 = vector.broadcast %broadcast_in_dim3A_559 : i32 to vector<16xi32>
        %add3A_561 = arith.addi %mul3A_73, %broadcast_in_dim3A_560 : vector<16xi32>
        %gather3A_562 = tpu.vector_load_idx %arg9[%add3A_561] : memref<51200xf32, #tpu.memory_space<vmem>>[vector<16xi32>], vector<16xf32>,
        %add3A_563 = arith.addi %mul3A_80, %broadcast_in_dim3A_560 : vector<16xi32>
        %gather3A_564 = tpu.vector_load_idx %arg7[%add3A_563] : memref<512xf32, #tpu.memory_space<vmem>>[vector<16xi32>], vector<16xf32>,
        %mul3A_565 = arith.mulf %gather3A_562, %gather3A_564 : vector<16xf32>
        %add3A_566 = arith.addf %add3A_558, %mul3A_565 : vector<16xf32>
        %broadcast_in_dim3A_567 = arith.constant 61 : i32
        %broadcast_in_dim3A_568 = vector.broadcast %broadcast_in_dim3A_567 : i32 to vector<16xi32>
        %add3A_569 = arith.addi %mul3A_73, %broadcast_in_dim3A_568 : vector<16xi32>
        %gather3A_570 = tpu.vector_load_idx %arg9[%add3A_569] : memref<51200xf32, #tpu.memory_space<vmem>>[vector<16xi32>], vector<16xf32>,
        %add3A_571 = arith.addi %mul3A_80, %broadcast_in_dim3A_568 : vector<16xi32>
        %gather3A_572 = tpu.vector_load_idx %arg7[%add3A_571] : memref<512xf32, #tpu.memory_space<vmem>>[vector<16xi32>], vector<16xf32>,
        %mul3A_573 = arith.mulf %gather3A_570, %gather3A_572 : vector<16xf32>
        %add3A_574 = arith.addf %add3A_566, %mul3A_573 : vector<16xf32>
        %broadcast_in_dim3A_575 = arith.constant 62 : i32
        %broadcast_in_dim3A_576 = vector.broadcast %broadcast_in_dim3A_575 : i32 to vector<16xi32>
        %add3A_577 = arith.addi %mul3A_73, %broadcast_in_dim3A_576 : vector<16xi32>
        %gather3A_578 = tpu.vector_load_idx %arg9[%add3A_577] : memref<51200xf32, #tpu.memory_space<vmem>>[vector<16xi32>], vector<16xf32>,
        %add3A_579 = arith.addi %mul3A_80, %broadcast_in_dim3A_576 : vector<16xi32>
        %gather3A_580 = tpu.vector_load_idx %arg7[%add3A_579] : memref<512xf32, #tpu.memory_space<vmem>>[vector<16xi32>], vector<16xf32>,
        %mul3A_581 = arith.mulf %gather3A_578, %gather3A_580 : vector<16xf32>
        %add3A_582 = arith.addf %add3A_574, %mul3A_581 : vector<16xf32>
        %broadcast_in_dim3A_583 = arith.constant 63 : i32
        %broadcast_in_dim3A_584 = vector.broadcast %broadcast_in_dim3A_583 : i32 to vector<16xi32>
        %add3A_585 = arith.addi %mul3A_73, %broadcast_in_dim3A_584 : vector<16xi32>
        %gather3A_586 = tpu.vector_load_idx %arg9[%add3A_585] : memref<51200xf32, #tpu.memory_space<vmem>>[vector<16xi32>], vector<16xf32>,
        %add3A_587 = arith.addi %mul3A_80, %broadcast_in_dim3A_584 : vector<16xi32>
        %gather3A_588 = tpu.vector_load_idx %arg7[%add3A_587] : memref<512xf32, #tpu.memory_space<vmem>>[vector<16xi32>], vector<16xf32>,
        %mul3A_589 = arith.mulf %gather3A_586, %gather3A_588 : vector<16xf32>
        %add3A_590 = arith.addf %add3A_582, %mul3A_589 : vector<16xf32>
        %broadcast_in_dim3A_591 = arith.constant 64 : i32
        %broadcast_in_dim3A_592 = vector.broadcast %broadcast_in_dim3A_591 : i32 to vector<16xi32>
        %add3A_593 = arith.addi %mul3A_73, %broadcast_in_dim3A_592 : vector<16xi32>
        %gather3A_594 = tpu.vector_load_idx %arg9[%add3A_593] : memref<51200xf32, #tpu.memory_space<vmem>>[vector<16xi32>], vector<16xf32>,
        %add3A_595 = arith.addi %mul3A_80, %broadcast_in_dim3A_592 : vector<16xi32>
        %gather3A_596 = tpu.vector_load_idx %arg7[%add3A_595] : memref<512xf32, #tpu.memory_space<vmem>>[vector<16xi32>], vector<16xf32>,
        %mul3A_597 = arith.mulf %gather3A_594, %gather3A_596 : vector<16xf32>
        %add3A_598 = arith.addf %add3A_590, %mul3A_597 : vector<16xf32>
        %broadcast_in_dim3A_599 = arith.constant 65 : i32
        %broadcast_in_dim3A_600 = vector.broadcast %broadcast_in_dim3A_599 : i32 to vector<16xi32>
        %add3A_601 = arith.addi %mul3A_73, %broadcast_in_dim3A_600 : vector<16xi32>
        %gather3A_602 = tpu.vector_load_idx %arg9[%add3A_601] : memref<51200xf32, #tpu.memory_space<vmem>>[vector<16xi32>], vector<16xf32>,
        %add3A_603 = arith.addi %mul3A_80, %broadcast_in_dim3A_600 : vector<16xi32>
        %gather3A_604 = tpu.vector_load_idx %arg7[%add3A_603] : memref<512xf32, #tpu.memory_space<vmem>>[vector<16xi32>], vector<16xf32>,
        %mul3A_605 = arith.mulf %gather3A_602, %gather3A_604 : vector<16xf32>
        %add3A_606 = arith.addf %add3A_598, %mul3A_605 : vector<16xf32>
        %broadcast_in_dim3A_607 = arith.constant 66 : i32
        %broadcast_in_dim3A_608 = vector.broadcast %broadcast_in_dim3A_607 : i32 to vector<16xi32>
        %add3A_609 = arith.addi %mul3A_73, %broadcast_in_dim3A_608 : vector<16xi32>
        %gather3A_610 = tpu.vector_load_idx %arg9[%add3A_609] : memref<51200xf32, #tpu.memory_space<vmem>>[vector<16xi32>], vector<16xf32>,
        %add3A_611 = arith.addi %mul3A_80, %broadcast_in_dim3A_608 : vector<16xi32>
        %gather3A_612 = tpu.vector_load_idx %arg7[%add3A_611] : memref<512xf32, #tpu.memory_space<vmem>>[vector<16xi32>], vector<16xf32>,
        %mul3A_613 = arith.mulf %gather3A_610, %gather3A_612 : vector<16xf32>
        %add3A_614 = arith.addf %add3A_606, %mul3A_613 : vector<16xf32>
        %broadcast_in_dim3A_615 = arith.constant 67 : i32
        %broadcast_in_dim3A_616 = vector.broadcast %broadcast_in_dim3A_615 : i32 to vector<16xi32>
        %add3A_617 = arith.addi %mul3A_73, %broadcast_in_dim3A_616 : vector<16xi32>
        %gather3A_618 = tpu.vector_load_idx %arg9[%add3A_617] : memref<51200xf32, #tpu.memory_space<vmem>>[vector<16xi32>], vector<16xf32>,
        %add3A_619 = arith.addi %mul3A_80, %broadcast_in_dim3A_616 : vector<16xi32>
        %gather3A_620 = tpu.vector_load_idx %arg7[%add3A_619] : memref<512xf32, #tpu.memory_space<vmem>>[vector<16xi32>], vector<16xf32>,
        %mul3A_621 = arith.mulf %gather3A_618, %gather3A_620 : vector<16xf32>
        %add3A_622 = arith.addf %add3A_614, %mul3A_621 : vector<16xf32>
        %broadcast_in_dim3A_623 = arith.constant 68 : i32
        %broadcast_in_dim3A_624 = vector.broadcast %broadcast_in_dim3A_623 : i32 to vector<16xi32>
        %add3A_625 = arith.addi %mul3A_73, %broadcast_in_dim3A_624 : vector<16xi32>
        %gather3A_626 = tpu.vector_load_idx %arg9[%add3A_625] : memref<51200xf32, #tpu.memory_space<vmem>>[vector<16xi32>], vector<16xf32>,
        %add3A_627 = arith.addi %mul3A_80, %broadcast_in_dim3A_624 : vector<16xi32>
        %gather3A_628 = tpu.vector_load_idx %arg7[%add3A_627] : memref<512xf32, #tpu.memory_space<vmem>>[vector<16xi32>], vector<16xf32>,
        %mul3A_629 = arith.mulf %gather3A_626, %gather3A_628 : vector<16xf32>
        %add3A_630 = arith.addf %add3A_622, %mul3A_629 : vector<16xf32>
        %broadcast_in_dim3A_631 = arith.constant 69 : i32
        %broadcast_in_dim3A_632 = vector.broadcast %broadcast_in_dim3A_631 : i32 to vector<16xi32>
        %add3A_633 = arith.addi %mul3A_73, %broadcast_in_dim3A_632 : vector<16xi32>
        %gather3A_634 = tpu.vector_load_idx %arg9[%add3A_633] : memref<51200xf32, #tpu.memory_space<vmem>>[vector<16xi32>], vector<16xf32>,
        %add3A_635 = arith.addi %mul3A_80, %broadcast_in_dim3A_632 : vector<16xi32>
        %gather3A_636 = tpu.vector_load_idx %arg7[%add3A_635] : memref<512xf32, #tpu.memory_space<vmem>>[vector<16xi32>], vector<16xf32>,
        %mul3A_637 = arith.mulf %gather3A_634, %gather3A_636 : vector<16xf32>
        %add3A_638 = arith.addf %add3A_630, %mul3A_637 : vector<16xf32>
        %broadcast_in_dim3A_639 = arith.constant 70 : i32
        %broadcast_in_dim3A_640 = vector.broadcast %broadcast_in_dim3A_639 : i32 to vector<16xi32>
        %add3A_641 = arith.addi %mul3A_73, %broadcast_in_dim3A_640 : vector<16xi32>
        %gather3A_642 = tpu.vector_load_idx %arg9[%add3A_641] : memref<51200xf32, #tpu.memory_space<vmem>>[vector<16xi32>], vector<16xf32>,
        %add3A_643 = arith.addi %mul3A_80, %broadcast_in_dim3A_640 : vector<16xi32>
        %gather3A_644 = tpu.vector_load_idx %arg7[%add3A_643] : memref<512xf32, #tpu.memory_space<vmem>>[vector<16xi32>], vector<16xf32>,
        %mul3A_645 = arith.mulf %gather3A_642, %gather3A_644 : vector<16xf32>
        %add3A_646 = arith.addf %add3A_638, %mul3A_645 : vector<16xf32>
        %broadcast_in_dim3A_647 = arith.constant 71 : i32
        %broadcast_in_dim3A_648 = vector.broadcast %broadcast_in_dim3A_647 : i32 to vector<16xi32>
        %add3A_649 = arith.addi %mul3A_73, %broadcast_in_dim3A_648 : vector<16xi32>
        %gather3A_650 = tpu.vector_load_idx %arg9[%add3A_649] : memref<51200xf32, #tpu.memory_space<vmem>>[vector<16xi32>], vector<16xf32>,
        %add3A_651 = arith.addi %mul3A_80, %broadcast_in_dim3A_648 : vector<16xi32>
        %gather3A_652 = tpu.vector_load_idx %arg7[%add3A_651] : memref<512xf32, #tpu.memory_space<vmem>>[vector<16xi32>], vector<16xf32>,
        %mul3A_653 = arith.mulf %gather3A_650, %gather3A_652 : vector<16xf32>
        %add3A_654 = arith.addf %add3A_646, %mul3A_653 : vector<16xf32>
        %broadcast_in_dim3A_655 = arith.constant 72 : i32
        %broadcast_in_dim3A_656 = vector.broadcast %broadcast_in_dim3A_655 : i32 to vector<16xi32>
        %add3A_657 = arith.addi %mul3A_73, %broadcast_in_dim3A_656 : vector<16xi32>
        %gather3A_658 = tpu.vector_load_idx %arg9[%add3A_657] : memref<51200xf32, #tpu.memory_space<vmem>>[vector<16xi32>], vector<16xf32>,
        %add3A_659 = arith.addi %mul3A_80, %broadcast_in_dim3A_656 : vector<16xi32>
        %gather3A_660 = tpu.vector_load_idx %arg7[%add3A_659] : memref<512xf32, #tpu.memory_space<vmem>>[vector<16xi32>], vector<16xf32>,
        %mul3A_661 = arith.mulf %gather3A_658, %gather3A_660 : vector<16xf32>
        %add3A_662 = arith.addf %add3A_654, %mul3A_661 : vector<16xf32>
        %broadcast_in_dim3A_663 = arith.constant 73 : i32
        %broadcast_in_dim3A_664 = vector.broadcast %broadcast_in_dim3A_663 : i32 to vector<16xi32>
        %add3A_665 = arith.addi %mul3A_73, %broadcast_in_dim3A_664 : vector<16xi32>
        %gather3A_666 = tpu.vector_load_idx %arg9[%add3A_665] : memref<51200xf32, #tpu.memory_space<vmem>>[vector<16xi32>], vector<16xf32>,
        %add3A_667 = arith.addi %mul3A_80, %broadcast_in_dim3A_664 : vector<16xi32>
        %gather3A_668 = tpu.vector_load_idx %arg7[%add3A_667] : memref<512xf32, #tpu.memory_space<vmem>>[vector<16xi32>], vector<16xf32>,
        %mul3A_669 = arith.mulf %gather3A_666, %gather3A_668 : vector<16xf32>
        %add3A_670 = arith.addf %add3A_662, %mul3A_669 : vector<16xf32>
        %broadcast_in_dim3A_671 = arith.constant 74 : i32
        %broadcast_in_dim3A_672 = vector.broadcast %broadcast_in_dim3A_671 : i32 to vector<16xi32>
        %add3A_673 = arith.addi %mul3A_73, %broadcast_in_dim3A_672 : vector<16xi32>
        %gather3A_674 = tpu.vector_load_idx %arg9[%add3A_673] : memref<51200xf32, #tpu.memory_space<vmem>>[vector<16xi32>], vector<16xf32>,
        %add3A_675 = arith.addi %mul3A_80, %broadcast_in_dim3A_672 : vector<16xi32>
        %gather3A_676 = tpu.vector_load_idx %arg7[%add3A_675] : memref<512xf32, #tpu.memory_space<vmem>>[vector<16xi32>], vector<16xf32>,
        %mul3A_677 = arith.mulf %gather3A_674, %gather3A_676 : vector<16xf32>
        %add3A_678 = arith.addf %add3A_670, %mul3A_677 : vector<16xf32>
        %broadcast_in_dim3A_679 = arith.constant 75 : i32
        %broadcast_in_dim3A_680 = vector.broadcast %broadcast_in_dim3A_679 : i32 to vector<16xi32>
        %add3A_681 = arith.addi %mul3A_73, %broadcast_in_dim3A_680 : vector<16xi32>
        %gather3A_682 = tpu.vector_load_idx %arg9[%add3A_681] : memref<51200xf32, #tpu.memory_space<vmem>>[vector<16xi32>], vector<16xf32>,
        %add3A_683 = arith.addi %mul3A_80, %broadcast_in_dim3A_680 : vector<16xi32>
        %gather3A_684 = tpu.vector_load_idx %arg7[%add3A_683] : memref<512xf32, #tpu.memory_space<vmem>>[vector<16xi32>], vector<16xf32>,
        %mul3A_685 = arith.mulf %gather3A_682, %gather3A_684 : vector<16xf32>
        %add3A_686 = arith.addf %add3A_678, %mul3A_685 : vector<16xf32>
        %broadcast_in_dim3A_687 = arith.constant 76 : i32
        %broadcast_in_dim3A_688 = vector.broadcast %broadcast_in_dim3A_687 : i32 to vector<16xi32>
        %add3A_689 = arith.addi %mul3A_73, %broadcast_in_dim3A_688 : vector<16xi32>
        %gather3A_690 = tpu.vector_load_idx %arg9[%add3A_689] : memref<51200xf32, #tpu.memory_space<vmem>>[vector<16xi32>], vector<16xf32>,
        %add3A_691 = arith.addi %mul3A_80, %broadcast_in_dim3A_688 : vector<16xi32>
        %gather3A_692 = tpu.vector_load_idx %arg7[%add3A_691] : memref<512xf32, #tpu.memory_space<vmem>>[vector<16xi32>], vector<16xf32>,
        %mul3A_693 = arith.mulf %gather3A_690, %gather3A_692 : vector<16xf32>
        %add3A_694 = arith.addf %add3A_686, %mul3A_693 : vector<16xf32>
        %broadcast_in_dim3A_695 = arith.constant 77 : i32
        %broadcast_in_dim3A_696 = vector.broadcast %broadcast_in_dim3A_695 : i32 to vector<16xi32>
        %add3A_697 = arith.addi %mul3A_73, %broadcast_in_dim3A_696 : vector<16xi32>
        %gather3A_698 = tpu.vector_load_idx %arg9[%add3A_697] : memref<51200xf32, #tpu.memory_space<vmem>>[vector<16xi32>], vector<16xf32>,
        %add3A_699 = arith.addi %mul3A_80, %broadcast_in_dim3A_696 : vector<16xi32>
        %gather3A_700 = tpu.vector_load_idx %arg7[%add3A_699] : memref<512xf32, #tpu.memory_space<vmem>>[vector<16xi32>], vector<16xf32>,
        %mul3A_701 = arith.mulf %gather3A_698, %gather3A_700 : vector<16xf32>
        %add3A_702 = arith.addf %add3A_694, %mul3A_701 : vector<16xf32>
        %broadcast_in_dim3A_703 = arith.constant 78 : i32
        %broadcast_in_dim3A_704 = vector.broadcast %broadcast_in_dim3A_703 : i32 to vector<16xi32>
        %add3A_705 = arith.addi %mul3A_73, %broadcast_in_dim3A_704 : vector<16xi32>
        %gather3A_706 = tpu.vector_load_idx %arg9[%add3A_705] : memref<51200xf32, #tpu.memory_space<vmem>>[vector<16xi32>], vector<16xf32>,
        %add3A_707 = arith.addi %mul3A_80, %broadcast_in_dim3A_704 : vector<16xi32>
        %gather3A_708 = tpu.vector_load_idx %arg7[%add3A_707] : memref<512xf32, #tpu.memory_space<vmem>>[vector<16xi32>], vector<16xf32>,
        %mul3A_709 = arith.mulf %gather3A_706, %gather3A_708 : vector<16xf32>
        %add3A_710 = arith.addf %add3A_702, %mul3A_709 : vector<16xf32>
        %broadcast_in_dim3A_711 = arith.constant 79 : i32
        %broadcast_in_dim3A_712 = vector.broadcast %broadcast_in_dim3A_711 : i32 to vector<16xi32>
        %add3A_713 = arith.addi %mul3A_73, %broadcast_in_dim3A_712 : vector<16xi32>
        %gather3A_714 = tpu.vector_load_idx %arg9[%add3A_713] : memref<51200xf32, #tpu.memory_space<vmem>>[vector<16xi32>], vector<16xf32>,
        %add3A_715 = arith.addi %mul3A_80, %broadcast_in_dim3A_712 : vector<16xi32>
        %gather3A_716 = tpu.vector_load_idx %arg7[%add3A_715] : memref<512xf32, #tpu.memory_space<vmem>>[vector<16xi32>], vector<16xf32>,
        %mul3A_717 = arith.mulf %gather3A_714, %gather3A_716 : vector<16xf32>
        %add3A_718 = arith.addf %add3A_710, %mul3A_717 : vector<16xf32>
        %broadcast_in_dim3A_719 = arith.constant 80 : i32
        %broadcast_in_dim3A_720 = vector.broadcast %broadcast_in_dim3A_719 : i32 to vector<16xi32>
        %add3A_721 = arith.addi %mul3A_73, %broadcast_in_dim3A_720 : vector<16xi32>
        %gather3A_722 = tpu.vector_load_idx %arg9[%add3A_721] : memref<51200xf32, #tpu.memory_space<vmem>>[vector<16xi32>], vector<16xf32>,
        %add3A_723 = arith.addi %mul3A_80, %broadcast_in_dim3A_720 : vector<16xi32>
        %gather3A_724 = tpu.vector_load_idx %arg7[%add3A_723] : memref<512xf32, #tpu.memory_space<vmem>>[vector<16xi32>], vector<16xf32>,
        %mul3A_725 = arith.mulf %gather3A_722, %gather3A_724 : vector<16xf32>
        %add3A_726 = arith.addf %add3A_718, %mul3A_725 : vector<16xf32>
        %broadcast_in_dim3A_727 = arith.constant 81 : i32
        %broadcast_in_dim3A_728 = vector.broadcast %broadcast_in_dim3A_727 : i32 to vector<16xi32>
        %add3A_729 = arith.addi %mul3A_73, %broadcast_in_dim3A_728 : vector<16xi32>
        %gather3A_730 = tpu.vector_load_idx %arg9[%add3A_729] : memref<51200xf32, #tpu.memory_space<vmem>>[vector<16xi32>], vector<16xf32>,
        %add3A_731 = arith.addi %mul3A_80, %broadcast_in_dim3A_728 : vector<16xi32>
        %gather3A_732 = tpu.vector_load_idx %arg7[%add3A_731] : memref<512xf32, #tpu.memory_space<vmem>>[vector<16xi32>], vector<16xf32>,
        %mul3A_733 = arith.mulf %gather3A_730, %gather3A_732 : vector<16xf32>
        %add3A_734 = arith.addf %add3A_726, %mul3A_733 : vector<16xf32>
        %broadcast_in_dim3A_735 = arith.constant 82 : i32
        %broadcast_in_dim3A_736 = vector.broadcast %broadcast_in_dim3A_735 : i32 to vector<16xi32>
        %add3A_737 = arith.addi %mul3A_73, %broadcast_in_dim3A_736 : vector<16xi32>
        %gather3A_738 = tpu.vector_load_idx %arg9[%add3A_737] : memref<51200xf32, #tpu.memory_space<vmem>>[vector<16xi32>], vector<16xf32>,
        %add3A_739 = arith.addi %mul3A_80, %broadcast_in_dim3A_736 : vector<16xi32>
        %gather3A_740 = tpu.vector_load_idx %arg7[%add3A_739] : memref<512xf32, #tpu.memory_space<vmem>>[vector<16xi32>], vector<16xf32>,
        %mul3A_741 = arith.mulf %gather3A_738, %gather3A_740 : vector<16xf32>
        %add3A_742 = arith.addf %add3A_734, %mul3A_741 : vector<16xf32>
        %broadcast_in_dim3A_743 = arith.constant 83 : i32
        %broadcast_in_dim3A_744 = vector.broadcast %broadcast_in_dim3A_743 : i32 to vector<16xi32>
        %add3A_745 = arith.addi %mul3A_73, %broadcast_in_dim3A_744 : vector<16xi32>
        %gather3A_746 = tpu.vector_load_idx %arg9[%add3A_745] : memref<51200xf32, #tpu.memory_space<vmem>>[vector<16xi32>], vector<16xf32>,
        %add3A_747 = arith.addi %mul3A_80, %broadcast_in_dim3A_744 : vector<16xi32>
        %gather3A_748 = tpu.vector_load_idx %arg7[%add3A_747] : memref<512xf32, #tpu.memory_space<vmem>>[vector<16xi32>], vector<16xf32>,
        %mul3A_749 = arith.mulf %gather3A_746, %gather3A_748 : vector<16xf32>
        %add3A_750 = arith.addf %add3A_742, %mul3A_749 : vector<16xf32>
        %broadcast_in_dim3A_751 = arith.constant 84 : i32
        %broadcast_in_dim3A_752 = vector.broadcast %broadcast_in_dim3A_751 : i32 to vector<16xi32>
        %add3A_753 = arith.addi %mul3A_73, %broadcast_in_dim3A_752 : vector<16xi32>
        %gather3A_754 = tpu.vector_load_idx %arg9[%add3A_753] : memref<51200xf32, #tpu.memory_space<vmem>>[vector<16xi32>], vector<16xf32>,
        %add3A_755 = arith.addi %mul3A_80, %broadcast_in_dim3A_752 : vector<16xi32>
        %gather3A_756 = tpu.vector_load_idx %arg7[%add3A_755] : memref<512xf32, #tpu.memory_space<vmem>>[vector<16xi32>], vector<16xf32>,
        %mul3A_757 = arith.mulf %gather3A_754, %gather3A_756 : vector<16xf32>
        %add3A_758 = arith.addf %add3A_750, %mul3A_757 : vector<16xf32>
        %broadcast_in_dim3A_759 = arith.constant 85 : i32
        %broadcast_in_dim3A_760 = vector.broadcast %broadcast_in_dim3A_759 : i32 to vector<16xi32>
        %add3A_761 = arith.addi %mul3A_73, %broadcast_in_dim3A_760 : vector<16xi32>
        %gather3A_762 = tpu.vector_load_idx %arg9[%add3A_761] : memref<51200xf32, #tpu.memory_space<vmem>>[vector<16xi32>], vector<16xf32>,
        %add3A_763 = arith.addi %mul3A_80, %broadcast_in_dim3A_760 : vector<16xi32>
        %gather3A_764 = tpu.vector_load_idx %arg7[%add3A_763] : memref<512xf32, #tpu.memory_space<vmem>>[vector<16xi32>], vector<16xf32>,
        %mul3A_765 = arith.mulf %gather3A_762, %gather3A_764 : vector<16xf32>
        %add3A_766 = arith.addf %add3A_758, %mul3A_765 : vector<16xf32>
        %broadcast_in_dim3A_767 = arith.constant 86 : i32
        %broadcast_in_dim3A_768 = vector.broadcast %broadcast_in_dim3A_767 : i32 to vector<16xi32>
        %add3A_769 = arith.addi %mul3A_73, %broadcast_in_dim3A_768 : vector<16xi32>
        %gather3A_770 = tpu.vector_load_idx %arg9[%add3A_769] : memref<51200xf32, #tpu.memory_space<vmem>>[vector<16xi32>], vector<16xf32>,
        %add3A_771 = arith.addi %mul3A_80, %broadcast_in_dim3A_768 : vector<16xi32>
        %gather3A_772 = tpu.vector_load_idx %arg7[%add3A_771] : memref<512xf32, #tpu.memory_space<vmem>>[vector<16xi32>], vector<16xf32>,
        %mul3A_773 = arith.mulf %gather3A_770, %gather3A_772 : vector<16xf32>
        %add3A_774 = arith.addf %add3A_766, %mul3A_773 : vector<16xf32>
        %broadcast_in_dim3A_775 = arith.constant 87 : i32
        %broadcast_in_dim3A_776 = vector.broadcast %broadcast_in_dim3A_775 : i32 to vector<16xi32>
        %add3A_777 = arith.addi %mul3A_73, %broadcast_in_dim3A_776 : vector<16xi32>
        %gather3A_778 = tpu.vector_load_idx %arg9[%add3A_777] : memref<51200xf32, #tpu.memory_space<vmem>>[vector<16xi32>], vector<16xf32>,
        %add3A_779 = arith.addi %mul3A_80, %broadcast_in_dim3A_776 : vector<16xi32>
        %gather3A_780 = tpu.vector_load_idx %arg7[%add3A_779] : memref<512xf32, #tpu.memory_space<vmem>>[vector<16xi32>], vector<16xf32>,
        %mul3A_781 = arith.mulf %gather3A_778, %gather3A_780 : vector<16xf32>
        %add3A_782 = arith.addf %add3A_774, %mul3A_781 : vector<16xf32>
        %broadcast_in_dim3A_783 = arith.constant 88 : i32
        %broadcast_in_dim3A_784 = vector.broadcast %broadcast_in_dim3A_783 : i32 to vector<16xi32>
        %add3A_785 = arith.addi %mul3A_73, %broadcast_in_dim3A_784 : vector<16xi32>
        %gather3A_786 = tpu.vector_load_idx %arg9[%add3A_785] : memref<51200xf32, #tpu.memory_space<vmem>>[vector<16xi32>], vector<16xf32>,
        %add3A_787 = arith.addi %mul3A_80, %broadcast_in_dim3A_784 : vector<16xi32>
        %gather3A_788 = tpu.vector_load_idx %arg7[%add3A_787] : memref<512xf32, #tpu.memory_space<vmem>>[vector<16xi32>], vector<16xf32>,
        %mul3A_789 = arith.mulf %gather3A_786, %gather3A_788 : vector<16xf32>
        %add3A_790 = arith.addf %add3A_782, %mul3A_789 : vector<16xf32>
        %broadcast_in_dim3A_791 = arith.constant 89 : i32
        %broadcast_in_dim3A_792 = vector.broadcast %broadcast_in_dim3A_791 : i32 to vector<16xi32>
        %add3A_793 = arith.addi %mul3A_73, %broadcast_in_dim3A_792 : vector<16xi32>
        %gather3A_794 = tpu.vector_load_idx %arg9[%add3A_793] : memref<51200xf32, #tpu.memory_space<vmem>>[vector<16xi32>], vector<16xf32>,
        %add3A_795 = arith.addi %mul3A_80, %broadcast_in_dim3A_792 : vector<16xi32>
        %gather3A_796 = tpu.vector_load_idx %arg7[%add3A_795] : memref<512xf32, #tpu.memory_space<vmem>>[vector<16xi32>], vector<16xf32>,
        %mul3A_797 = arith.mulf %gather3A_794, %gather3A_796 : vector<16xf32>
        %add3A_798 = arith.addf %add3A_790, %mul3A_797 : vector<16xf32>
        %broadcast_in_dim3A_799 = arith.constant 90 : i32
        %broadcast_in_dim3A_800 = vector.broadcast %broadcast_in_dim3A_799 : i32 to vector<16xi32>
        %add3A_801 = arith.addi %mul3A_73, %broadcast_in_dim3A_800 : vector<16xi32>
        %gather3A_802 = tpu.vector_load_idx %arg9[%add3A_801] : memref<51200xf32, #tpu.memory_space<vmem>>[vector<16xi32>], vector<16xf32>,
        %add3A_803 = arith.addi %mul3A_80, %broadcast_in_dim3A_800 : vector<16xi32>
        %gather3A_804 = tpu.vector_load_idx %arg7[%add3A_803] : memref<512xf32, #tpu.memory_space<vmem>>[vector<16xi32>], vector<16xf32>,
        %mul3A_805 = arith.mulf %gather3A_802, %gather3A_804 : vector<16xf32>
        %add3A_806 = arith.addf %add3A_798, %mul3A_805 : vector<16xf32>
        %broadcast_in_dim3A_807 = arith.constant 91 : i32
        %broadcast_in_dim3A_808 = vector.broadcast %broadcast_in_dim3A_807 : i32 to vector<16xi32>
        %add3A_809 = arith.addi %mul3A_73, %broadcast_in_dim3A_808 : vector<16xi32>
        %gather3A_810 = tpu.vector_load_idx %arg9[%add3A_809] : memref<51200xf32, #tpu.memory_space<vmem>>[vector<16xi32>], vector<16xf32>,
        %add3A_811 = arith.addi %mul3A_80, %broadcast_in_dim3A_808 : vector<16xi32>
        %gather3A_812 = tpu.vector_load_idx %arg7[%add3A_811] : memref<512xf32, #tpu.memory_space<vmem>>[vector<16xi32>], vector<16xf32>,
        %mul3A_813 = arith.mulf %gather3A_810, %gather3A_812 : vector<16xf32>
        %add3A_814 = arith.addf %add3A_806, %mul3A_813 : vector<16xf32>
        %broadcast_in_dim3A_815 = arith.constant 92 : i32
        %broadcast_in_dim3A_816 = vector.broadcast %broadcast_in_dim3A_815 : i32 to vector<16xi32>
        %add3A_817 = arith.addi %mul3A_73, %broadcast_in_dim3A_816 : vector<16xi32>
        %gather3A_818 = tpu.vector_load_idx %arg9[%add3A_817] : memref<51200xf32, #tpu.memory_space<vmem>>[vector<16xi32>], vector<16xf32>,
        %add3A_819 = arith.addi %mul3A_80, %broadcast_in_dim3A_816 : vector<16xi32>
        %gather3A_820 = tpu.vector_load_idx %arg7[%add3A_819] : memref<512xf32, #tpu.memory_space<vmem>>[vector<16xi32>], vector<16xf32>,
        %mul3A_821 = arith.mulf %gather3A_818, %gather3A_820 : vector<16xf32>
        %add3A_822 = arith.addf %add3A_814, %mul3A_821 : vector<16xf32>
        %broadcast_in_dim3A_823 = arith.constant 93 : i32
        %broadcast_in_dim3A_824 = vector.broadcast %broadcast_in_dim3A_823 : i32 to vector<16xi32>
        %add3A_825 = arith.addi %mul3A_73, %broadcast_in_dim3A_824 : vector<16xi32>
        %gather3A_826 = tpu.vector_load_idx %arg9[%add3A_825] : memref<51200xf32, #tpu.memory_space<vmem>>[vector<16xi32>], vector<16xf32>,
        %add3A_827 = arith.addi %mul3A_80, %broadcast_in_dim3A_824 : vector<16xi32>
        %gather3A_828 = tpu.vector_load_idx %arg7[%add3A_827] : memref<512xf32, #tpu.memory_space<vmem>>[vector<16xi32>], vector<16xf32>,
        %mul3A_829 = arith.mulf %gather3A_826, %gather3A_828 : vector<16xf32>
        %add3A_830 = arith.addf %add3A_822, %mul3A_829 : vector<16xf32>
        %broadcast_in_dim3A_831 = arith.constant 94 : i32
        %broadcast_in_dim3A_832 = vector.broadcast %broadcast_in_dim3A_831 : i32 to vector<16xi32>
        %add3A_833 = arith.addi %mul3A_73, %broadcast_in_dim3A_832 : vector<16xi32>
        %gather3A_834 = tpu.vector_load_idx %arg9[%add3A_833] : memref<51200xf32, #tpu.memory_space<vmem>>[vector<16xi32>], vector<16xf32>,
        %add3A_835 = arith.addi %mul3A_80, %broadcast_in_dim3A_832 : vector<16xi32>
        %gather3A_836 = tpu.vector_load_idx %arg7[%add3A_835] : memref<512xf32, #tpu.memory_space<vmem>>[vector<16xi32>], vector<16xf32>,
        %mul3A_837 = arith.mulf %gather3A_834, %gather3A_836 : vector<16xf32>
        %add3A_838 = arith.addf %add3A_830, %mul3A_837 : vector<16xf32>
        %broadcast_in_dim3A_839 = arith.constant 95 : i32
        %broadcast_in_dim3A_840 = vector.broadcast %broadcast_in_dim3A_839 : i32 to vector<16xi32>
        %add3A_841 = arith.addi %mul3A_73, %broadcast_in_dim3A_840 : vector<16xi32>
        %gather3A_842 = tpu.vector_load_idx %arg9[%add3A_841] : memref<51200xf32, #tpu.memory_space<vmem>>[vector<16xi32>], vector<16xf32>,
        %add3A_843 = arith.addi %mul3A_80, %broadcast_in_dim3A_840 : vector<16xi32>
        %gather3A_844 = tpu.vector_load_idx %arg7[%add3A_843] : memref<512xf32, #tpu.memory_space<vmem>>[vector<16xi32>], vector<16xf32>,
        %mul3A_845 = arith.mulf %gather3A_842, %gather3A_844 : vector<16xf32>
        %add3A_846 = arith.addf %add3A_838, %mul3A_845 : vector<16xf32>
        %broadcast_in_dim3A_847 = arith.constant 96 : i32
        %broadcast_in_dim3A_848 = vector.broadcast %broadcast_in_dim3A_847 : i32 to vector<16xi32>
        %add3A_849 = arith.addi %mul3A_73, %broadcast_in_dim3A_848 : vector<16xi32>
        %gather3A_850 = tpu.vector_load_idx %arg9[%add3A_849] : memref<51200xf32, #tpu.memory_space<vmem>>[vector<16xi32>], vector<16xf32>,
        %add3A_851 = arith.addi %mul3A_80, %broadcast_in_dim3A_848 : vector<16xi32>
        %gather3A_852 = tpu.vector_load_idx %arg7[%add3A_851] : memref<512xf32, #tpu.memory_space<vmem>>[vector<16xi32>], vector<16xf32>,
        %mul3A_853 = arith.mulf %gather3A_850, %gather3A_852 : vector<16xf32>
        %add3A_854 = arith.addf %add3A_846, %mul3A_853 : vector<16xf32>
        %broadcast_in_dim3A_855 = arith.constant 97 : i32
        %broadcast_in_dim3A_856 = vector.broadcast %broadcast_in_dim3A_855 : i32 to vector<16xi32>
        %add3A_857 = arith.addi %mul3A_73, %broadcast_in_dim3A_856 : vector<16xi32>
        %gather3A_858 = tpu.vector_load_idx %arg9[%add3A_857] : memref<51200xf32, #tpu.memory_space<vmem>>[vector<16xi32>], vector<16xf32>,
        %add3A_859 = arith.addi %mul3A_80, %broadcast_in_dim3A_856 : vector<16xi32>
        %gather3A_860 = tpu.vector_load_idx %arg7[%add3A_859] : memref<512xf32, #tpu.memory_space<vmem>>[vector<16xi32>], vector<16xf32>,
        %mul3A_861 = arith.mulf %gather3A_858, %gather3A_860 : vector<16xf32>
        %add3A_862 = arith.addf %add3A_854, %mul3A_861 : vector<16xf32>
        %broadcast_in_dim3A_863 = arith.constant 98 : i32
        %broadcast_in_dim3A_864 = vector.broadcast %broadcast_in_dim3A_863 : i32 to vector<16xi32>
        %add3A_865 = arith.addi %mul3A_73, %broadcast_in_dim3A_864 : vector<16xi32>
        %gather3A_866 = tpu.vector_load_idx %arg9[%add3A_865] : memref<51200xf32, #tpu.memory_space<vmem>>[vector<16xi32>], vector<16xf32>,
        %add3A_867 = arith.addi %mul3A_80, %broadcast_in_dim3A_864 : vector<16xi32>
        %gather3A_868 = tpu.vector_load_idx %arg7[%add3A_867] : memref<512xf32, #tpu.memory_space<vmem>>[vector<16xi32>], vector<16xf32>,
        %mul3A_869 = arith.mulf %gather3A_866, %gather3A_868 : vector<16xf32>
        %add3A_870 = arith.addf %add3A_862, %mul3A_869 : vector<16xf32>
        %broadcast_in_dim3A_871 = arith.constant 99 : i32
        %broadcast_in_dim3A_872 = vector.broadcast %broadcast_in_dim3A_871 : i32 to vector<16xi32>
        %add3A_873 = arith.addi %mul3A_73, %broadcast_in_dim3A_872 : vector<16xi32>
        %gather3A_874 = tpu.vector_load_idx %arg9[%add3A_873] : memref<51200xf32, #tpu.memory_space<vmem>>[vector<16xi32>], vector<16xf32>,
        %add3A_875 = arith.addi %mul3A_80, %broadcast_in_dim3A_872 : vector<16xi32>
        %gather3A_876 = tpu.vector_load_idx %arg7[%add3A_875] : memref<512xf32, #tpu.memory_space<vmem>>[vector<16xi32>], vector<16xf32>,
        %mul3A_877 = arith.mulf %gather3A_874, %gather3A_876 : vector<16xf32>
        %add3A_878 = arith.addf %add3A_870, %mul3A_877 : vector<16xf32>
        %broadcast_in_dim3A_879 = arith.constant 100 : i32
        %broadcast_in_dim3A_880 = vector.broadcast %broadcast_in_dim3A_879 : i32 to vector<16xi32>
        %add3A_881 = arith.addi %mul3A_73, %broadcast_in_dim3A_880 : vector<16xi32>
        %gather3A_882 = tpu.vector_load_idx %arg9[%add3A_881] : memref<51200xf32, #tpu.memory_space<vmem>>[vector<16xi32>], vector<16xf32>,
        %add3A_883 = arith.addi %mul3A_80, %broadcast_in_dim3A_880 : vector<16xi32>
        %gather3A_884 = tpu.vector_load_idx %arg7[%add3A_883] : memref<512xf32, #tpu.memory_space<vmem>>[vector<16xi32>], vector<16xf32>,
        %mul3A_885 = arith.mulf %gather3A_882, %gather3A_884 : vector<16xf32>
        %add3A_886 = arith.addf %add3A_878, %mul3A_885 : vector<16xf32>
        %broadcast_in_dim3A_887 = arith.constant 101 : i32
        %broadcast_in_dim3A_888 = vector.broadcast %broadcast_in_dim3A_887 : i32 to vector<16xi32>
        %add3A_889 = arith.addi %mul3A_73, %broadcast_in_dim3A_888 : vector<16xi32>
        %gather3A_890 = tpu.vector_load_idx %arg9[%add3A_889] : memref<51200xf32, #tpu.memory_space<vmem>>[vector<16xi32>], vector<16xf32>,
        %add3A_891 = arith.addi %mul3A_80, %broadcast_in_dim3A_888 : vector<16xi32>
        %gather3A_892 = tpu.vector_load_idx %arg7[%add3A_891] : memref<512xf32, #tpu.memory_space<vmem>>[vector<16xi32>], vector<16xf32>,
        %mul3A_893 = arith.mulf %gather3A_890, %gather3A_892 : vector<16xf32>
        %add3A_894 = arith.addf %add3A_886, %mul3A_893 : vector<16xf32>
        %broadcast_in_dim3A_895 = arith.constant 102 : i32
        %broadcast_in_dim3A_896 = vector.broadcast %broadcast_in_dim3A_895 : i32 to vector<16xi32>
        %add3A_897 = arith.addi %mul3A_73, %broadcast_in_dim3A_896 : vector<16xi32>
        %gather3A_898 = tpu.vector_load_idx %arg9[%add3A_897] : memref<51200xf32, #tpu.memory_space<vmem>>[vector<16xi32>], vector<16xf32>,
        %add3A_899 = arith.addi %mul3A_80, %broadcast_in_dim3A_896 : vector<16xi32>
        %gather3A_900 = tpu.vector_load_idx %arg7[%add3A_899] : memref<512xf32, #tpu.memory_space<vmem>>[vector<16xi32>], vector<16xf32>,
        %mul3A_901 = arith.mulf %gather3A_898, %gather3A_900 : vector<16xf32>
        %add3A_902 = arith.addf %add3A_894, %mul3A_901 : vector<16xf32>
        %broadcast_in_dim3A_903 = arith.constant 103 : i32
        %broadcast_in_dim3A_904 = vector.broadcast %broadcast_in_dim3A_903 : i32 to vector<16xi32>
        %add3A_905 = arith.addi %mul3A_73, %broadcast_in_dim3A_904 : vector<16xi32>
        %gather3A_906 = tpu.vector_load_idx %arg9[%add3A_905] : memref<51200xf32, #tpu.memory_space<vmem>>[vector<16xi32>], vector<16xf32>,
        %add3A_907 = arith.addi %mul3A_80, %broadcast_in_dim3A_904 : vector<16xi32>
        %gather3A_908 = tpu.vector_load_idx %arg7[%add3A_907] : memref<512xf32, #tpu.memory_space<vmem>>[vector<16xi32>], vector<16xf32>,
        %mul3A_909 = arith.mulf %gather3A_906, %gather3A_908 : vector<16xf32>
        %add3A_910 = arith.addf %add3A_902, %mul3A_909 : vector<16xf32>
        %broadcast_in_dim3A_911 = arith.constant 104 : i32
        %broadcast_in_dim3A_912 = vector.broadcast %broadcast_in_dim3A_911 : i32 to vector<16xi32>
        %add3A_913 = arith.addi %mul3A_73, %broadcast_in_dim3A_912 : vector<16xi32>
        %gather3A_914 = tpu.vector_load_idx %arg9[%add3A_913] : memref<51200xf32, #tpu.memory_space<vmem>>[vector<16xi32>], vector<16xf32>,
        %add3A_915 = arith.addi %mul3A_80, %broadcast_in_dim3A_912 : vector<16xi32>
        %gather3A_916 = tpu.vector_load_idx %arg7[%add3A_915] : memref<512xf32, #tpu.memory_space<vmem>>[vector<16xi32>], vector<16xf32>,
        %mul3A_917 = arith.mulf %gather3A_914, %gather3A_916 : vector<16xf32>
        %add3A_918 = arith.addf %add3A_910, %mul3A_917 : vector<16xf32>
        %broadcast_in_dim3A_919 = arith.constant 105 : i32
        %broadcast_in_dim3A_920 = vector.broadcast %broadcast_in_dim3A_919 : i32 to vector<16xi32>
        %add3A_921 = arith.addi %mul3A_73, %broadcast_in_dim3A_920 : vector<16xi32>
        %gather3A_922 = tpu.vector_load_idx %arg9[%add3A_921] : memref<51200xf32, #tpu.memory_space<vmem>>[vector<16xi32>], vector<16xf32>,
        %add3A_923 = arith.addi %mul3A_80, %broadcast_in_dim3A_920 : vector<16xi32>
        %gather3A_924 = tpu.vector_load_idx %arg7[%add3A_923] : memref<512xf32, #tpu.memory_space<vmem>>[vector<16xi32>], vector<16xf32>,
        %mul3A_925 = arith.mulf %gather3A_922, %gather3A_924 : vector<16xf32>
        %add3A_926 = arith.addf %add3A_918, %mul3A_925 : vector<16xf32>
        %broadcast_in_dim3A_927 = arith.constant 106 : i32
        %broadcast_in_dim3A_928 = vector.broadcast %broadcast_in_dim3A_927 : i32 to vector<16xi32>
        %add3A_929 = arith.addi %mul3A_73, %broadcast_in_dim3A_928 : vector<16xi32>
        %gather3A_930 = tpu.vector_load_idx %arg9[%add3A_929] : memref<51200xf32, #tpu.memory_space<vmem>>[vector<16xi32>], vector<16xf32>,
        %add3A_931 = arith.addi %mul3A_80, %broadcast_in_dim3A_928 : vector<16xi32>
        %gather3A_932 = tpu.vector_load_idx %arg7[%add3A_931] : memref<512xf32, #tpu.memory_space<vmem>>[vector<16xi32>], vector<16xf32>,
        %mul3A_933 = arith.mulf %gather3A_930, %gather3A_932 : vector<16xf32>
        %add3A_934 = arith.addf %add3A_926, %mul3A_933 : vector<16xf32>
        %broadcast_in_dim3A_935 = arith.constant 107 : i32
        %broadcast_in_dim3A_936 = vector.broadcast %broadcast_in_dim3A_935 : i32 to vector<16xi32>
        %add3A_937 = arith.addi %mul3A_73, %broadcast_in_dim3A_936 : vector<16xi32>
        %gather3A_938 = tpu.vector_load_idx %arg9[%add3A_937] : memref<51200xf32, #tpu.memory_space<vmem>>[vector<16xi32>], vector<16xf32>,
        %add3A_939 = arith.addi %mul3A_80, %broadcast_in_dim3A_936 : vector<16xi32>
        %gather3A_940 = tpu.vector_load_idx %arg7[%add3A_939] : memref<512xf32, #tpu.memory_space<vmem>>[vector<16xi32>], vector<16xf32>,
        %mul3A_941 = arith.mulf %gather3A_938, %gather3A_940 : vector<16xf32>
        %add3A_942 = arith.addf %add3A_934, %mul3A_941 : vector<16xf32>
        %broadcast_in_dim3A_943 = arith.constant 108 : i32
        %broadcast_in_dim3A_944 = vector.broadcast %broadcast_in_dim3A_943 : i32 to vector<16xi32>
        %add3A_945 = arith.addi %mul3A_73, %broadcast_in_dim3A_944 : vector<16xi32>
        %gather3A_946 = tpu.vector_load_idx %arg9[%add3A_945] : memref<51200xf32, #tpu.memory_space<vmem>>[vector<16xi32>], vector<16xf32>,
        %add3A_947 = arith.addi %mul3A_80, %broadcast_in_dim3A_944 : vector<16xi32>
        %gather3A_948 = tpu.vector_load_idx %arg7[%add3A_947] : memref<512xf32, #tpu.memory_space<vmem>>[vector<16xi32>], vector<16xf32>,
        %mul3A_949 = arith.mulf %gather3A_946, %gather3A_948 : vector<16xf32>
        %add3A_950 = arith.addf %add3A_942, %mul3A_949 : vector<16xf32>
        %broadcast_in_dim3A_951 = arith.constant 109 : i32
        %broadcast_in_dim3A_952 = vector.broadcast %broadcast_in_dim3A_951 : i32 to vector<16xi32>
        %add3A_953 = arith.addi %mul3A_73, %broadcast_in_dim3A_952 : vector<16xi32>
        %gather3A_954 = tpu.vector_load_idx %arg9[%add3A_953] : memref<51200xf32, #tpu.memory_space<vmem>>[vector<16xi32>], vector<16xf32>,
        %add3A_955 = arith.addi %mul3A_80, %broadcast_in_dim3A_952 : vector<16xi32>
        %gather3A_956 = tpu.vector_load_idx %arg7[%add3A_955] : memref<512xf32, #tpu.memory_space<vmem>>[vector<16xi32>], vector<16xf32>,
        %mul3A_957 = arith.mulf %gather3A_954, %gather3A_956 : vector<16xf32>
        %add3A_958 = arith.addf %add3A_950, %mul3A_957 : vector<16xf32>
        %broadcast_in_dim3A_959 = arith.constant 110 : i32
        %broadcast_in_dim3A_960 = vector.broadcast %broadcast_in_dim3A_959 : i32 to vector<16xi32>
        %add3A_961 = arith.addi %mul3A_73, %broadcast_in_dim3A_960 : vector<16xi32>
        %gather3A_962 = tpu.vector_load_idx %arg9[%add3A_961] : memref<51200xf32, #tpu.memory_space<vmem>>[vector<16xi32>], vector<16xf32>,
        %add3A_963 = arith.addi %mul3A_80, %broadcast_in_dim3A_960 : vector<16xi32>
        %gather3A_964 = tpu.vector_load_idx %arg7[%add3A_963] : memref<512xf32, #tpu.memory_space<vmem>>[vector<16xi32>], vector<16xf32>,
        %mul3A_965 = arith.mulf %gather3A_962, %gather3A_964 : vector<16xf32>
        %add3A_966 = arith.addf %add3A_958, %mul3A_965 : vector<16xf32>
        %broadcast_in_dim3A_967 = arith.constant 111 : i32
        %broadcast_in_dim3A_968 = vector.broadcast %broadcast_in_dim3A_967 : i32 to vector<16xi32>
        %add3A_969 = arith.addi %mul3A_73, %broadcast_in_dim3A_968 : vector<16xi32>
        %gather3A_970 = tpu.vector_load_idx %arg9[%add3A_969] : memref<51200xf32, #tpu.memory_space<vmem>>[vector<16xi32>], vector<16xf32>,
        %add3A_971 = arith.addi %mul3A_80, %broadcast_in_dim3A_968 : vector<16xi32>
        %gather3A_972 = tpu.vector_load_idx %arg7[%add3A_971] : memref<512xf32, #tpu.memory_space<vmem>>[vector<16xi32>], vector<16xf32>,
        %mul3A_973 = arith.mulf %gather3A_970, %gather3A_972 : vector<16xf32>
        %add3A_974 = arith.addf %add3A_966, %mul3A_973 : vector<16xf32>
        %broadcast_in_dim3A_975 = arith.constant 112 : i32
        %broadcast_in_dim3A_976 = vector.broadcast %broadcast_in_dim3A_975 : i32 to vector<16xi32>
        %add3A_977 = arith.addi %mul3A_73, %broadcast_in_dim3A_976 : vector<16xi32>
        %gather3A_978 = tpu.vector_load_idx %arg9[%add3A_977] : memref<51200xf32, #tpu.memory_space<vmem>>[vector<16xi32>], vector<16xf32>,
        %add3A_979 = arith.addi %mul3A_80, %broadcast_in_dim3A_976 : vector<16xi32>
        %gather3A_980 = tpu.vector_load_idx %arg7[%add3A_979] : memref<512xf32, #tpu.memory_space<vmem>>[vector<16xi32>], vector<16xf32>,
        %mul3A_981 = arith.mulf %gather3A_978, %gather3A_980 : vector<16xf32>
        %add3A_982 = arith.addf %add3A_974, %mul3A_981 : vector<16xf32>
        %broadcast_in_dim3A_983 = arith.constant 113 : i32
        %broadcast_in_dim3A_984 = vector.broadcast %broadcast_in_dim3A_983 : i32 to vector<16xi32>
        %add3A_985 = arith.addi %mul3A_73, %broadcast_in_dim3A_984 : vector<16xi32>
        %gather3A_986 = tpu.vector_load_idx %arg9[%add3A_985] : memref<51200xf32, #tpu.memory_space<vmem>>[vector<16xi32>], vector<16xf32>,
        %add3A_987 = arith.addi %mul3A_80, %broadcast_in_dim3A_984 : vector<16xi32>
        %gather3A_988 = tpu.vector_load_idx %arg7[%add3A_987] : memref<512xf32, #tpu.memory_space<vmem>>[vector<16xi32>], vector<16xf32>,
        %mul3A_989 = arith.mulf %gather3A_986, %gather3A_988 : vector<16xf32>
        %add3A_990 = arith.addf %add3A_982, %mul3A_989 : vector<16xf32>
        %broadcast_in_dim3A_991 = arith.constant 114 : i32
        %broadcast_in_dim3A_992 = vector.broadcast %broadcast_in_dim3A_991 : i32 to vector<16xi32>
        %add3A_993 = arith.addi %mul3A_73, %broadcast_in_dim3A_992 : vector<16xi32>
        %gather3A_994 = tpu.vector_load_idx %arg9[%add3A_993] : memref<51200xf32, #tpu.memory_space<vmem>>[vector<16xi32>], vector<16xf32>,
        %add3A_995 = arith.addi %mul3A_80, %broadcast_in_dim3A_992 : vector<16xi32>
        %gather3A_996 = tpu.vector_load_idx %arg7[%add3A_995] : memref<512xf32, #tpu.memory_space<vmem>>[vector<16xi32>], vector<16xf32>,
        %mul3A_997 = arith.mulf %gather3A_994, %gather3A_996 : vector<16xf32>
        %add3A_998 = arith.addf %add3A_990, %mul3A_997 : vector<16xf32>
        %broadcast_in_dim3A_999 = arith.constant 115 : i32
        %broadcast_in_dim3A_1000 = vector.broadcast %broadcast_in_dim3A_999 : i32 to vector<16xi32>
        %add3A_1001 = arith.addi %mul3A_73, %broadcast_in_dim3A_1000 : vector<16xi32>
        %gather3A_1002 = tpu.vector_load_idx %arg9[%add3A_1001] : memref<51200xf32, #tpu.memory_space<vmem>>[vector<16xi32>], vector<16xf32>,
        %add3A_1003 = arith.addi %mul3A_80, %broadcast_in_dim3A_1000 : vector<16xi32>
        %gather3A_1004 = tpu.vector_load_idx %arg7[%add3A_1003] : memref<512xf32, #tpu.memory_space<vmem>>[vector<16xi32>], vector<16xf32>,
        %mul3A_1005 = arith.mulf %gather3A_1002, %gather3A_1004 : vector<16xf32>
        %add3A_1006 = arith.addf %add3A_998, %mul3A_1005 : vector<16xf32>
        %broadcast_in_dim3A_1007 = arith.constant 116 : i32
        %broadcast_in_dim3A_1008 = vector.broadcast %broadcast_in_dim3A_1007 : i32 to vector<16xi32>
        %add3A_1009 = arith.addi %mul3A_73, %broadcast_in_dim3A_1008 : vector<16xi32>
        %gather3A_1010 = tpu.vector_load_idx %arg9[%add3A_1009] : memref<51200xf32, #tpu.memory_space<vmem>>[vector<16xi32>], vector<16xf32>,
        %add3A_1011 = arith.addi %mul3A_80, %broadcast_in_dim3A_1008 : vector<16xi32>
        %gather3A_1012 = tpu.vector_load_idx %arg7[%add3A_1011] : memref<512xf32, #tpu.memory_space<vmem>>[vector<16xi32>], vector<16xf32>,
        %mul3A_1013 = arith.mulf %gather3A_1010, %gather3A_1012 : vector<16xf32>
        %add3A_1014 = arith.addf %add3A_1006, %mul3A_1013 : vector<16xf32>
        %broadcast_in_dim3A_1015 = arith.constant 117 : i32
        %broadcast_in_dim3A_1016 = vector.broadcast %broadcast_in_dim3A_1015 : i32 to vector<16xi32>
        %add3A_1017 = arith.addi %mul3A_73, %broadcast_in_dim3A_1016 : vector<16xi32>
        %gather3A_1018 = tpu.vector_load_idx %arg9[%add3A_1017] : memref<51200xf32, #tpu.memory_space<vmem>>[vector<16xi32>], vector<16xf32>,
        %add3A_1019 = arith.addi %mul3A_80, %broadcast_in_dim3A_1016 : vector<16xi32>
        %gather3A_1020 = tpu.vector_load_idx %arg7[%add3A_1019] : memref<512xf32, #tpu.memory_space<vmem>>[vector<16xi32>], vector<16xf32>,
        %mul3A_1021 = arith.mulf %gather3A_1018, %gather3A_1020 : vector<16xf32>
        %add3A_1022 = arith.addf %add3A_1014, %mul3A_1021 : vector<16xf32>
        %broadcast_in_dim3A_1023 = arith.constant 118 : i32
        %broadcast_in_dim3A_1024 = vector.broadcast %broadcast_in_dim3A_1023 : i32 to vector<16xi32>
        %add3A_1025 = arith.addi %mul3A_73, %broadcast_in_dim3A_1024 : vector<16xi32>
        %gather3A_1026 = tpu.vector_load_idx %arg9[%add3A_1025] : memref<51200xf32, #tpu.memory_space<vmem>>[vector<16xi32>], vector<16xf32>,
        %add3A_1027 = arith.addi %mul3A_80, %broadcast_in_dim3A_1024 : vector<16xi32>
        %gather3A_1028 = tpu.vector_load_idx %arg7[%add3A_1027] : memref<512xf32, #tpu.memory_space<vmem>>[vector<16xi32>], vector<16xf32>,
        %mul3A_1029 = arith.mulf %gather3A_1026, %gather3A_1028 : vector<16xf32>
        %add3A_1030 = arith.addf %add3A_1022, %mul3A_1029 : vector<16xf32>
        %broadcast_in_dim3A_1031 = arith.constant 119 : i32
        %broadcast_in_dim3A_1032 = vector.broadcast %broadcast_in_dim3A_1031 : i32 to vector<16xi32>
        %add3A_1033 = arith.addi %mul3A_73, %broadcast_in_dim3A_1032 : vector<16xi32>
        %gather3A_1034 = tpu.vector_load_idx %arg9[%add3A_1033] : memref<51200xf32, #tpu.memory_space<vmem>>[vector<16xi32>], vector<16xf32>,
        %add3A_1035 = arith.addi %mul3A_80, %broadcast_in_dim3A_1032 : vector<16xi32>
        %gather3A_1036 = tpu.vector_load_idx %arg7[%add3A_1035] : memref<512xf32, #tpu.memory_space<vmem>>[vector<16xi32>], vector<16xf32>,
        %mul3A_1037 = arith.mulf %gather3A_1034, %gather3A_1036 : vector<16xf32>
        %add3A_1038 = arith.addf %add3A_1030, %mul3A_1037 : vector<16xf32>
        %broadcast_in_dim3A_1039 = arith.constant 120 : i32
        %broadcast_in_dim3A_1040 = vector.broadcast %broadcast_in_dim3A_1039 : i32 to vector<16xi32>
        %add3A_1041 = arith.addi %mul3A_73, %broadcast_in_dim3A_1040 : vector<16xi32>
        %gather3A_1042 = tpu.vector_load_idx %arg9[%add3A_1041] : memref<51200xf32, #tpu.memory_space<vmem>>[vector<16xi32>], vector<16xf32>,
        %add3A_1043 = arith.addi %mul3A_80, %broadcast_in_dim3A_1040 : vector<16xi32>
        %gather3A_1044 = tpu.vector_load_idx %arg7[%add3A_1043] : memref<512xf32, #tpu.memory_space<vmem>>[vector<16xi32>], vector<16xf32>,
        %mul3A_1045 = arith.mulf %gather3A_1042, %gather3A_1044 : vector<16xf32>
        %add3A_1046 = arith.addf %add3A_1038, %mul3A_1045 : vector<16xf32>
        %broadcast_in_dim3A_1047 = arith.constant 121 : i32
        %broadcast_in_dim3A_1048 = vector.broadcast %broadcast_in_dim3A_1047 : i32 to vector<16xi32>
        %add3A_1049 = arith.addi %mul3A_73, %broadcast_in_dim3A_1048 : vector<16xi32>
        %gather3A_1050 = tpu.vector_load_idx %arg9[%add3A_1049] : memref<51200xf32, #tpu.memory_space<vmem>>[vector<16xi32>], vector<16xf32>,
        %add3A_1051 = arith.addi %mul3A_80, %broadcast_in_dim3A_1048 : vector<16xi32>
        %gather3A_1052 = tpu.vector_load_idx %arg7[%add3A_1051] : memref<512xf32, #tpu.memory_space<vmem>>[vector<16xi32>], vector<16xf32>,
        %mul3A_1053 = arith.mulf %gather3A_1050, %gather3A_1052 : vector<16xf32>
        %add3A_1054 = arith.addf %add3A_1046, %mul3A_1053 : vector<16xf32>
        %broadcast_in_dim3A_1055 = arith.constant 122 : i32
        %broadcast_in_dim3A_1056 = vector.broadcast %broadcast_in_dim3A_1055 : i32 to vector<16xi32>
        %add3A_1057 = arith.addi %mul3A_73, %broadcast_in_dim3A_1056 : vector<16xi32>
        %gather3A_1058 = tpu.vector_load_idx %arg9[%add3A_1057] : memref<51200xf32, #tpu.memory_space<vmem>>[vector<16xi32>], vector<16xf32>,
        %add3A_1059 = arith.addi %mul3A_80, %broadcast_in_dim3A_1056 : vector<16xi32>
        %gather3A_1060 = tpu.vector_load_idx %arg7[%add3A_1059] : memref<512xf32, #tpu.memory_space<vmem>>[vector<16xi32>], vector<16xf32>,
        %mul3A_1061 = arith.mulf %gather3A_1058, %gather3A_1060 : vector<16xf32>
        %add3A_1062 = arith.addf %add3A_1054, %mul3A_1061 : vector<16xf32>
        %broadcast_in_dim3A_1063 = arith.constant 123 : i32
        %broadcast_in_dim3A_1064 = vector.broadcast %broadcast_in_dim3A_1063 : i32 to vector<16xi32>
        %add3A_1065 = arith.addi %mul3A_73, %broadcast_in_dim3A_1064 : vector<16xi32>
        %gather3A_1066 = tpu.vector_load_idx %arg9[%add3A_1065] : memref<51200xf32, #tpu.memory_space<vmem>>[vector<16xi32>], vector<16xf32>,
        %add3A_1067 = arith.addi %mul3A_80, %broadcast_in_dim3A_1064 : vector<16xi32>
        %gather3A_1068 = tpu.vector_load_idx %arg7[%add3A_1067] : memref<512xf32, #tpu.memory_space<vmem>>[vector<16xi32>], vector<16xf32>,
        %mul3A_1069 = arith.mulf %gather3A_1066, %gather3A_1068 : vector<16xf32>
        %add3A_1070 = arith.addf %add3A_1062, %mul3A_1069 : vector<16xf32>
        %broadcast_in_dim3A_1071 = arith.constant 124 : i32
        %broadcast_in_dim3A_1072 = vector.broadcast %broadcast_in_dim3A_1071 : i32 to vector<16xi32>
        %add3A_1073 = arith.addi %mul3A_73, %broadcast_in_dim3A_1072 : vector<16xi32>
        %gather3A_1074 = tpu.vector_load_idx %arg9[%add3A_1073] : memref<51200xf32, #tpu.memory_space<vmem>>[vector<16xi32>], vector<16xf32>,
        %add3A_1075 = arith.addi %mul3A_80, %broadcast_in_dim3A_1072 : vector<16xi32>
        %gather3A_1076 = tpu.vector_load_idx %arg7[%add3A_1075] : memref<512xf32, #tpu.memory_space<vmem>>[vector<16xi32>], vector<16xf32>,
        %mul3A_1077 = arith.mulf %gather3A_1074, %gather3A_1076 : vector<16xf32>
        %add3A_1078 = arith.addf %add3A_1070, %mul3A_1077 : vector<16xf32>
        %broadcast_in_dim3A_1079 = arith.constant 125 : i32
        %broadcast_in_dim3A_1080 = vector.broadcast %broadcast_in_dim3A_1079 : i32 to vector<16xi32>
        %add3A_1081 = arith.addi %mul3A_73, %broadcast_in_dim3A_1080 : vector<16xi32>
        %gather3A_1082 = tpu.vector_load_idx %arg9[%add3A_1081] : memref<51200xf32, #tpu.memory_space<vmem>>[vector<16xi32>], vector<16xf32>,
        %add3A_1083 = arith.addi %mul3A_80, %broadcast_in_dim3A_1080 : vector<16xi32>
        %gather3A_1084 = tpu.vector_load_idx %arg7[%add3A_1083] : memref<512xf32, #tpu.memory_space<vmem>>[vector<16xi32>], vector<16xf32>,
        %mul3A_1085 = arith.mulf %gather3A_1082, %gather3A_1084 : vector<16xf32>
        %add3A_1086 = arith.addf %add3A_1078, %mul3A_1085 : vector<16xf32>
        %broadcast_in_dim3A_1087 = arith.constant 126 : i32
        %broadcast_in_dim3A_1088 = vector.broadcast %broadcast_in_dim3A_1087 : i32 to vector<16xi32>
        %add3A_1089 = arith.addi %mul3A_73, %broadcast_in_dim3A_1088 : vector<16xi32>
        %gather3A_1090 = tpu.vector_load_idx %arg9[%add3A_1089] : memref<51200xf32, #tpu.memory_space<vmem>>[vector<16xi32>], vector<16xf32>,
        %add3A_1091 = arith.addi %mul3A_80, %broadcast_in_dim3A_1088 : vector<16xi32>
        %gather3A_1092 = tpu.vector_load_idx %arg7[%add3A_1091] : memref<512xf32, #tpu.memory_space<vmem>>[vector<16xi32>], vector<16xf32>,
        %mul3A_1093 = arith.mulf %gather3A_1090, %gather3A_1092 : vector<16xf32>
        %add3A_1094 = arith.addf %add3A_1086, %mul3A_1093 : vector<16xf32>
        %broadcast_in_dim3A_1095 = arith.constant 127 : i32
        %broadcast_in_dim3A_1096 = vector.broadcast %broadcast_in_dim3A_1095 : i32 to vector<16xi32>
        %add3A_1097 = arith.addi %mul3A_73, %broadcast_in_dim3A_1096 : vector<16xi32>
        %gather3A_1098 = tpu.vector_load_idx %arg9[%add3A_1097] : memref<51200xf32, #tpu.memory_space<vmem>>[vector<16xi32>], vector<16xf32>,
        %add3A_1099 = arith.addi %mul3A_80, %broadcast_in_dim3A_1096 : vector<16xi32>
        %gather3A_1100 = tpu.vector_load_idx %arg7[%add3A_1099] : memref<512xf32, #tpu.memory_space<vmem>>[vector<16xi32>], vector<16xf32>,
        %mul3A_1101 = arith.mulf %gather3A_1098, %gather3A_1100 : vector<16xf32>
        %add3A_1102 = arith.addf %add3A_1094, %mul3A_1101 : vector<16xf32>
        %mul3A_1103 = arith.constant 16 : i32
        %mul3A_1104 = arith.muli %scan3A_66, %mul3A_1103 : i32
        %swap3A = arith.index_cast %mul3A_1104 : i32 to index
        %swap3A_1105 = tpu.vector_load %arg11[%swap3A] {strides = array<i32>} : memref<400xf32, #tpu.memory_space<vmem>>, vector<16xf32>,
        tpu.vector_store %arg11[%swap3A], %add3A_1102 {strides = array<i32>} : memref<400xf32, #tpu.memory_space<vmem>>, vector<16xf32>,
      }
      %scan3A_65 = arith.constant 25 : i32
      "tpu.region"() ({
        %run_scoped3A = tpu.sem_alloc : memref<!tpu.dma_semaphore, #tpu.memory_space<semaphore_mem>>
        %dma_start3A = tpu.memref_slice %arg6[%mul3A_58] : memref<100000xf32, #tpu.memory_space<hbm>> -> memref<400xf32, #tpu.memory_space<hbm>>
        %dma_start3A_66 = tpu.memref_slice %arg6[%mul3A_58] : memref<100000xf32, #tpu.memory_space<hbm>> -> memref<400xf32, #tpu.memory_space<hbm>>
        tpu.enqueue_dma source(%arg11 : memref<400xf32, #tpu.memory_space<vmem>>) target(%dma_start3A_66 : memref<400xf32, #tpu.memory_space<hbm>>) target_semaphore(%run_scoped3A : memref<!tpu.dma_semaphore, #tpu.memory_space<semaphore_mem>>)
        %dma_wait3A = tpu.memref_slice %arg6[%mul3A_58] : memref<100000xf32, #tpu.memory_space<hbm>> -> memref<400xf32, #tpu.memory_space<hbm>>
        %dma_wait3A_67 = tpu.memref_slice %arg6[%mul3A_58] : memref<100000xf32, #tpu.memory_space<hbm>> -> memref<400xf32, #tpu.memory_space<hbm>>
        tpu.wait_dma2 semaphore(%run_scoped3A : memref<!tpu.dma_semaphore, #tpu.memory_space<semaphore_mem>>) src(%arg11 : memref<400xf32, #tpu.memory_space<vmem>>) dst(%dma_wait3A_67 : memref<400xf32, #tpu.memory_space<hbm>>)
        tpu.yield
      }) : () -> ()
    }
    %while3A_55 = arith.constant 1 : i32
    scf.for %while3A_56 = %while3A_53 to %while3A_49 step %while3A_55  : i32 {
      %mul3A_57 = arith.constant 400 : i32
      %mul3A_58 = arith.muli %while3A_56, %mul3A_57 : i32
      %mul3A_59 = arith.constant 128 : i32
      %mul3A_60 = arith.muli %mul3A_58, %mul3A_59 : i32
      "tpu.region"() ({
        %run_scoped3A = tpu.sem_alloc : memref<!tpu.dma_semaphore, #tpu.memory_space<semaphore_mem>>
        %dma_start3A = tpu.memref_slice %arg2[%mul3A_60] : memref<12800000xf32, #tpu.memory_space<hbm>> -> memref<51200xf32, #tpu.memory_space<hbm>>
        %dma_start3A_66 = tpu.memref_slice %arg2[%mul3A_60] : memref<12800000xf32, #tpu.memory_space<hbm>> -> memref<51200xf32, #tpu.memory_space<hbm>>
        tpu.enqueue_dma source(%dma_start3A_66 : memref<51200xf32, #tpu.memory_space<hbm>>) target(%arg9 : memref<51200xf32, #tpu.memory_space<vmem>>) target_semaphore(%run_scoped3A : memref<!tpu.dma_semaphore, #tpu.memory_space<semaphore_mem>>)
        %dma_wait3A = tpu.memref_slice %arg2[%mul3A_60] : memref<12800000xf32, #tpu.memory_space<hbm>> -> memref<51200xf32, #tpu.memory_space<hbm>>
        %dma_wait3A_67 = tpu.memref_slice %arg2[%mul3A_60] : memref<12800000xf32, #tpu.memory_space<hbm>> -> memref<51200xf32, #tpu.memory_space<hbm>>
        tpu.wait_dma2 semaphore(%run_scoped3A : memref<!tpu.dma_semaphore, #tpu.memory_space<semaphore_mem>>) src(%dma_wait3A_67 : memref<51200xf32, #tpu.memory_space<hbm>>) dst(%arg9 : memref<51200xf32, #tpu.memory_space<vmem>>)
        tpu.yield
      }) : () -> ()
      "tpu.region"() ({
        %run_scoped3A = tpu.sem_alloc : memref<!tpu.dma_semaphore, #tpu.memory_space<semaphore_mem>>
        %dma_start3A = tpu.memref_slice %arg3[%mul3A_58] : memref<100000xi32, #tpu.memory_space<hbm>> -> memref<400xi32, #tpu.memory_space<hbm>>
        %dma_start3A_66 = tpu.memref_slice %arg3[%mul3A_58] : memref<100000xi32, #tpu.memory_space<hbm>> -> memref<400xi32, #tpu.memory_space<hbm>>
        tpu.enqueue_dma source(%dma_start3A_66 : memref<400xi32, #tpu.memory_space<hbm>>) target(%arg10 : memref<400xi32, #tpu.memory_space<vmem>>) target_semaphore(%run_scoped3A : memref<!tpu.dma_semaphore, #tpu.memory_space<semaphore_mem>>)
        %dma_wait3A = tpu.memref_slice %arg3[%mul3A_58] : memref<100000xi32, #tpu.memory_space<hbm>> -> memref<400xi32, #tpu.memory_space<hbm>>
        %dma_wait3A_67 = tpu.memref_slice %arg3[%mul3A_58] : memref<100000xi32, #tpu.memory_space<hbm>> -> memref<400xi32, #tpu.memory_space<hbm>>
        tpu.wait_dma2 semaphore(%run_scoped3A : memref<!tpu.dma_semaphore, #tpu.memory_space<semaphore_mem>>) src(%dma_wait3A_67 : memref<400xi32, #tpu.memory_space<hbm>>) dst(%arg10 : memref<400xi32, #tpu.memory_space<vmem>>)
        tpu.yield
      }) : () -> ()
      %scan3A = arith.constant 0 : i32
      %scan3A_61 = arith.constant 0 : i32
      %scan3A_62 = arith.constant 25 : i32
      %scan3A_63 = arith.addi %scan3A_61, %scan3A_62 : i32
      %scan3A_64 = arith.constant 1 : i32
      scf.for %scan3A_66 = %scan3A_61 to %scan3A_63 step %scan3A_64  : i32 {
        %mul3A_67 = arith.constant 16 : i32
        %mul3A_68 = arith.muli %scan3A_66, %mul3A_67 : i32
        %add3A_69 = vector.broadcast %mul3A_68 : i32 to vector<16xi32>
        %add3A_70 = arith.addi %add3A_69, %iota3A : vector<16xi32>
        %mul3A_71 = arith.constant 128 : i32
        %mul3A_72 = vector.broadcast %mul3A_71 : i32 to vector<16xi32>
        %mul3A_73 = arith.muli %add3A_70, %mul3A_72 : vector<16xi32>
        %mul3A_74 = arith.constant 16 : i32
        %mul3A_75 = arith.muli %scan3A_66, %mul3A_74 : i32
        %get3A_76 = arith.index_cast %mul3A_75 : i32 to index
        %get3A_77 = tpu.vector_load %arg10[%get3A_76] {strides = array<i32>} : memref<400xi32, #tpu.memory_space<vmem>>, vector<16xi32>,
        %mul3A_78 = arith.constant 128 : i32
        %mul3A_79 = vector.broadcast %mul3A_78 : i32 to vector<16xi32>
        %mul3A_80 = arith.muli %get3A_77, %mul3A_79 : vector<16xi32>
        %broadcast_in_dim3A = arith.constant 0 : i32
        %broadcast_in_dim3A_81 = vector.broadcast %broadcast_in_dim3A : i32 to vector<16xi32>
        %add3A_82 = arith.addi %mul3A_73, %broadcast_in_dim3A_81 : vector<16xi32>
        %gather3A = tpu.vector_load_idx %arg9[%add3A_82] : memref<51200xf32, #tpu.memory_space<vmem>>[vector<16xi32>], vector<16xf32>,
        %add3A_83 = arith.addi %mul3A_80, %broadcast_in_dim3A_81 : vector<16xi32>
        %gather3A_84 = tpu.vector_load_idx %arg7[%add3A_83] : memref<512xf32, #tpu.memory_space<vmem>>[vector<16xi32>], vector<16xf32>,
        %mul3A_85 = arith.mulf %gather3A, %gather3A_84 : vector<16xf32>
        %add3A_86 = arith.addf %get3A_47, %mul3A_85 : vector<16xf32>
        %broadcast_in_dim3A_87 = arith.constant 1 : i32
        %broadcast_in_dim3A_88 = vector.broadcast %broadcast_in_dim3A_87 : i32 to vector<16xi32>
        %add3A_89 = arith.addi %mul3A_73, %broadcast_in_dim3A_88 : vector<16xi32>
        %gather3A_90 = tpu.vector_load_idx %arg9[%add3A_89] : memref<51200xf32, #tpu.memory_space<vmem>>[vector<16xi32>], vector<16xf32>,
        %add3A_91 = arith.addi %mul3A_80, %broadcast_in_dim3A_88 : vector<16xi32>
        %gather3A_92 = tpu.vector_load_idx %arg7[%add3A_91] : memref<512xf32, #tpu.memory_space<vmem>>[vector<16xi32>], vector<16xf32>,
        %mul3A_93 = arith.mulf %gather3A_90, %gather3A_92 : vector<16xf32>
        %add3A_94 = arith.addf %add3A_86, %mul3A_93 : vector<16xf32>
        %broadcast_in_dim3A_95 = arith.constant 2 : i32
        %broadcast_in_dim3A_96 = vector.broadcast %broadcast_in_dim3A_95 : i32 to vector<16xi32>
        %add3A_97 = arith.addi %mul3A_73, %broadcast_in_dim3A_96 : vector<16xi32>
        %gather3A_98 = tpu.vector_load_idx %arg9[%add3A_97] : memref<51200xf32, #tpu.memory_space<vmem>>[vector<16xi32>], vector<16xf32>,
        %add3A_99 = arith.addi %mul3A_80, %broadcast_in_dim3A_96 : vector<16xi32>
        %gather3A_100 = tpu.vector_load_idx %arg7[%add3A_99] : memref<512xf32, #tpu.memory_space<vmem>>[vector<16xi32>], vector<16xf32>,
        %mul3A_101 = arith.mulf %gather3A_98, %gather3A_100 : vector<16xf32>
        %add3A_102 = arith.addf %add3A_94, %mul3A_101 : vector<16xf32>
        %broadcast_in_dim3A_103 = arith.constant 3 : i32
        %broadcast_in_dim3A_104 = vector.broadcast %broadcast_in_dim3A_103 : i32 to vector<16xi32>
        %add3A_105 = arith.addi %mul3A_73, %broadcast_in_dim3A_104 : vector<16xi32>
        %gather3A_106 = tpu.vector_load_idx %arg9[%add3A_105] : memref<51200xf32, #tpu.memory_space<vmem>>[vector<16xi32>], vector<16xf32>,
        %add3A_107 = arith.addi %mul3A_80, %broadcast_in_dim3A_104 : vector<16xi32>
        %gather3A_108 = tpu.vector_load_idx %arg7[%add3A_107] : memref<512xf32, #tpu.memory_space<vmem>>[vector<16xi32>], vector<16xf32>,
        %mul3A_109 = arith.mulf %gather3A_106, %gather3A_108 : vector<16xf32>
        %add3A_110 = arith.addf %add3A_102, %mul3A_109 : vector<16xf32>
        %broadcast_in_dim3A_111 = arith.constant 4 : i32
        %broadcast_in_dim3A_112 = vector.broadcast %broadcast_in_dim3A_111 : i32 to vector<16xi32>
        %add3A_113 = arith.addi %mul3A_73, %broadcast_in_dim3A_112 : vector<16xi32>
        %gather3A_114 = tpu.vector_load_idx %arg9[%add3A_113] : memref<51200xf32, #tpu.memory_space<vmem>>[vector<16xi32>], vector<16xf32>,
        %add3A_115 = arith.addi %mul3A_80, %broadcast_in_dim3A_112 : vector<16xi32>
        %gather3A_116 = tpu.vector_load_idx %arg7[%add3A_115] : memref<512xf32, #tpu.memory_space<vmem>>[vector<16xi32>], vector<16xf32>,
        %mul3A_117 = arith.mulf %gather3A_114, %gather3A_116 : vector<16xf32>
        %add3A_118 = arith.addf %add3A_110, %mul3A_117 : vector<16xf32>
        %broadcast_in_dim3A_119 = arith.constant 5 : i32
        %broadcast_in_dim3A_120 = vector.broadcast %broadcast_in_dim3A_119 : i32 to vector<16xi32>
        %add3A_121 = arith.addi %mul3A_73, %broadcast_in_dim3A_120 : vector<16xi32>
        %gather3A_122 = tpu.vector_load_idx %arg9[%add3A_121] : memref<51200xf32, #tpu.memory_space<vmem>>[vector<16xi32>], vector<16xf32>,
        %add3A_123 = arith.addi %mul3A_80, %broadcast_in_dim3A_120 : vector<16xi32>
        %gather3A_124 = tpu.vector_load_idx %arg7[%add3A_123] : memref<512xf32, #tpu.memory_space<vmem>>[vector<16xi32>], vector<16xf32>,
        %mul3A_125 = arith.mulf %gather3A_122, %gather3A_124 : vector<16xf32>
        %add3A_126 = arith.addf %add3A_118, %mul3A_125 : vector<16xf32>
        %broadcast_in_dim3A_127 = arith.constant 6 : i32
        %broadcast_in_dim3A_128 = vector.broadcast %broadcast_in_dim3A_127 : i32 to vector<16xi32>
        %add3A_129 = arith.addi %mul3A_73, %broadcast_in_dim3A_128 : vector<16xi32>
        %gather3A_130 = tpu.vector_load_idx %arg9[%add3A_129] : memref<51200xf32, #tpu.memory_space<vmem>>[vector<16xi32>], vector<16xf32>,
        %add3A_131 = arith.addi %mul3A_80, %broadcast_in_dim3A_128 : vector<16xi32>
        %gather3A_132 = tpu.vector_load_idx %arg7[%add3A_131] : memref<512xf32, #tpu.memory_space<vmem>>[vector<16xi32>], vector<16xf32>,
        %mul3A_133 = arith.mulf %gather3A_130, %gather3A_132 : vector<16xf32>
        %add3A_134 = arith.addf %add3A_126, %mul3A_133 : vector<16xf32>
        %broadcast_in_dim3A_135 = arith.constant 7 : i32
        %broadcast_in_dim3A_136 = vector.broadcast %broadcast_in_dim3A_135 : i32 to vector<16xi32>
        %add3A_137 = arith.addi %mul3A_73, %broadcast_in_dim3A_136 : vector<16xi32>
        %gather3A_138 = tpu.vector_load_idx %arg9[%add3A_137] : memref<51200xf32, #tpu.memory_space<vmem>>[vector<16xi32>], vector<16xf32>,
        %add3A_139 = arith.addi %mul3A_80, %broadcast_in_dim3A_136 : vector<16xi32>
        %gather3A_140 = tpu.vector_load_idx %arg7[%add3A_139] : memref<512xf32, #tpu.memory_space<vmem>>[vector<16xi32>], vector<16xf32>,
        %mul3A_141 = arith.mulf %gather3A_138, %gather3A_140 : vector<16xf32>
        %add3A_142 = arith.addf %add3A_134, %mul3A_141 : vector<16xf32>
        %broadcast_in_dim3A_143 = arith.constant 8 : i32
        %broadcast_in_dim3A_144 = vector.broadcast %broadcast_in_dim3A_143 : i32 to vector<16xi32>
        %add3A_145 = arith.addi %mul3A_73, %broadcast_in_dim3A_144 : vector<16xi32>
        %gather3A_146 = tpu.vector_load_idx %arg9[%add3A_145] : memref<51200xf32, #tpu.memory_space<vmem>>[vector<16xi32>], vector<16xf32>,
        %add3A_147 = arith.addi %mul3A_80, %broadcast_in_dim3A_144 : vector<16xi32>
        %gather3A_148 = tpu.vector_load_idx %arg7[%add3A_147] : memref<512xf32, #tpu.memory_space<vmem>>[vector<16xi32>], vector<16xf32>,
        %mul3A_149 = arith.mulf %gather3A_146, %gather3A_148 : vector<16xf32>
        %add3A_150 = arith.addf %add3A_142, %mul3A_149 : vector<16xf32>
        %broadcast_in_dim3A_151 = arith.constant 9 : i32
        %broadcast_in_dim3A_152 = vector.broadcast %broadcast_in_dim3A_151 : i32 to vector<16xi32>
        %add3A_153 = arith.addi %mul3A_73, %broadcast_in_dim3A_152 : vector<16xi32>
        %gather3A_154 = tpu.vector_load_idx %arg9[%add3A_153] : memref<51200xf32, #tpu.memory_space<vmem>>[vector<16xi32>], vector<16xf32>,
        %add3A_155 = arith.addi %mul3A_80, %broadcast_in_dim3A_152 : vector<16xi32>
        %gather3A_156 = tpu.vector_load_idx %arg7[%add3A_155] : memref<512xf32, #tpu.memory_space<vmem>>[vector<16xi32>], vector<16xf32>,
        %mul3A_157 = arith.mulf %gather3A_154, %gather3A_156 : vector<16xf32>
        %add3A_158 = arith.addf %add3A_150, %mul3A_157 : vector<16xf32>
        %broadcast_in_dim3A_159 = arith.constant 10 : i32
        %broadcast_in_dim3A_160 = vector.broadcast %broadcast_in_dim3A_159 : i32 to vector<16xi32>
        %add3A_161 = arith.addi %mul3A_73, %broadcast_in_dim3A_160 : vector<16xi32>
        %gather3A_162 = tpu.vector_load_idx %arg9[%add3A_161] : memref<51200xf32, #tpu.memory_space<vmem>>[vector<16xi32>], vector<16xf32>,
        %add3A_163 = arith.addi %mul3A_80, %broadcast_in_dim3A_160 : vector<16xi32>
        %gather3A_164 = tpu.vector_load_idx %arg7[%add3A_163] : memref<512xf32, #tpu.memory_space<vmem>>[vector<16xi32>], vector<16xf32>,
        %mul3A_165 = arith.mulf %gather3A_162, %gather3A_164 : vector<16xf32>
        %add3A_166 = arith.addf %add3A_158, %mul3A_165 : vector<16xf32>
        %broadcast_in_dim3A_167 = arith.constant 11 : i32
        %broadcast_in_dim3A_168 = vector.broadcast %broadcast_in_dim3A_167 : i32 to vector<16xi32>
        %add3A_169 = arith.addi %mul3A_73, %broadcast_in_dim3A_168 : vector<16xi32>
        %gather3A_170 = tpu.vector_load_idx %arg9[%add3A_169] : memref<51200xf32, #tpu.memory_space<vmem>>[vector<16xi32>], vector<16xf32>,
        %add3A_171 = arith.addi %mul3A_80, %broadcast_in_dim3A_168 : vector<16xi32>
        %gather3A_172 = tpu.vector_load_idx %arg7[%add3A_171] : memref<512xf32, #tpu.memory_space<vmem>>[vector<16xi32>], vector<16xf32>,
        %mul3A_173 = arith.mulf %gather3A_170, %gather3A_172 : vector<16xf32>
        %add3A_174 = arith.addf %add3A_166, %mul3A_173 : vector<16xf32>
        %broadcast_in_dim3A_175 = arith.constant 12 : i32
        %broadcast_in_dim3A_176 = vector.broadcast %broadcast_in_dim3A_175 : i32 to vector<16xi32>
        %add3A_177 = arith.addi %mul3A_73, %broadcast_in_dim3A_176 : vector<16xi32>
        %gather3A_178 = tpu.vector_load_idx %arg9[%add3A_177] : memref<51200xf32, #tpu.memory_space<vmem>>[vector<16xi32>], vector<16xf32>,
        %add3A_179 = arith.addi %mul3A_80, %broadcast_in_dim3A_176 : vector<16xi32>
        %gather3A_180 = tpu.vector_load_idx %arg7[%add3A_179] : memref<512xf32, #tpu.memory_space<vmem>>[vector<16xi32>], vector<16xf32>,
        %mul3A_181 = arith.mulf %gather3A_178, %gather3A_180 : vector<16xf32>
        %add3A_182 = arith.addf %add3A_174, %mul3A_181 : vector<16xf32>
        %broadcast_in_dim3A_183 = arith.constant 13 : i32
        %broadcast_in_dim3A_184 = vector.broadcast %broadcast_in_dim3A_183 : i32 to vector<16xi32>
        %add3A_185 = arith.addi %mul3A_73, %broadcast_in_dim3A_184 : vector<16xi32>
        %gather3A_186 = tpu.vector_load_idx %arg9[%add3A_185] : memref<51200xf32, #tpu.memory_space<vmem>>[vector<16xi32>], vector<16xf32>,
        %add3A_187 = arith.addi %mul3A_80, %broadcast_in_dim3A_184 : vector<16xi32>
        %gather3A_188 = tpu.vector_load_idx %arg7[%add3A_187] : memref<512xf32, #tpu.memory_space<vmem>>[vector<16xi32>], vector<16xf32>,
        %mul3A_189 = arith.mulf %gather3A_186, %gather3A_188 : vector<16xf32>
        %add3A_190 = arith.addf %add3A_182, %mul3A_189 : vector<16xf32>
        %broadcast_in_dim3A_191 = arith.constant 14 : i32
        %broadcast_in_dim3A_192 = vector.broadcast %broadcast_in_dim3A_191 : i32 to vector<16xi32>
        %add3A_193 = arith.addi %mul3A_73, %broadcast_in_dim3A_192 : vector<16xi32>
        %gather3A_194 = tpu.vector_load_idx %arg9[%add3A_193] : memref<51200xf32, #tpu.memory_space<vmem>>[vector<16xi32>], vector<16xf32>,
        %add3A_195 = arith.addi %mul3A_80, %broadcast_in_dim3A_192 : vector<16xi32>
        %gather3A_196 = tpu.vector_load_idx %arg7[%add3A_195] : memref<512xf32, #tpu.memory_space<vmem>>[vector<16xi32>], vector<16xf32>,
        %mul3A_197 = arith.mulf %gather3A_194, %gather3A_196 : vector<16xf32>
        %add3A_198 = arith.addf %add3A_190, %mul3A_197 : vector<16xf32>
        %broadcast_in_dim3A_199 = arith.constant 15 : i32
        %broadcast_in_dim3A_200 = vector.broadcast %broadcast_in_dim3A_199 : i32 to vector<16xi32>
        %add3A_201 = arith.addi %mul3A_73, %broadcast_in_dim3A_200 : vector<16xi32>
        %gather3A_202 = tpu.vector_load_idx %arg9[%add3A_201] : memref<51200xf32, #tpu.memory_space<vmem>>[vector<16xi32>], vector<16xf32>,
        %add3A_203 = arith.addi %mul3A_80, %broadcast_in_dim3A_200 : vector<16xi32>
        %gather3A_204 = tpu.vector_load_idx %arg7[%add3A_203] : memref<512xf32, #tpu.memory_space<vmem>>[vector<16xi32>], vector<16xf32>,
        %mul3A_205 = arith.mulf %gather3A_202, %gather3A_204 : vector<16xf32>
        %add3A_206 = arith.addf %add3A_198, %mul3A_205 : vector<16xf32>
        %broadcast_in_dim3A_207 = arith.constant 16 : i32
        %broadcast_in_dim3A_208 = vector.broadcast %broadcast_in_dim3A_207 : i32 to vector<16xi32>
        %add3A_209 = arith.addi %mul3A_73, %broadcast_in_dim3A_208 : vector<16xi32>
        %gather3A_210 = tpu.vector_load_idx %arg9[%add3A_209] : memref<51200xf32, #tpu.memory_space<vmem>>[vector<16xi32>], vector<16xf32>,
        %add3A_211 = arith.addi %mul3A_80, %broadcast_in_dim3A_208 : vector<16xi32>
        %gather3A_212 = tpu.vector_load_idx %arg7[%add3A_211] : memref<512xf32, #tpu.memory_space<vmem>>[vector<16xi32>], vector<16xf32>,
        %mul3A_213 = arith.mulf %gather3A_210, %gather3A_212 : vector<16xf32>
        %add3A_214 = arith.addf %add3A_206, %mul3A_213 : vector<16xf32>
        %broadcast_in_dim3A_215 = arith.constant 17 : i32
        %broadcast_in_dim3A_216 = vector.broadcast %broadcast_in_dim3A_215 : i32 to vector<16xi32>
        %add3A_217 = arith.addi %mul3A_73, %broadcast_in_dim3A_216 : vector<16xi32>
        %gather3A_218 = tpu.vector_load_idx %arg9[%add3A_217] : memref<51200xf32, #tpu.memory_space<vmem>>[vector<16xi32>], vector<16xf32>,
        %add3A_219 = arith.addi %mul3A_80, %broadcast_in_dim3A_216 : vector<16xi32>
        %gather3A_220 = tpu.vector_load_idx %arg7[%add3A_219] : memref<512xf32, #tpu.memory_space<vmem>>[vector<16xi32>], vector<16xf32>,
        %mul3A_221 = arith.mulf %gather3A_218, %gather3A_220 : vector<16xf32>
        %add3A_222 = arith.addf %add3A_214, %mul3A_221 : vector<16xf32>
        %broadcast_in_dim3A_223 = arith.constant 18 : i32
        %broadcast_in_dim3A_224 = vector.broadcast %broadcast_in_dim3A_223 : i32 to vector<16xi32>
        %add3A_225 = arith.addi %mul3A_73, %broadcast_in_dim3A_224 : vector<16xi32>
        %gather3A_226 = tpu.vector_load_idx %arg9[%add3A_225] : memref<51200xf32, #tpu.memory_space<vmem>>[vector<16xi32>], vector<16xf32>,
        %add3A_227 = arith.addi %mul3A_80, %broadcast_in_dim3A_224 : vector<16xi32>
        %gather3A_228 = tpu.vector_load_idx %arg7[%add3A_227] : memref<512xf32, #tpu.memory_space<vmem>>[vector<16xi32>], vector<16xf32>,
        %mul3A_229 = arith.mulf %gather3A_226, %gather3A_228 : vector<16xf32>
        %add3A_230 = arith.addf %add3A_222, %mul3A_229 : vector<16xf32>
        %broadcast_in_dim3A_231 = arith.constant 19 : i32
        %broadcast_in_dim3A_232 = vector.broadcast %broadcast_in_dim3A_231 : i32 to vector<16xi32>
        %add3A_233 = arith.addi %mul3A_73, %broadcast_in_dim3A_232 : vector<16xi32>
        %gather3A_234 = tpu.vector_load_idx %arg9[%add3A_233] : memref<51200xf32, #tpu.memory_space<vmem>>[vector<16xi32>], vector<16xf32>,
        %add3A_235 = arith.addi %mul3A_80, %broadcast_in_dim3A_232 : vector<16xi32>
        %gather3A_236 = tpu.vector_load_idx %arg7[%add3A_235] : memref<512xf32, #tpu.memory_space<vmem>>[vector<16xi32>], vector<16xf32>,
        %mul3A_237 = arith.mulf %gather3A_234, %gather3A_236 : vector<16xf32>
        %add3A_238 = arith.addf %add3A_230, %mul3A_237 : vector<16xf32>
        %broadcast_in_dim3A_239 = arith.constant 20 : i32
        %broadcast_in_dim3A_240 = vector.broadcast %broadcast_in_dim3A_239 : i32 to vector<16xi32>
        %add3A_241 = arith.addi %mul3A_73, %broadcast_in_dim3A_240 : vector<16xi32>
        %gather3A_242 = tpu.vector_load_idx %arg9[%add3A_241] : memref<51200xf32, #tpu.memory_space<vmem>>[vector<16xi32>], vector<16xf32>,
        %add3A_243 = arith.addi %mul3A_80, %broadcast_in_dim3A_240 : vector<16xi32>
        %gather3A_244 = tpu.vector_load_idx %arg7[%add3A_243] : memref<512xf32, #tpu.memory_space<vmem>>[vector<16xi32>], vector<16xf32>,
        %mul3A_245 = arith.mulf %gather3A_242, %gather3A_244 : vector<16xf32>
        %add3A_246 = arith.addf %add3A_238, %mul3A_245 : vector<16xf32>
        %broadcast_in_dim3A_247 = arith.constant 21 : i32
        %broadcast_in_dim3A_248 = vector.broadcast %broadcast_in_dim3A_247 : i32 to vector<16xi32>
        %add3A_249 = arith.addi %mul3A_73, %broadcast_in_dim3A_248 : vector<16xi32>
        %gather3A_250 = tpu.vector_load_idx %arg9[%add3A_249] : memref<51200xf32, #tpu.memory_space<vmem>>[vector<16xi32>], vector<16xf32>,
        %add3A_251 = arith.addi %mul3A_80, %broadcast_in_dim3A_248 : vector<16xi32>
        %gather3A_252 = tpu.vector_load_idx %arg7[%add3A_251] : memref<512xf32, #tpu.memory_space<vmem>>[vector<16xi32>], vector<16xf32>,
        %mul3A_253 = arith.mulf %gather3A_250, %gather3A_252 : vector<16xf32>
        %add3A_254 = arith.addf %add3A_246, %mul3A_253 : vector<16xf32>
        %broadcast_in_dim3A_255 = arith.constant 22 : i32
        %broadcast_in_dim3A_256 = vector.broadcast %broadcast_in_dim3A_255 : i32 to vector<16xi32>
        %add3A_257 = arith.addi %mul3A_73, %broadcast_in_dim3A_256 : vector<16xi32>
        %gather3A_258 = tpu.vector_load_idx %arg9[%add3A_257] : memref<51200xf32, #tpu.memory_space<vmem>>[vector<16xi32>], vector<16xf32>,
        %add3A_259 = arith.addi %mul3A_80, %broadcast_in_dim3A_256 : vector<16xi32>
        %gather3A_260 = tpu.vector_load_idx %arg7[%add3A_259] : memref<512xf32, #tpu.memory_space<vmem>>[vector<16xi32>], vector<16xf32>,
        %mul3A_261 = arith.mulf %gather3A_258, %gather3A_260 : vector<16xf32>
        %add3A_262 = arith.addf %add3A_254, %mul3A_261 : vector<16xf32>
        %broadcast_in_dim3A_263 = arith.constant 23 : i32
        %broadcast_in_dim3A_264 = vector.broadcast %broadcast_in_dim3A_263 : i32 to vector<16xi32>
        %add3A_265 = arith.addi %mul3A_73, %broadcast_in_dim3A_264 : vector<16xi32>
        %gather3A_266 = tpu.vector_load_idx %arg9[%add3A_265] : memref<51200xf32, #tpu.memory_space<vmem>>[vector<16xi32>], vector<16xf32>,
        %add3A_267 = arith.addi %mul3A_80, %broadcast_in_dim3A_264 : vector<16xi32>
        %gather3A_268 = tpu.vector_load_idx %arg7[%add3A_267] : memref<512xf32, #tpu.memory_space<vmem>>[vector<16xi32>], vector<16xf32>,
        %mul3A_269 = arith.mulf %gather3A_266, %gather3A_268 : vector<16xf32>
        %add3A_270 = arith.addf %add3A_262, %mul3A_269 : vector<16xf32>
        %broadcast_in_dim3A_271 = arith.constant 24 : i32
        %broadcast_in_dim3A_272 = vector.broadcast %broadcast_in_dim3A_271 : i32 to vector<16xi32>
        %add3A_273 = arith.addi %mul3A_73, %broadcast_in_dim3A_272 : vector<16xi32>
        %gather3A_274 = tpu.vector_load_idx %arg9[%add3A_273] : memref<51200xf32, #tpu.memory_space<vmem>>[vector<16xi32>], vector<16xf32>,
        %add3A_275 = arith.addi %mul3A_80, %broadcast_in_dim3A_272 : vector<16xi32>
        %gather3A_276 = tpu.vector_load_idx %arg7[%add3A_275] : memref<512xf32, #tpu.memory_space<vmem>>[vector<16xi32>], vector<16xf32>,
        %mul3A_277 = arith.mulf %gather3A_274, %gather3A_276 : vector<16xf32>
        %add3A_278 = arith.addf %add3A_270, %mul3A_277 : vector<16xf32>
        %broadcast_in_dim3A_279 = arith.constant 25 : i32
        %broadcast_in_dim3A_280 = vector.broadcast %broadcast_in_dim3A_279 : i32 to vector<16xi32>
        %add3A_281 = arith.addi %mul3A_73, %broadcast_in_dim3A_280 : vector<16xi32>
        %gather3A_282 = tpu.vector_load_idx %arg9[%add3A_281] : memref<51200xf32, #tpu.memory_space<vmem>>[vector<16xi32>], vector<16xf32>,
        %add3A_283 = arith.addi %mul3A_80, %broadcast_in_dim3A_280 : vector<16xi32>
        %gather3A_284 = tpu.vector_load_idx %arg7[%add3A_283] : memref<512xf32, #tpu.memory_space<vmem>>[vector<16xi32>], vector<16xf32>,
        %mul3A_285 = arith.mulf %gather3A_282, %gather3A_284 : vector<16xf32>
        %add3A_286 = arith.addf %add3A_278, %mul3A_285 : vector<16xf32>
        %broadcast_in_dim3A_287 = arith.constant 26 : i32
        %broadcast_in_dim3A_288 = vector.broadcast %broadcast_in_dim3A_287 : i32 to vector<16xi32>
        %add3A_289 = arith.addi %mul3A_73, %broadcast_in_dim3A_288 : vector<16xi32>
        %gather3A_290 = tpu.vector_load_idx %arg9[%add3A_289] : memref<51200xf32, #tpu.memory_space<vmem>>[vector<16xi32>], vector<16xf32>,
        %add3A_291 = arith.addi %mul3A_80, %broadcast_in_dim3A_288 : vector<16xi32>
        %gather3A_292 = tpu.vector_load_idx %arg7[%add3A_291] : memref<512xf32, #tpu.memory_space<vmem>>[vector<16xi32>], vector<16xf32>,
        %mul3A_293 = arith.mulf %gather3A_290, %gather3A_292 : vector<16xf32>
        %add3A_294 = arith.addf %add3A_286, %mul3A_293 : vector<16xf32>
        %broadcast_in_dim3A_295 = arith.constant 27 : i32
        %broadcast_in_dim3A_296 = vector.broadcast %broadcast_in_dim3A_295 : i32 to vector<16xi32>
        %add3A_297 = arith.addi %mul3A_73, %broadcast_in_dim3A_296 : vector<16xi32>
        %gather3A_298 = tpu.vector_load_idx %arg9[%add3A_297] : memref<51200xf32, #tpu.memory_space<vmem>>[vector<16xi32>], vector<16xf32>,
        %add3A_299 = arith.addi %mul3A_80, %broadcast_in_dim3A_296 : vector<16xi32>
        %gather3A_300 = tpu.vector_load_idx %arg7[%add3A_299] : memref<512xf32, #tpu.memory_space<vmem>>[vector<16xi32>], vector<16xf32>,
        %mul3A_301 = arith.mulf %gather3A_298, %gather3A_300 : vector<16xf32>
        %add3A_302 = arith.addf %add3A_294, %mul3A_301 : vector<16xf32>
        %broadcast_in_dim3A_303 = arith.constant 28 : i32
        %broadcast_in_dim3A_304 = vector.broadcast %broadcast_in_dim3A_303 : i32 to vector<16xi32>
        %add3A_305 = arith.addi %mul3A_73, %broadcast_in_dim3A_304 : vector<16xi32>
        %gather3A_306 = tpu.vector_load_idx %arg9[%add3A_305] : memref<51200xf32, #tpu.memory_space<vmem>>[vector<16xi32>], vector<16xf32>,
        %add3A_307 = arith.addi %mul3A_80, %broadcast_in_dim3A_304 : vector<16xi32>
        %gather3A_308 = tpu.vector_load_idx %arg7[%add3A_307] : memref<512xf32, #tpu.memory_space<vmem>>[vector<16xi32>], vector<16xf32>,
        %mul3A_309 = arith.mulf %gather3A_306, %gather3A_308 : vector<16xf32>
        %add3A_310 = arith.addf %add3A_302, %mul3A_309 : vector<16xf32>
        %broadcast_in_dim3A_311 = arith.constant 29 : i32
        %broadcast_in_dim3A_312 = vector.broadcast %broadcast_in_dim3A_311 : i32 to vector<16xi32>
        %add3A_313 = arith.addi %mul3A_73, %broadcast_in_dim3A_312 : vector<16xi32>
        %gather3A_314 = tpu.vector_load_idx %arg9[%add3A_313] : memref<51200xf32, #tpu.memory_space<vmem>>[vector<16xi32>], vector<16xf32>,
        %add3A_315 = arith.addi %mul3A_80, %broadcast_in_dim3A_312 : vector<16xi32>
        %gather3A_316 = tpu.vector_load_idx %arg7[%add3A_315] : memref<512xf32, #tpu.memory_space<vmem>>[vector<16xi32>], vector<16xf32>,
        %mul3A_317 = arith.mulf %gather3A_314, %gather3A_316 : vector<16xf32>
        %add3A_318 = arith.addf %add3A_310, %mul3A_317 : vector<16xf32>
        %broadcast_in_dim3A_319 = arith.constant 30 : i32
        %broadcast_in_dim3A_320 = vector.broadcast %broadcast_in_dim3A_319 : i32 to vector<16xi32>
        %add3A_321 = arith.addi %mul3A_73, %broadcast_in_dim3A_320 : vector<16xi32>
        %gather3A_322 = tpu.vector_load_idx %arg9[%add3A_321] : memref<51200xf32, #tpu.memory_space<vmem>>[vector<16xi32>], vector<16xf32>,
        %add3A_323 = arith.addi %mul3A_80, %broadcast_in_dim3A_320 : vector<16xi32>
        %gather3A_324 = tpu.vector_load_idx %arg7[%add3A_323] : memref<512xf32, #tpu.memory_space<vmem>>[vector<16xi32>], vector<16xf32>,
        %mul3A_325 = arith.mulf %gather3A_322, %gather3A_324 : vector<16xf32>
        %add3A_326 = arith.addf %add3A_318, %mul3A_325 : vector<16xf32>
        %broadcast_in_dim3A_327 = arith.constant 31 : i32
        %broadcast_in_dim3A_328 = vector.broadcast %broadcast_in_dim3A_327 : i32 to vector<16xi32>
        %add3A_329 = arith.addi %mul3A_73, %broadcast_in_dim3A_328 : vector<16xi32>
        %gather3A_330 = tpu.vector_load_idx %arg9[%add3A_329] : memref<51200xf32, #tpu.memory_space<vmem>>[vector<16xi32>], vector<16xf32>,
        %add3A_331 = arith.addi %mul3A_80, %broadcast_in_dim3A_328 : vector<16xi32>
        %gather3A_332 = tpu.vector_load_idx %arg7[%add3A_331] : memref<512xf32, #tpu.memory_space<vmem>>[vector<16xi32>], vector<16xf32>,
        %mul3A_333 = arith.mulf %gather3A_330, %gather3A_332 : vector<16xf32>
        %add3A_334 = arith.addf %add3A_326, %mul3A_333 : vector<16xf32>
        %broadcast_in_dim3A_335 = arith.constant 32 : i32
        %broadcast_in_dim3A_336 = vector.broadcast %broadcast_in_dim3A_335 : i32 to vector<16xi32>
        %add3A_337 = arith.addi %mul3A_73, %broadcast_in_dim3A_336 : vector<16xi32>
        %gather3A_338 = tpu.vector_load_idx %arg9[%add3A_337] : memref<51200xf32, #tpu.memory_space<vmem>>[vector<16xi32>], vector<16xf32>,
        %add3A_339 = arith.addi %mul3A_80, %broadcast_in_dim3A_336 : vector<16xi32>
        %gather3A_340 = tpu.vector_load_idx %arg7[%add3A_339] : memref<512xf32, #tpu.memory_space<vmem>>[vector<16xi32>], vector<16xf32>,
        %mul3A_341 = arith.mulf %gather3A_338, %gather3A_340 : vector<16xf32>
        %add3A_342 = arith.addf %add3A_334, %mul3A_341 : vector<16xf32>
        %broadcast_in_dim3A_343 = arith.constant 33 : i32
        %broadcast_in_dim3A_344 = vector.broadcast %broadcast_in_dim3A_343 : i32 to vector<16xi32>
        %add3A_345 = arith.addi %mul3A_73, %broadcast_in_dim3A_344 : vector<16xi32>
        %gather3A_346 = tpu.vector_load_idx %arg9[%add3A_345] : memref<51200xf32, #tpu.memory_space<vmem>>[vector<16xi32>], vector<16xf32>,
        %add3A_347 = arith.addi %mul3A_80, %broadcast_in_dim3A_344 : vector<16xi32>
        %gather3A_348 = tpu.vector_load_idx %arg7[%add3A_347] : memref<512xf32, #tpu.memory_space<vmem>>[vector<16xi32>], vector<16xf32>,
        %mul3A_349 = arith.mulf %gather3A_346, %gather3A_348 : vector<16xf32>
        %add3A_350 = arith.addf %add3A_342, %mul3A_349 : vector<16xf32>
        %broadcast_in_dim3A_351 = arith.constant 34 : i32
        %broadcast_in_dim3A_352 = vector.broadcast %broadcast_in_dim3A_351 : i32 to vector<16xi32>
        %add3A_353 = arith.addi %mul3A_73, %broadcast_in_dim3A_352 : vector<16xi32>
        %gather3A_354 = tpu.vector_load_idx %arg9[%add3A_353] : memref<51200xf32, #tpu.memory_space<vmem>>[vector<16xi32>], vector<16xf32>,
        %add3A_355 = arith.addi %mul3A_80, %broadcast_in_dim3A_352 : vector<16xi32>
        %gather3A_356 = tpu.vector_load_idx %arg7[%add3A_355] : memref<512xf32, #tpu.memory_space<vmem>>[vector<16xi32>], vector<16xf32>,
        %mul3A_357 = arith.mulf %gather3A_354, %gather3A_356 : vector<16xf32>
        %add3A_358 = arith.addf %add3A_350, %mul3A_357 : vector<16xf32>
        %broadcast_in_dim3A_359 = arith.constant 35 : i32
        %broadcast_in_dim3A_360 = vector.broadcast %broadcast_in_dim3A_359 : i32 to vector<16xi32>
        %add3A_361 = arith.addi %mul3A_73, %broadcast_in_dim3A_360 : vector<16xi32>
        %gather3A_362 = tpu.vector_load_idx %arg9[%add3A_361] : memref<51200xf32, #tpu.memory_space<vmem>>[vector<16xi32>], vector<16xf32>,
        %add3A_363 = arith.addi %mul3A_80, %broadcast_in_dim3A_360 : vector<16xi32>
        %gather3A_364 = tpu.vector_load_idx %arg7[%add3A_363] : memref<512xf32, #tpu.memory_space<vmem>>[vector<16xi32>], vector<16xf32>,
        %mul3A_365 = arith.mulf %gather3A_362, %gather3A_364 : vector<16xf32>
        %add3A_366 = arith.addf %add3A_358, %mul3A_365 : vector<16xf32>
        %broadcast_in_dim3A_367 = arith.constant 36 : i32
        %broadcast_in_dim3A_368 = vector.broadcast %broadcast_in_dim3A_367 : i32 to vector<16xi32>
        %add3A_369 = arith.addi %mul3A_73, %broadcast_in_dim3A_368 : vector<16xi32>
        %gather3A_370 = tpu.vector_load_idx %arg9[%add3A_369] : memref<51200xf32, #tpu.memory_space<vmem>>[vector<16xi32>], vector<16xf32>,
        %add3A_371 = arith.addi %mul3A_80, %broadcast_in_dim3A_368 : vector<16xi32>
        %gather3A_372 = tpu.vector_load_idx %arg7[%add3A_371] : memref<512xf32, #tpu.memory_space<vmem>>[vector<16xi32>], vector<16xf32>,
        %mul3A_373 = arith.mulf %gather3A_370, %gather3A_372 : vector<16xf32>
        %add3A_374 = arith.addf %add3A_366, %mul3A_373 : vector<16xf32>
        %broadcast_in_dim3A_375 = arith.constant 37 : i32
        %broadcast_in_dim3A_376 = vector.broadcast %broadcast_in_dim3A_375 : i32 to vector<16xi32>
        %add3A_377 = arith.addi %mul3A_73, %broadcast_in_dim3A_376 : vector<16xi32>
        %gather3A_378 = tpu.vector_load_idx %arg9[%add3A_377] : memref<51200xf32, #tpu.memory_space<vmem>>[vector<16xi32>], vector<16xf32>,
        %add3A_379 = arith.addi %mul3A_80, %broadcast_in_dim3A_376 : vector<16xi32>
        %gather3A_380 = tpu.vector_load_idx %arg7[%add3A_379] : memref<512xf32, #tpu.memory_space<vmem>>[vector<16xi32>], vector<16xf32>,
        %mul3A_381 = arith.mulf %gather3A_378, %gather3A_380 : vector<16xf32>
        %add3A_382 = arith.addf %add3A_374, %mul3A_381 : vector<16xf32>
        %broadcast_in_dim3A_383 = arith.constant 38 : i32
        %broadcast_in_dim3A_384 = vector.broadcast %broadcast_in_dim3A_383 : i32 to vector<16xi32>
        %add3A_385 = arith.addi %mul3A_73, %broadcast_in_dim3A_384 : vector<16xi32>
        %gather3A_386 = tpu.vector_load_idx %arg9[%add3A_385] : memref<51200xf32, #tpu.memory_space<vmem>>[vector<16xi32>], vector<16xf32>,
        %add3A_387 = arith.addi %mul3A_80, %broadcast_in_dim3A_384 : vector<16xi32>
        %gather3A_388 = tpu.vector_load_idx %arg7[%add3A_387] : memref<512xf32, #tpu.memory_space<vmem>>[vector<16xi32>], vector<16xf32>,
        %mul3A_389 = arith.mulf %gather3A_386, %gather3A_388 : vector<16xf32>
        %add3A_390 = arith.addf %add3A_382, %mul3A_389 : vector<16xf32>
        %broadcast_in_dim3A_391 = arith.constant 39 : i32
        %broadcast_in_dim3A_392 = vector.broadcast %broadcast_in_dim3A_391 : i32 to vector<16xi32>
        %add3A_393 = arith.addi %mul3A_73, %broadcast_in_dim3A_392 : vector<16xi32>
        %gather3A_394 = tpu.vector_load_idx %arg9[%add3A_393] : memref<51200xf32, #tpu.memory_space<vmem>>[vector<16xi32>], vector<16xf32>,
        %add3A_395 = arith.addi %mul3A_80, %broadcast_in_dim3A_392 : vector<16xi32>
        %gather3A_396 = tpu.vector_load_idx %arg7[%add3A_395] : memref<512xf32, #tpu.memory_space<vmem>>[vector<16xi32>], vector<16xf32>,
        %mul3A_397 = arith.mulf %gather3A_394, %gather3A_396 : vector<16xf32>
        %add3A_398 = arith.addf %add3A_390, %mul3A_397 : vector<16xf32>
        %broadcast_in_dim3A_399 = arith.constant 40 : i32
        %broadcast_in_dim3A_400 = vector.broadcast %broadcast_in_dim3A_399 : i32 to vector<16xi32>
        %add3A_401 = arith.addi %mul3A_73, %broadcast_in_dim3A_400 : vector<16xi32>
        %gather3A_402 = tpu.vector_load_idx %arg9[%add3A_401] : memref<51200xf32, #tpu.memory_space<vmem>>[vector<16xi32>], vector<16xf32>,
        %add3A_403 = arith.addi %mul3A_80, %broadcast_in_dim3A_400 : vector<16xi32>
        %gather3A_404 = tpu.vector_load_idx %arg7[%add3A_403] : memref<512xf32, #tpu.memory_space<vmem>>[vector<16xi32>], vector<16xf32>,
        %mul3A_405 = arith.mulf %gather3A_402, %gather3A_404 : vector<16xf32>
        %add3A_406 = arith.addf %add3A_398, %mul3A_405 : vector<16xf32>
        %broadcast_in_dim3A_407 = arith.constant 41 : i32
        %broadcast_in_dim3A_408 = vector.broadcast %broadcast_in_dim3A_407 : i32 to vector<16xi32>
        %add3A_409 = arith.addi %mul3A_73, %broadcast_in_dim3A_408 : vector<16xi32>
        %gather3A_410 = tpu.vector_load_idx %arg9[%add3A_409] : memref<51200xf32, #tpu.memory_space<vmem>>[vector<16xi32>], vector<16xf32>,
        %add3A_411 = arith.addi %mul3A_80, %broadcast_in_dim3A_408 : vector<16xi32>
        %gather3A_412 = tpu.vector_load_idx %arg7[%add3A_411] : memref<512xf32, #tpu.memory_space<vmem>>[vector<16xi32>], vector<16xf32>,
        %mul3A_413 = arith.mulf %gather3A_410, %gather3A_412 : vector<16xf32>
        %add3A_414 = arith.addf %add3A_406, %mul3A_413 : vector<16xf32>
        %broadcast_in_dim3A_415 = arith.constant 42 : i32
        %broadcast_in_dim3A_416 = vector.broadcast %broadcast_in_dim3A_415 : i32 to vector<16xi32>
        %add3A_417 = arith.addi %mul3A_73, %broadcast_in_dim3A_416 : vector<16xi32>
        %gather3A_418 = tpu.vector_load_idx %arg9[%add3A_417] : memref<51200xf32, #tpu.memory_space<vmem>>[vector<16xi32>], vector<16xf32>,
        %add3A_419 = arith.addi %mul3A_80, %broadcast_in_dim3A_416 : vector<16xi32>
        %gather3A_420 = tpu.vector_load_idx %arg7[%add3A_419] : memref<512xf32, #tpu.memory_space<vmem>>[vector<16xi32>], vector<16xf32>,
        %mul3A_421 = arith.mulf %gather3A_418, %gather3A_420 : vector<16xf32>
        %add3A_422 = arith.addf %add3A_414, %mul3A_421 : vector<16xf32>
        %broadcast_in_dim3A_423 = arith.constant 43 : i32
        %broadcast_in_dim3A_424 = vector.broadcast %broadcast_in_dim3A_423 : i32 to vector<16xi32>
        %add3A_425 = arith.addi %mul3A_73, %broadcast_in_dim3A_424 : vector<16xi32>
        %gather3A_426 = tpu.vector_load_idx %arg9[%add3A_425] : memref<51200xf32, #tpu.memory_space<vmem>>[vector<16xi32>], vector<16xf32>,
        %add3A_427 = arith.addi %mul3A_80, %broadcast_in_dim3A_424 : vector<16xi32>
        %gather3A_428 = tpu.vector_load_idx %arg7[%add3A_427] : memref<512xf32, #tpu.memory_space<vmem>>[vector<16xi32>], vector<16xf32>,
        %mul3A_429 = arith.mulf %gather3A_426, %gather3A_428 : vector<16xf32>
        %add3A_430 = arith.addf %add3A_422, %mul3A_429 : vector<16xf32>
        %broadcast_in_dim3A_431 = arith.constant 44 : i32
        %broadcast_in_dim3A_432 = vector.broadcast %broadcast_in_dim3A_431 : i32 to vector<16xi32>
        %add3A_433 = arith.addi %mul3A_73, %broadcast_in_dim3A_432 : vector<16xi32>
        %gather3A_434 = tpu.vector_load_idx %arg9[%add3A_433] : memref<51200xf32, #tpu.memory_space<vmem>>[vector<16xi32>], vector<16xf32>,
        %add3A_435 = arith.addi %mul3A_80, %broadcast_in_dim3A_432 : vector<16xi32>
        %gather3A_436 = tpu.vector_load_idx %arg7[%add3A_435] : memref<512xf32, #tpu.memory_space<vmem>>[vector<16xi32>], vector<16xf32>,
        %mul3A_437 = arith.mulf %gather3A_434, %gather3A_436 : vector<16xf32>
        %add3A_438 = arith.addf %add3A_430, %mul3A_437 : vector<16xf32>
        %broadcast_in_dim3A_439 = arith.constant 45 : i32
        %broadcast_in_dim3A_440 = vector.broadcast %broadcast_in_dim3A_439 : i32 to vector<16xi32>
        %add3A_441 = arith.addi %mul3A_73, %broadcast_in_dim3A_440 : vector<16xi32>
        %gather3A_442 = tpu.vector_load_idx %arg9[%add3A_441] : memref<51200xf32, #tpu.memory_space<vmem>>[vector<16xi32>], vector<16xf32>,
        %add3A_443 = arith.addi %mul3A_80, %broadcast_in_dim3A_440 : vector<16xi32>
        %gather3A_444 = tpu.vector_load_idx %arg7[%add3A_443] : memref<512xf32, #tpu.memory_space<vmem>>[vector<16xi32>], vector<16xf32>,
        %mul3A_445 = arith.mulf %gather3A_442, %gather3A_444 : vector<16xf32>
        %add3A_446 = arith.addf %add3A_438, %mul3A_445 : vector<16xf32>
        %broadcast_in_dim3A_447 = arith.constant 46 : i32
        %broadcast_in_dim3A_448 = vector.broadcast %broadcast_in_dim3A_447 : i32 to vector<16xi32>
        %add3A_449 = arith.addi %mul3A_73, %broadcast_in_dim3A_448 : vector<16xi32>
        %gather3A_450 = tpu.vector_load_idx %arg9[%add3A_449] : memref<51200xf32, #tpu.memory_space<vmem>>[vector<16xi32>], vector<16xf32>,
        %add3A_451 = arith.addi %mul3A_80, %broadcast_in_dim3A_448 : vector<16xi32>
        %gather3A_452 = tpu.vector_load_idx %arg7[%add3A_451] : memref<512xf32, #tpu.memory_space<vmem>>[vector<16xi32>], vector<16xf32>,
        %mul3A_453 = arith.mulf %gather3A_450, %gather3A_452 : vector<16xf32>
        %add3A_454 = arith.addf %add3A_446, %mul3A_453 : vector<16xf32>
        %broadcast_in_dim3A_455 = arith.constant 47 : i32
        %broadcast_in_dim3A_456 = vector.broadcast %broadcast_in_dim3A_455 : i32 to vector<16xi32>
        %add3A_457 = arith.addi %mul3A_73, %broadcast_in_dim3A_456 : vector<16xi32>
        %gather3A_458 = tpu.vector_load_idx %arg9[%add3A_457] : memref<51200xf32, #tpu.memory_space<vmem>>[vector<16xi32>], vector<16xf32>,
        %add3A_459 = arith.addi %mul3A_80, %broadcast_in_dim3A_456 : vector<16xi32>
        %gather3A_460 = tpu.vector_load_idx %arg7[%add3A_459] : memref<512xf32, #tpu.memory_space<vmem>>[vector<16xi32>], vector<16xf32>,
        %mul3A_461 = arith.mulf %gather3A_458, %gather3A_460 : vector<16xf32>
        %add3A_462 = arith.addf %add3A_454, %mul3A_461 : vector<16xf32>
        %broadcast_in_dim3A_463 = arith.constant 48 : i32
        %broadcast_in_dim3A_464 = vector.broadcast %broadcast_in_dim3A_463 : i32 to vector<16xi32>
        %add3A_465 = arith.addi %mul3A_73, %broadcast_in_dim3A_464 : vector<16xi32>
        %gather3A_466 = tpu.vector_load_idx %arg9[%add3A_465] : memref<51200xf32, #tpu.memory_space<vmem>>[vector<16xi32>], vector<16xf32>,
        %add3A_467 = arith.addi %mul3A_80, %broadcast_in_dim3A_464 : vector<16xi32>
        %gather3A_468 = tpu.vector_load_idx %arg7[%add3A_467] : memref<512xf32, #tpu.memory_space<vmem>>[vector<16xi32>], vector<16xf32>,
        %mul3A_469 = arith.mulf %gather3A_466, %gather3A_468 : vector<16xf32>
        %add3A_470 = arith.addf %add3A_462, %mul3A_469 : vector<16xf32>
        %broadcast_in_dim3A_471 = arith.constant 49 : i32
        %broadcast_in_dim3A_472 = vector.broadcast %broadcast_in_dim3A_471 : i32 to vector<16xi32>
        %add3A_473 = arith.addi %mul3A_73, %broadcast_in_dim3A_472 : vector<16xi32>
        %gather3A_474 = tpu.vector_load_idx %arg9[%add3A_473] : memref<51200xf32, #tpu.memory_space<vmem>>[vector<16xi32>], vector<16xf32>,
        %add3A_475 = arith.addi %mul3A_80, %broadcast_in_dim3A_472 : vector<16xi32>
        %gather3A_476 = tpu.vector_load_idx %arg7[%add3A_475] : memref<512xf32, #tpu.memory_space<vmem>>[vector<16xi32>], vector<16xf32>,
        %mul3A_477 = arith.mulf %gather3A_474, %gather3A_476 : vector<16xf32>
        %add3A_478 = arith.addf %add3A_470, %mul3A_477 : vector<16xf32>
        %broadcast_in_dim3A_479 = arith.constant 50 : i32
        %broadcast_in_dim3A_480 = vector.broadcast %broadcast_in_dim3A_479 : i32 to vector<16xi32>
        %add3A_481 = arith.addi %mul3A_73, %broadcast_in_dim3A_480 : vector<16xi32>
        %gather3A_482 = tpu.vector_load_idx %arg9[%add3A_481] : memref<51200xf32, #tpu.memory_space<vmem>>[vector<16xi32>], vector<16xf32>,
        %add3A_483 = arith.addi %mul3A_80, %broadcast_in_dim3A_480 : vector<16xi32>
        %gather3A_484 = tpu.vector_load_idx %arg7[%add3A_483] : memref<512xf32, #tpu.memory_space<vmem>>[vector<16xi32>], vector<16xf32>,
        %mul3A_485 = arith.mulf %gather3A_482, %gather3A_484 : vector<16xf32>
        %add3A_486 = arith.addf %add3A_478, %mul3A_485 : vector<16xf32>
        %broadcast_in_dim3A_487 = arith.constant 51 : i32
        %broadcast_in_dim3A_488 = vector.broadcast %broadcast_in_dim3A_487 : i32 to vector<16xi32>
        %add3A_489 = arith.addi %mul3A_73, %broadcast_in_dim3A_488 : vector<16xi32>
        %gather3A_490 = tpu.vector_load_idx %arg9[%add3A_489] : memref<51200xf32, #tpu.memory_space<vmem>>[vector<16xi32>], vector<16xf32>,
        %add3A_491 = arith.addi %mul3A_80, %broadcast_in_dim3A_488 : vector<16xi32>
        %gather3A_492 = tpu.vector_load_idx %arg7[%add3A_491] : memref<512xf32, #tpu.memory_space<vmem>>[vector<16xi32>], vector<16xf32>,
        %mul3A_493 = arith.mulf %gather3A_490, %gather3A_492 : vector<16xf32>
        %add3A_494 = arith.addf %add3A_486, %mul3A_493 : vector<16xf32>
        %broadcast_in_dim3A_495 = arith.constant 52 : i32
        %broadcast_in_dim3A_496 = vector.broadcast %broadcast_in_dim3A_495 : i32 to vector<16xi32>
        %add3A_497 = arith.addi %mul3A_73, %broadcast_in_dim3A_496 : vector<16xi32>
        %gather3A_498 = tpu.vector_load_idx %arg9[%add3A_497] : memref<51200xf32, #tpu.memory_space<vmem>>[vector<16xi32>], vector<16xf32>,
        %add3A_499 = arith.addi %mul3A_80, %broadcast_in_dim3A_496 : vector<16xi32>
        %gather3A_500 = tpu.vector_load_idx %arg7[%add3A_499] : memref<512xf32, #tpu.memory_space<vmem>>[vector<16xi32>], vector<16xf32>,
        %mul3A_501 = arith.mulf %gather3A_498, %gather3A_500 : vector<16xf32>
        %add3A_502 = arith.addf %add3A_494, %mul3A_501 : vector<16xf32>
        %broadcast_in_dim3A_503 = arith.constant 53 : i32
        %broadcast_in_dim3A_504 = vector.broadcast %broadcast_in_dim3A_503 : i32 to vector<16xi32>
        %add3A_505 = arith.addi %mul3A_73, %broadcast_in_dim3A_504 : vector<16xi32>
        %gather3A_506 = tpu.vector_load_idx %arg9[%add3A_505] : memref<51200xf32, #tpu.memory_space<vmem>>[vector<16xi32>], vector<16xf32>,
        %add3A_507 = arith.addi %mul3A_80, %broadcast_in_dim3A_504 : vector<16xi32>
        %gather3A_508 = tpu.vector_load_idx %arg7[%add3A_507] : memref<512xf32, #tpu.memory_space<vmem>>[vector<16xi32>], vector<16xf32>,
        %mul3A_509 = arith.mulf %gather3A_506, %gather3A_508 : vector<16xf32>
        %add3A_510 = arith.addf %add3A_502, %mul3A_509 : vector<16xf32>
        %broadcast_in_dim3A_511 = arith.constant 54 : i32
        %broadcast_in_dim3A_512 = vector.broadcast %broadcast_in_dim3A_511 : i32 to vector<16xi32>
        %add3A_513 = arith.addi %mul3A_73, %broadcast_in_dim3A_512 : vector<16xi32>
        %gather3A_514 = tpu.vector_load_idx %arg9[%add3A_513] : memref<51200xf32, #tpu.memory_space<vmem>>[vector<16xi32>], vector<16xf32>,
        %add3A_515 = arith.addi %mul3A_80, %broadcast_in_dim3A_512 : vector<16xi32>
        %gather3A_516 = tpu.vector_load_idx %arg7[%add3A_515] : memref<512xf32, #tpu.memory_space<vmem>>[vector<16xi32>], vector<16xf32>,
        %mul3A_517 = arith.mulf %gather3A_514, %gather3A_516 : vector<16xf32>
        %add3A_518 = arith.addf %add3A_510, %mul3A_517 : vector<16xf32>
        %broadcast_in_dim3A_519 = arith.constant 55 : i32
        %broadcast_in_dim3A_520 = vector.broadcast %broadcast_in_dim3A_519 : i32 to vector<16xi32>
        %add3A_521 = arith.addi %mul3A_73, %broadcast_in_dim3A_520 : vector<16xi32>
        %gather3A_522 = tpu.vector_load_idx %arg9[%add3A_521] : memref<51200xf32, #tpu.memory_space<vmem>>[vector<16xi32>], vector<16xf32>,
        %add3A_523 = arith.addi %mul3A_80, %broadcast_in_dim3A_520 : vector<16xi32>
        %gather3A_524 = tpu.vector_load_idx %arg7[%add3A_523] : memref<512xf32, #tpu.memory_space<vmem>>[vector<16xi32>], vector<16xf32>,
        %mul3A_525 = arith.mulf %gather3A_522, %gather3A_524 : vector<16xf32>
        %add3A_526 = arith.addf %add3A_518, %mul3A_525 : vector<16xf32>
        %broadcast_in_dim3A_527 = arith.constant 56 : i32
        %broadcast_in_dim3A_528 = vector.broadcast %broadcast_in_dim3A_527 : i32 to vector<16xi32>
        %add3A_529 = arith.addi %mul3A_73, %broadcast_in_dim3A_528 : vector<16xi32>
        %gather3A_530 = tpu.vector_load_idx %arg9[%add3A_529] : memref<51200xf32, #tpu.memory_space<vmem>>[vector<16xi32>], vector<16xf32>,
        %add3A_531 = arith.addi %mul3A_80, %broadcast_in_dim3A_528 : vector<16xi32>
        %gather3A_532 = tpu.vector_load_idx %arg7[%add3A_531] : memref<512xf32, #tpu.memory_space<vmem>>[vector<16xi32>], vector<16xf32>,
        %mul3A_533 = arith.mulf %gather3A_530, %gather3A_532 : vector<16xf32>
        %add3A_534 = arith.addf %add3A_526, %mul3A_533 : vector<16xf32>
        %broadcast_in_dim3A_535 = arith.constant 57 : i32
        %broadcast_in_dim3A_536 = vector.broadcast %broadcast_in_dim3A_535 : i32 to vector<16xi32>
        %add3A_537 = arith.addi %mul3A_73, %broadcast_in_dim3A_536 : vector<16xi32>
        %gather3A_538 = tpu.vector_load_idx %arg9[%add3A_537] : memref<51200xf32, #tpu.memory_space<vmem>>[vector<16xi32>], vector<16xf32>,
        %add3A_539 = arith.addi %mul3A_80, %broadcast_in_dim3A_536 : vector<16xi32>
        %gather3A_540 = tpu.vector_load_idx %arg7[%add3A_539] : memref<512xf32, #tpu.memory_space<vmem>>[vector<16xi32>], vector<16xf32>,
        %mul3A_541 = arith.mulf %gather3A_538, %gather3A_540 : vector<16xf32>
        %add3A_542 = arith.addf %add3A_534, %mul3A_541 : vector<16xf32>
        %broadcast_in_dim3A_543 = arith.constant 58 : i32
        %broadcast_in_dim3A_544 = vector.broadcast %broadcast_in_dim3A_543 : i32 to vector<16xi32>
        %add3A_545 = arith.addi %mul3A_73, %broadcast_in_dim3A_544 : vector<16xi32>
        %gather3A_546 = tpu.vector_load_idx %arg9[%add3A_545] : memref<51200xf32, #tpu.memory_space<vmem>>[vector<16xi32>], vector<16xf32>,
        %add3A_547 = arith.addi %mul3A_80, %broadcast_in_dim3A_544 : vector<16xi32>
        %gather3A_548 = tpu.vector_load_idx %arg7[%add3A_547] : memref<512xf32, #tpu.memory_space<vmem>>[vector<16xi32>], vector<16xf32>,
        %mul3A_549 = arith.mulf %gather3A_546, %gather3A_548 : vector<16xf32>
        %add3A_550 = arith.addf %add3A_542, %mul3A_549 : vector<16xf32>
        %broadcast_in_dim3A_551 = arith.constant 59 : i32
        %broadcast_in_dim3A_552 = vector.broadcast %broadcast_in_dim3A_551 : i32 to vector<16xi32>
        %add3A_553 = arith.addi %mul3A_73, %broadcast_in_dim3A_552 : vector<16xi32>
        %gather3A_554 = tpu.vector_load_idx %arg9[%add3A_553] : memref<51200xf32, #tpu.memory_space<vmem>>[vector<16xi32>], vector<16xf32>,
        %add3A_555 = arith.addi %mul3A_80, %broadcast_in_dim3A_552 : vector<16xi32>
        %gather3A_556 = tpu.vector_load_idx %arg7[%add3A_555] : memref<512xf32, #tpu.memory_space<vmem>>[vector<16xi32>], vector<16xf32>,
        %mul3A_557 = arith.mulf %gather3A_554, %gather3A_556 : vector<16xf32>
        %add3A_558 = arith.addf %add3A_550, %mul3A_557 : vector<16xf32>
        %broadcast_in_dim3A_559 = arith.constant 60 : i32
        %broadcast_in_dim3A_560 = vector.broadcast %broadcast_in_dim3A_559 : i32 to vector<16xi32>
        %add3A_561 = arith.addi %mul3A_73, %broadcast_in_dim3A_560 : vector<16xi32>
        %gather3A_562 = tpu.vector_load_idx %arg9[%add3A_561] : memref<51200xf32, #tpu.memory_space<vmem>>[vector<16xi32>], vector<16xf32>,
        %add3A_563 = arith.addi %mul3A_80, %broadcast_in_dim3A_560 : vector<16xi32>
        %gather3A_564 = tpu.vector_load_idx %arg7[%add3A_563] : memref<512xf32, #tpu.memory_space<vmem>>[vector<16xi32>], vector<16xf32>,
        %mul3A_565 = arith.mulf %gather3A_562, %gather3A_564 : vector<16xf32>
        %add3A_566 = arith.addf %add3A_558, %mul3A_565 : vector<16xf32>
        %broadcast_in_dim3A_567 = arith.constant 61 : i32
        %broadcast_in_dim3A_568 = vector.broadcast %broadcast_in_dim3A_567 : i32 to vector<16xi32>
        %add3A_569 = arith.addi %mul3A_73, %broadcast_in_dim3A_568 : vector<16xi32>
        %gather3A_570 = tpu.vector_load_idx %arg9[%add3A_569] : memref<51200xf32, #tpu.memory_space<vmem>>[vector<16xi32>], vector<16xf32>,
        %add3A_571 = arith.addi %mul3A_80, %broadcast_in_dim3A_568 : vector<16xi32>
        %gather3A_572 = tpu.vector_load_idx %arg7[%add3A_571] : memref<512xf32, #tpu.memory_space<vmem>>[vector<16xi32>], vector<16xf32>,
        %mul3A_573 = arith.mulf %gather3A_570, %gather3A_572 : vector<16xf32>
        %add3A_574 = arith.addf %add3A_566, %mul3A_573 : vector<16xf32>
        %broadcast_in_dim3A_575 = arith.constant 62 : i32
        %broadcast_in_dim3A_576 = vector.broadcast %broadcast_in_dim3A_575 : i32 to vector<16xi32>
        %add3A_577 = arith.addi %mul3A_73, %broadcast_in_dim3A_576 : vector<16xi32>
        %gather3A_578 = tpu.vector_load_idx %arg9[%add3A_577] : memref<51200xf32, #tpu.memory_space<vmem>>[vector<16xi32>], vector<16xf32>,
        %add3A_579 = arith.addi %mul3A_80, %broadcast_in_dim3A_576 : vector<16xi32>
        %gather3A_580 = tpu.vector_load_idx %arg7[%add3A_579] : memref<512xf32, #tpu.memory_space<vmem>>[vector<16xi32>], vector<16xf32>,
        %mul3A_581 = arith.mulf %gather3A_578, %gather3A_580 : vector<16xf32>
        %add3A_582 = arith.addf %add3A_574, %mul3A_581 : vector<16xf32>
        %broadcast_in_dim3A_583 = arith.constant 63 : i32
        %broadcast_in_dim3A_584 = vector.broadcast %broadcast_in_dim3A_583 : i32 to vector<16xi32>
        %add3A_585 = arith.addi %mul3A_73, %broadcast_in_dim3A_584 : vector<16xi32>
        %gather3A_586 = tpu.vector_load_idx %arg9[%add3A_585] : memref<51200xf32, #tpu.memory_space<vmem>>[vector<16xi32>], vector<16xf32>,
        %add3A_587 = arith.addi %mul3A_80, %broadcast_in_dim3A_584 : vector<16xi32>
        %gather3A_588 = tpu.vector_load_idx %arg7[%add3A_587] : memref<512xf32, #tpu.memory_space<vmem>>[vector<16xi32>], vector<16xf32>,
        %mul3A_589 = arith.mulf %gather3A_586, %gather3A_588 : vector<16xf32>
        %add3A_590 = arith.addf %add3A_582, %mul3A_589 : vector<16xf32>
        %broadcast_in_dim3A_591 = arith.constant 64 : i32
        %broadcast_in_dim3A_592 = vector.broadcast %broadcast_in_dim3A_591 : i32 to vector<16xi32>
        %add3A_593 = arith.addi %mul3A_73, %broadcast_in_dim3A_592 : vector<16xi32>
        %gather3A_594 = tpu.vector_load_idx %arg9[%add3A_593] : memref<51200xf32, #tpu.memory_space<vmem>>[vector<16xi32>], vector<16xf32>,
        %add3A_595 = arith.addi %mul3A_80, %broadcast_in_dim3A_592 : vector<16xi32>
        %gather3A_596 = tpu.vector_load_idx %arg7[%add3A_595] : memref<512xf32, #tpu.memory_space<vmem>>[vector<16xi32>], vector<16xf32>,
        %mul3A_597 = arith.mulf %gather3A_594, %gather3A_596 : vector<16xf32>
        %add3A_598 = arith.addf %add3A_590, %mul3A_597 : vector<16xf32>
        %broadcast_in_dim3A_599 = arith.constant 65 : i32
        %broadcast_in_dim3A_600 = vector.broadcast %broadcast_in_dim3A_599 : i32 to vector<16xi32>
        %add3A_601 = arith.addi %mul3A_73, %broadcast_in_dim3A_600 : vector<16xi32>
        %gather3A_602 = tpu.vector_load_idx %arg9[%add3A_601] : memref<51200xf32, #tpu.memory_space<vmem>>[vector<16xi32>], vector<16xf32>,
        %add3A_603 = arith.addi %mul3A_80, %broadcast_in_dim3A_600 : vector<16xi32>
        %gather3A_604 = tpu.vector_load_idx %arg7[%add3A_603] : memref<512xf32, #tpu.memory_space<vmem>>[vector<16xi32>], vector<16xf32>,
        %mul3A_605 = arith.mulf %gather3A_602, %gather3A_604 : vector<16xf32>
        %add3A_606 = arith.addf %add3A_598, %mul3A_605 : vector<16xf32>
        %broadcast_in_dim3A_607 = arith.constant 66 : i32
        %broadcast_in_dim3A_608 = vector.broadcast %broadcast_in_dim3A_607 : i32 to vector<16xi32>
        %add3A_609 = arith.addi %mul3A_73, %broadcast_in_dim3A_608 : vector<16xi32>
        %gather3A_610 = tpu.vector_load_idx %arg9[%add3A_609] : memref<51200xf32, #tpu.memory_space<vmem>>[vector<16xi32>], vector<16xf32>,
        %add3A_611 = arith.addi %mul3A_80, %broadcast_in_dim3A_608 : vector<16xi32>
        %gather3A_612 = tpu.vector_load_idx %arg7[%add3A_611] : memref<512xf32, #tpu.memory_space<vmem>>[vector<16xi32>], vector<16xf32>,
        %mul3A_613 = arith.mulf %gather3A_610, %gather3A_612 : vector<16xf32>
        %add3A_614 = arith.addf %add3A_606, %mul3A_613 : vector<16xf32>
        %broadcast_in_dim3A_615 = arith.constant 67 : i32
        %broadcast_in_dim3A_616 = vector.broadcast %broadcast_in_dim3A_615 : i32 to vector<16xi32>
        %add3A_617 = arith.addi %mul3A_73, %broadcast_in_dim3A_616 : vector<16xi32>
        %gather3A_618 = tpu.vector_load_idx %arg9[%add3A_617] : memref<51200xf32, #tpu.memory_space<vmem>>[vector<16xi32>], vector<16xf32>,
        %add3A_619 = arith.addi %mul3A_80, %broadcast_in_dim3A_616 : vector<16xi32>
        %gather3A_620 = tpu.vector_load_idx %arg7[%add3A_619] : memref<512xf32, #tpu.memory_space<vmem>>[vector<16xi32>], vector<16xf32>,
        %mul3A_621 = arith.mulf %gather3A_618, %gather3A_620 : vector<16xf32>
        %add3A_622 = arith.addf %add3A_614, %mul3A_621 : vector<16xf32>
        %broadcast_in_dim3A_623 = arith.constant 68 : i32
        %broadcast_in_dim3A_624 = vector.broadcast %broadcast_in_dim3A_623 : i32 to vector<16xi32>
        %add3A_625 = arith.addi %mul3A_73, %broadcast_in_dim3A_624 : vector<16xi32>
        %gather3A_626 = tpu.vector_load_idx %arg9[%add3A_625] : memref<51200xf32, #tpu.memory_space<vmem>>[vector<16xi32>], vector<16xf32>,
        %add3A_627 = arith.addi %mul3A_80, %broadcast_in_dim3A_624 : vector<16xi32>
        %gather3A_628 = tpu.vector_load_idx %arg7[%add3A_627] : memref<512xf32, #tpu.memory_space<vmem>>[vector<16xi32>], vector<16xf32>,
        %mul3A_629 = arith.mulf %gather3A_626, %gather3A_628 : vector<16xf32>
        %add3A_630 = arith.addf %add3A_622, %mul3A_629 : vector<16xf32>
        %broadcast_in_dim3A_631 = arith.constant 69 : i32
        %broadcast_in_dim3A_632 = vector.broadcast %broadcast_in_dim3A_631 : i32 to vector<16xi32>
        %add3A_633 = arith.addi %mul3A_73, %broadcast_in_dim3A_632 : vector<16xi32>
        %gather3A_634 = tpu.vector_load_idx %arg9[%add3A_633] : memref<51200xf32, #tpu.memory_space<vmem>>[vector<16xi32>], vector<16xf32>,
        %add3A_635 = arith.addi %mul3A_80, %broadcast_in_dim3A_632 : vector<16xi32>
        %gather3A_636 = tpu.vector_load_idx %arg7[%add3A_635] : memref<512xf32, #tpu.memory_space<vmem>>[vector<16xi32>], vector<16xf32>,
        %mul3A_637 = arith.mulf %gather3A_634, %gather3A_636 : vector<16xf32>
        %add3A_638 = arith.addf %add3A_630, %mul3A_637 : vector<16xf32>
        %broadcast_in_dim3A_639 = arith.constant 70 : i32
        %broadcast_in_dim3A_640 = vector.broadcast %broadcast_in_dim3A_639 : i32 to vector<16xi32>
        %add3A_641 = arith.addi %mul3A_73, %broadcast_in_dim3A_640 : vector<16xi32>
        %gather3A_642 = tpu.vector_load_idx %arg9[%add3A_641] : memref<51200xf32, #tpu.memory_space<vmem>>[vector<16xi32>], vector<16xf32>,
        %add3A_643 = arith.addi %mul3A_80, %broadcast_in_dim3A_640 : vector<16xi32>
        %gather3A_644 = tpu.vector_load_idx %arg7[%add3A_643] : memref<512xf32, #tpu.memory_space<vmem>>[vector<16xi32>], vector<16xf32>,
        %mul3A_645 = arith.mulf %gather3A_642, %gather3A_644 : vector<16xf32>
        %add3A_646 = arith.addf %add3A_638, %mul3A_645 : vector<16xf32>
        %broadcast_in_dim3A_647 = arith.constant 71 : i32
        %broadcast_in_dim3A_648 = vector.broadcast %broadcast_in_dim3A_647 : i32 to vector<16xi32>
        %add3A_649 = arith.addi %mul3A_73, %broadcast_in_dim3A_648 : vector<16xi32>
        %gather3A_650 = tpu.vector_load_idx %arg9[%add3A_649] : memref<51200xf32, #tpu.memory_space<vmem>>[vector<16xi32>], vector<16xf32>,
        %add3A_651 = arith.addi %mul3A_80, %broadcast_in_dim3A_648 : vector<16xi32>
        %gather3A_652 = tpu.vector_load_idx %arg7[%add3A_651] : memref<512xf32, #tpu.memory_space<vmem>>[vector<16xi32>], vector<16xf32>,
        %mul3A_653 = arith.mulf %gather3A_650, %gather3A_652 : vector<16xf32>
        %add3A_654 = arith.addf %add3A_646, %mul3A_653 : vector<16xf32>
        %broadcast_in_dim3A_655 = arith.constant 72 : i32
        %broadcast_in_dim3A_656 = vector.broadcast %broadcast_in_dim3A_655 : i32 to vector<16xi32>
        %add3A_657 = arith.addi %mul3A_73, %broadcast_in_dim3A_656 : vector<16xi32>
        %gather3A_658 = tpu.vector_load_idx %arg9[%add3A_657] : memref<51200xf32, #tpu.memory_space<vmem>>[vector<16xi32>], vector<16xf32>,
        %add3A_659 = arith.addi %mul3A_80, %broadcast_in_dim3A_656 : vector<16xi32>
        %gather3A_660 = tpu.vector_load_idx %arg7[%add3A_659] : memref<512xf32, #tpu.memory_space<vmem>>[vector<16xi32>], vector<16xf32>,
        %mul3A_661 = arith.mulf %gather3A_658, %gather3A_660 : vector<16xf32>
        %add3A_662 = arith.addf %add3A_654, %mul3A_661 : vector<16xf32>
        %broadcast_in_dim3A_663 = arith.constant 73 : i32
        %broadcast_in_dim3A_664 = vector.broadcast %broadcast_in_dim3A_663 : i32 to vector<16xi32>
        %add3A_665 = arith.addi %mul3A_73, %broadcast_in_dim3A_664 : vector<16xi32>
        %gather3A_666 = tpu.vector_load_idx %arg9[%add3A_665] : memref<51200xf32, #tpu.memory_space<vmem>>[vector<16xi32>], vector<16xf32>,
        %add3A_667 = arith.addi %mul3A_80, %broadcast_in_dim3A_664 : vector<16xi32>
        %gather3A_668 = tpu.vector_load_idx %arg7[%add3A_667] : memref<512xf32, #tpu.memory_space<vmem>>[vector<16xi32>], vector<16xf32>,
        %mul3A_669 = arith.mulf %gather3A_666, %gather3A_668 : vector<16xf32>
        %add3A_670 = arith.addf %add3A_662, %mul3A_669 : vector<16xf32>
        %broadcast_in_dim3A_671 = arith.constant 74 : i32
        %broadcast_in_dim3A_672 = vector.broadcast %broadcast_in_dim3A_671 : i32 to vector<16xi32>
        %add3A_673 = arith.addi %mul3A_73, %broadcast_in_dim3A_672 : vector<16xi32>
        %gather3A_674 = tpu.vector_load_idx %arg9[%add3A_673] : memref<51200xf32, #tpu.memory_space<vmem>>[vector<16xi32>], vector<16xf32>,
        %add3A_675 = arith.addi %mul3A_80, %broadcast_in_dim3A_672 : vector<16xi32>
        %gather3A_676 = tpu.vector_load_idx %arg7[%add3A_675] : memref<512xf32, #tpu.memory_space<vmem>>[vector<16xi32>], vector<16xf32>,
        %mul3A_677 = arith.mulf %gather3A_674, %gather3A_676 : vector<16xf32>
        %add3A_678 = arith.addf %add3A_670, %mul3A_677 : vector<16xf32>
        %broadcast_in_dim3A_679 = arith.constant 75 : i32
        %broadcast_in_dim3A_680 = vector.broadcast %broadcast_in_dim3A_679 : i32 to vector<16xi32>
        %add3A_681 = arith.addi %mul3A_73, %broadcast_in_dim3A_680 : vector<16xi32>
        %gather3A_682 = tpu.vector_load_idx %arg9[%add3A_681] : memref<51200xf32, #tpu.memory_space<vmem>>[vector<16xi32>], vector<16xf32>,
        %add3A_683 = arith.addi %mul3A_80, %broadcast_in_dim3A_680 : vector<16xi32>
        %gather3A_684 = tpu.vector_load_idx %arg7[%add3A_683] : memref<512xf32, #tpu.memory_space<vmem>>[vector<16xi32>], vector<16xf32>,
        %mul3A_685 = arith.mulf %gather3A_682, %gather3A_684 : vector<16xf32>
        %add3A_686 = arith.addf %add3A_678, %mul3A_685 : vector<16xf32>
        %broadcast_in_dim3A_687 = arith.constant 76 : i32
        %broadcast_in_dim3A_688 = vector.broadcast %broadcast_in_dim3A_687 : i32 to vector<16xi32>
        %add3A_689 = arith.addi %mul3A_73, %broadcast_in_dim3A_688 : vector<16xi32>
        %gather3A_690 = tpu.vector_load_idx %arg9[%add3A_689] : memref<51200xf32, #tpu.memory_space<vmem>>[vector<16xi32>], vector<16xf32>,
        %add3A_691 = arith.addi %mul3A_80, %broadcast_in_dim3A_688 : vector<16xi32>
        %gather3A_692 = tpu.vector_load_idx %arg7[%add3A_691] : memref<512xf32, #tpu.memory_space<vmem>>[vector<16xi32>], vector<16xf32>,
        %mul3A_693 = arith.mulf %gather3A_690, %gather3A_692 : vector<16xf32>
        %add3A_694 = arith.addf %add3A_686, %mul3A_693 : vector<16xf32>
        %broadcast_in_dim3A_695 = arith.constant 77 : i32
        %broadcast_in_dim3A_696 = vector.broadcast %broadcast_in_dim3A_695 : i32 to vector<16xi32>
        %add3A_697 = arith.addi %mul3A_73, %broadcast_in_dim3A_696 : vector<16xi32>
        %gather3A_698 = tpu.vector_load_idx %arg9[%add3A_697] : memref<51200xf32, #tpu.memory_space<vmem>>[vector<16xi32>], vector<16xf32>,
        %add3A_699 = arith.addi %mul3A_80, %broadcast_in_dim3A_696 : vector<16xi32>
        %gather3A_700 = tpu.vector_load_idx %arg7[%add3A_699] : memref<512xf32, #tpu.memory_space<vmem>>[vector<16xi32>], vector<16xf32>,
        %mul3A_701 = arith.mulf %gather3A_698, %gather3A_700 : vector<16xf32>
        %add3A_702 = arith.addf %add3A_694, %mul3A_701 : vector<16xf32>
        %broadcast_in_dim3A_703 = arith.constant 78 : i32
        %broadcast_in_dim3A_704 = vector.broadcast %broadcast_in_dim3A_703 : i32 to vector<16xi32>
        %add3A_705 = arith.addi %mul3A_73, %broadcast_in_dim3A_704 : vector<16xi32>
        %gather3A_706 = tpu.vector_load_idx %arg9[%add3A_705] : memref<51200xf32, #tpu.memory_space<vmem>>[vector<16xi32>], vector<16xf32>,
        %add3A_707 = arith.addi %mul3A_80, %broadcast_in_dim3A_704 : vector<16xi32>
        %gather3A_708 = tpu.vector_load_idx %arg7[%add3A_707] : memref<512xf32, #tpu.memory_space<vmem>>[vector<16xi32>], vector<16xf32>,
        %mul3A_709 = arith.mulf %gather3A_706, %gather3A_708 : vector<16xf32>
        %add3A_710 = arith.addf %add3A_702, %mul3A_709 : vector<16xf32>
        %broadcast_in_dim3A_711 = arith.constant 79 : i32
        %broadcast_in_dim3A_712 = vector.broadcast %broadcast_in_dim3A_711 : i32 to vector<16xi32>
        %add3A_713 = arith.addi %mul3A_73, %broadcast_in_dim3A_712 : vector<16xi32>
        %gather3A_714 = tpu.vector_load_idx %arg9[%add3A_713] : memref<51200xf32, #tpu.memory_space<vmem>>[vector<16xi32>], vector<16xf32>,
        %add3A_715 = arith.addi %mul3A_80, %broadcast_in_dim3A_712 : vector<16xi32>
        %gather3A_716 = tpu.vector_load_idx %arg7[%add3A_715] : memref<512xf32, #tpu.memory_space<vmem>>[vector<16xi32>], vector<16xf32>,
        %mul3A_717 = arith.mulf %gather3A_714, %gather3A_716 : vector<16xf32>
        %add3A_718 = arith.addf %add3A_710, %mul3A_717 : vector<16xf32>
        %broadcast_in_dim3A_719 = arith.constant 80 : i32
        %broadcast_in_dim3A_720 = vector.broadcast %broadcast_in_dim3A_719 : i32 to vector<16xi32>
        %add3A_721 = arith.addi %mul3A_73, %broadcast_in_dim3A_720 : vector<16xi32>
        %gather3A_722 = tpu.vector_load_idx %arg9[%add3A_721] : memref<51200xf32, #tpu.memory_space<vmem>>[vector<16xi32>], vector<16xf32>,
        %add3A_723 = arith.addi %mul3A_80, %broadcast_in_dim3A_720 : vector<16xi32>
        %gather3A_724 = tpu.vector_load_idx %arg7[%add3A_723] : memref<512xf32, #tpu.memory_space<vmem>>[vector<16xi32>], vector<16xf32>,
        %mul3A_725 = arith.mulf %gather3A_722, %gather3A_724 : vector<16xf32>
        %add3A_726 = arith.addf %add3A_718, %mul3A_725 : vector<16xf32>
        %broadcast_in_dim3A_727 = arith.constant 81 : i32
        %broadcast_in_dim3A_728 = vector.broadcast %broadcast_in_dim3A_727 : i32 to vector<16xi32>
        %add3A_729 = arith.addi %mul3A_73, %broadcast_in_dim3A_728 : vector<16xi32>
        %gather3A_730 = tpu.vector_load_idx %arg9[%add3A_729] : memref<51200xf32, #tpu.memory_space<vmem>>[vector<16xi32>], vector<16xf32>,
        %add3A_731 = arith.addi %mul3A_80, %broadcast_in_dim3A_728 : vector<16xi32>
        %gather3A_732 = tpu.vector_load_idx %arg7[%add3A_731] : memref<512xf32, #tpu.memory_space<vmem>>[vector<16xi32>], vector<16xf32>,
        %mul3A_733 = arith.mulf %gather3A_730, %gather3A_732 : vector<16xf32>
        %add3A_734 = arith.addf %add3A_726, %mul3A_733 : vector<16xf32>
        %broadcast_in_dim3A_735 = arith.constant 82 : i32
        %broadcast_in_dim3A_736 = vector.broadcast %broadcast_in_dim3A_735 : i32 to vector<16xi32>
        %add3A_737 = arith.addi %mul3A_73, %broadcast_in_dim3A_736 : vector<16xi32>
        %gather3A_738 = tpu.vector_load_idx %arg9[%add3A_737] : memref<51200xf32, #tpu.memory_space<vmem>>[vector<16xi32>], vector<16xf32>,
        %add3A_739 = arith.addi %mul3A_80, %broadcast_in_dim3A_736 : vector<16xi32>
        %gather3A_740 = tpu.vector_load_idx %arg7[%add3A_739] : memref<512xf32, #tpu.memory_space<vmem>>[vector<16xi32>], vector<16xf32>,
        %mul3A_741 = arith.mulf %gather3A_738, %gather3A_740 : vector<16xf32>
        %add3A_742 = arith.addf %add3A_734, %mul3A_741 : vector<16xf32>
        %broadcast_in_dim3A_743 = arith.constant 83 : i32
        %broadcast_in_dim3A_744 = vector.broadcast %broadcast_in_dim3A_743 : i32 to vector<16xi32>
        %add3A_745 = arith.addi %mul3A_73, %broadcast_in_dim3A_744 : vector<16xi32>
        %gather3A_746 = tpu.vector_load_idx %arg9[%add3A_745] : memref<51200xf32, #tpu.memory_space<vmem>>[vector<16xi32>], vector<16xf32>,
        %add3A_747 = arith.addi %mul3A_80, %broadcast_in_dim3A_744 : vector<16xi32>
        %gather3A_748 = tpu.vector_load_idx %arg7[%add3A_747] : memref<512xf32, #tpu.memory_space<vmem>>[vector<16xi32>], vector<16xf32>,
        %mul3A_749 = arith.mulf %gather3A_746, %gather3A_748 : vector<16xf32>
        %add3A_750 = arith.addf %add3A_742, %mul3A_749 : vector<16xf32>
        %broadcast_in_dim3A_751 = arith.constant 84 : i32
        %broadcast_in_dim3A_752 = vector.broadcast %broadcast_in_dim3A_751 : i32 to vector<16xi32>
        %add3A_753 = arith.addi %mul3A_73, %broadcast_in_dim3A_752 : vector<16xi32>
        %gather3A_754 = tpu.vector_load_idx %arg9[%add3A_753] : memref<51200xf32, #tpu.memory_space<vmem>>[vector<16xi32>], vector<16xf32>,
        %add3A_755 = arith.addi %mul3A_80, %broadcast_in_dim3A_752 : vector<16xi32>
        %gather3A_756 = tpu.vector_load_idx %arg7[%add3A_755] : memref<512xf32, #tpu.memory_space<vmem>>[vector<16xi32>], vector<16xf32>,
        %mul3A_757 = arith.mulf %gather3A_754, %gather3A_756 : vector<16xf32>
        %add3A_758 = arith.addf %add3A_750, %mul3A_757 : vector<16xf32>
        %broadcast_in_dim3A_759 = arith.constant 85 : i32
        %broadcast_in_dim3A_760 = vector.broadcast %broadcast_in_dim3A_759 : i32 to vector<16xi32>
        %add3A_761 = arith.addi %mul3A_73, %broadcast_in_dim3A_760 : vector<16xi32>
        %gather3A_762 = tpu.vector_load_idx %arg9[%add3A_761] : memref<51200xf32, #tpu.memory_space<vmem>>[vector<16xi32>], vector<16xf32>,
        %add3A_763 = arith.addi %mul3A_80, %broadcast_in_dim3A_760 : vector<16xi32>
        %gather3A_764 = tpu.vector_load_idx %arg7[%add3A_763] : memref<512xf32, #tpu.memory_space<vmem>>[vector<16xi32>], vector<16xf32>,
        %mul3A_765 = arith.mulf %gather3A_762, %gather3A_764 : vector<16xf32>
        %add3A_766 = arith.addf %add3A_758, %mul3A_765 : vector<16xf32>
        %broadcast_in_dim3A_767 = arith.constant 86 : i32
        %broadcast_in_dim3A_768 = vector.broadcast %broadcast_in_dim3A_767 : i32 to vector<16xi32>
        %add3A_769 = arith.addi %mul3A_73, %broadcast_in_dim3A_768 : vector<16xi32>
        %gather3A_770 = tpu.vector_load_idx %arg9[%add3A_769] : memref<51200xf32, #tpu.memory_space<vmem>>[vector<16xi32>], vector<16xf32>,
        %add3A_771 = arith.addi %mul3A_80, %broadcast_in_dim3A_768 : vector<16xi32>
        %gather3A_772 = tpu.vector_load_idx %arg7[%add3A_771] : memref<512xf32, #tpu.memory_space<vmem>>[vector<16xi32>], vector<16xf32>,
        %mul3A_773 = arith.mulf %gather3A_770, %gather3A_772 : vector<16xf32>
        %add3A_774 = arith.addf %add3A_766, %mul3A_773 : vector<16xf32>
        %broadcast_in_dim3A_775 = arith.constant 87 : i32
        %broadcast_in_dim3A_776 = vector.broadcast %broadcast_in_dim3A_775 : i32 to vector<16xi32>
        %add3A_777 = arith.addi %mul3A_73, %broadcast_in_dim3A_776 : vector<16xi32>
        %gather3A_778 = tpu.vector_load_idx %arg9[%add3A_777] : memref<51200xf32, #tpu.memory_space<vmem>>[vector<16xi32>], vector<16xf32>,
        %add3A_779 = arith.addi %mul3A_80, %broadcast_in_dim3A_776 : vector<16xi32>
        %gather3A_780 = tpu.vector_load_idx %arg7[%add3A_779] : memref<512xf32, #tpu.memory_space<vmem>>[vector<16xi32>], vector<16xf32>,
        %mul3A_781 = arith.mulf %gather3A_778, %gather3A_780 : vector<16xf32>
        %add3A_782 = arith.addf %add3A_774, %mul3A_781 : vector<16xf32>
        %broadcast_in_dim3A_783 = arith.constant 88 : i32
        %broadcast_in_dim3A_784 = vector.broadcast %broadcast_in_dim3A_783 : i32 to vector<16xi32>
        %add3A_785 = arith.addi %mul3A_73, %broadcast_in_dim3A_784 : vector<16xi32>
        %gather3A_786 = tpu.vector_load_idx %arg9[%add3A_785] : memref<51200xf32, #tpu.memory_space<vmem>>[vector<16xi32>], vector<16xf32>,
        %add3A_787 = arith.addi %mul3A_80, %broadcast_in_dim3A_784 : vector<16xi32>
        %gather3A_788 = tpu.vector_load_idx %arg7[%add3A_787] : memref<512xf32, #tpu.memory_space<vmem>>[vector<16xi32>], vector<16xf32>,
        %mul3A_789 = arith.mulf %gather3A_786, %gather3A_788 : vector<16xf32>
        %add3A_790 = arith.addf %add3A_782, %mul3A_789 : vector<16xf32>
        %broadcast_in_dim3A_791 = arith.constant 89 : i32
        %broadcast_in_dim3A_792 = vector.broadcast %broadcast_in_dim3A_791 : i32 to vector<16xi32>
        %add3A_793 = arith.addi %mul3A_73, %broadcast_in_dim3A_792 : vector<16xi32>
        %gather3A_794 = tpu.vector_load_idx %arg9[%add3A_793] : memref<51200xf32, #tpu.memory_space<vmem>>[vector<16xi32>], vector<16xf32>,
        %add3A_795 = arith.addi %mul3A_80, %broadcast_in_dim3A_792 : vector<16xi32>
        %gather3A_796 = tpu.vector_load_idx %arg7[%add3A_795] : memref<512xf32, #tpu.memory_space<vmem>>[vector<16xi32>], vector<16xf32>,
        %mul3A_797 = arith.mulf %gather3A_794, %gather3A_796 : vector<16xf32>
        %add3A_798 = arith.addf %add3A_790, %mul3A_797 : vector<16xf32>
        %broadcast_in_dim3A_799 = arith.constant 90 : i32
        %broadcast_in_dim3A_800 = vector.broadcast %broadcast_in_dim3A_799 : i32 to vector<16xi32>
        %add3A_801 = arith.addi %mul3A_73, %broadcast_in_dim3A_800 : vector<16xi32>
        %gather3A_802 = tpu.vector_load_idx %arg9[%add3A_801] : memref<51200xf32, #tpu.memory_space<vmem>>[vector<16xi32>], vector<16xf32>,
        %add3A_803 = arith.addi %mul3A_80, %broadcast_in_dim3A_800 : vector<16xi32>
        %gather3A_804 = tpu.vector_load_idx %arg7[%add3A_803] : memref<512xf32, #tpu.memory_space<vmem>>[vector<16xi32>], vector<16xf32>,
        %mul3A_805 = arith.mulf %gather3A_802, %gather3A_804 : vector<16xf32>
        %add3A_806 = arith.addf %add3A_798, %mul3A_805 : vector<16xf32>
        %broadcast_in_dim3A_807 = arith.constant 91 : i32
        %broadcast_in_dim3A_808 = vector.broadcast %broadcast_in_dim3A_807 : i32 to vector<16xi32>
        %add3A_809 = arith.addi %mul3A_73, %broadcast_in_dim3A_808 : vector<16xi32>
        %gather3A_810 = tpu.vector_load_idx %arg9[%add3A_809] : memref<51200xf32, #tpu.memory_space<vmem>>[vector<16xi32>], vector<16xf32>,
        %add3A_811 = arith.addi %mul3A_80, %broadcast_in_dim3A_808 : vector<16xi32>
        %gather3A_812 = tpu.vector_load_idx %arg7[%add3A_811] : memref<512xf32, #tpu.memory_space<vmem>>[vector<16xi32>], vector<16xf32>,
        %mul3A_813 = arith.mulf %gather3A_810, %gather3A_812 : vector<16xf32>
        %add3A_814 = arith.addf %add3A_806, %mul3A_813 : vector<16xf32>
        %broadcast_in_dim3A_815 = arith.constant 92 : i32
        %broadcast_in_dim3A_816 = vector.broadcast %broadcast_in_dim3A_815 : i32 to vector<16xi32>
        %add3A_817 = arith.addi %mul3A_73, %broadcast_in_dim3A_816 : vector<16xi32>
        %gather3A_818 = tpu.vector_load_idx %arg9[%add3A_817] : memref<51200xf32, #tpu.memory_space<vmem>>[vector<16xi32>], vector<16xf32>,
        %add3A_819 = arith.addi %mul3A_80, %broadcast_in_dim3A_816 : vector<16xi32>
        %gather3A_820 = tpu.vector_load_idx %arg7[%add3A_819] : memref<512xf32, #tpu.memory_space<vmem>>[vector<16xi32>], vector<16xf32>,
        %mul3A_821 = arith.mulf %gather3A_818, %gather3A_820 : vector<16xf32>
        %add3A_822 = arith.addf %add3A_814, %mul3A_821 : vector<16xf32>
        %broadcast_in_dim3A_823 = arith.constant 93 : i32
        %broadcast_in_dim3A_824 = vector.broadcast %broadcast_in_dim3A_823 : i32 to vector<16xi32>
        %add3A_825 = arith.addi %mul3A_73, %broadcast_in_dim3A_824 : vector<16xi32>
        %gather3A_826 = tpu.vector_load_idx %arg9[%add3A_825] : memref<51200xf32, #tpu.memory_space<vmem>>[vector<16xi32>], vector<16xf32>,
        %add3A_827 = arith.addi %mul3A_80, %broadcast_in_dim3A_824 : vector<16xi32>
        %gather3A_828 = tpu.vector_load_idx %arg7[%add3A_827] : memref<512xf32, #tpu.memory_space<vmem>>[vector<16xi32>], vector<16xf32>,
        %mul3A_829 = arith.mulf %gather3A_826, %gather3A_828 : vector<16xf32>
        %add3A_830 = arith.addf %add3A_822, %mul3A_829 : vector<16xf32>
        %broadcast_in_dim3A_831 = arith.constant 94 : i32
        %broadcast_in_dim3A_832 = vector.broadcast %broadcast_in_dim3A_831 : i32 to vector<16xi32>
        %add3A_833 = arith.addi %mul3A_73, %broadcast_in_dim3A_832 : vector<16xi32>
        %gather3A_834 = tpu.vector_load_idx %arg9[%add3A_833] : memref<51200xf32, #tpu.memory_space<vmem>>[vector<16xi32>], vector<16xf32>,
        %add3A_835 = arith.addi %mul3A_80, %broadcast_in_dim3A_832 : vector<16xi32>
        %gather3A_836 = tpu.vector_load_idx %arg7[%add3A_835] : memref<512xf32, #tpu.memory_space<vmem>>[vector<16xi32>], vector<16xf32>,
        %mul3A_837 = arith.mulf %gather3A_834, %gather3A_836 : vector<16xf32>
        %add3A_838 = arith.addf %add3A_830, %mul3A_837 : vector<16xf32>
        %broadcast_in_dim3A_839 = arith.constant 95 : i32
        %broadcast_in_dim3A_840 = vector.broadcast %broadcast_in_dim3A_839 : i32 to vector<16xi32>
        %add3A_841 = arith.addi %mul3A_73, %broadcast_in_dim3A_840 : vector<16xi32>
        %gather3A_842 = tpu.vector_load_idx %arg9[%add3A_841] : memref<51200xf32, #tpu.memory_space<vmem>>[vector<16xi32>], vector<16xf32>,
        %add3A_843 = arith.addi %mul3A_80, %broadcast_in_dim3A_840 : vector<16xi32>
        %gather3A_844 = tpu.vector_load_idx %arg7[%add3A_843] : memref<512xf32, #tpu.memory_space<vmem>>[vector<16xi32>], vector<16xf32>,
        %mul3A_845 = arith.mulf %gather3A_842, %gather3A_844 : vector<16xf32>
        %add3A_846 = arith.addf %add3A_838, %mul3A_845 : vector<16xf32>
        %broadcast_in_dim3A_847 = arith.constant 96 : i32
        %broadcast_in_dim3A_848 = vector.broadcast %broadcast_in_dim3A_847 : i32 to vector<16xi32>
        %add3A_849 = arith.addi %mul3A_73, %broadcast_in_dim3A_848 : vector<16xi32>
        %gather3A_850 = tpu.vector_load_idx %arg9[%add3A_849] : memref<51200xf32, #tpu.memory_space<vmem>>[vector<16xi32>], vector<16xf32>,
        %add3A_851 = arith.addi %mul3A_80, %broadcast_in_dim3A_848 : vector<16xi32>
        %gather3A_852 = tpu.vector_load_idx %arg7[%add3A_851] : memref<512xf32, #tpu.memory_space<vmem>>[vector<16xi32>], vector<16xf32>,
        %mul3A_853 = arith.mulf %gather3A_850, %gather3A_852 : vector<16xf32>
        %add3A_854 = arith.addf %add3A_846, %mul3A_853 : vector<16xf32>
        %broadcast_in_dim3A_855 = arith.constant 97 : i32
        %broadcast_in_dim3A_856 = vector.broadcast %broadcast_in_dim3A_855 : i32 to vector<16xi32>
        %add3A_857 = arith.addi %mul3A_73, %broadcast_in_dim3A_856 : vector<16xi32>
        %gather3A_858 = tpu.vector_load_idx %arg9[%add3A_857] : memref<51200xf32, #tpu.memory_space<vmem>>[vector<16xi32>], vector<16xf32>,
        %add3A_859 = arith.addi %mul3A_80, %broadcast_in_dim3A_856 : vector<16xi32>
        %gather3A_860 = tpu.vector_load_idx %arg7[%add3A_859] : memref<512xf32, #tpu.memory_space<vmem>>[vector<16xi32>], vector<16xf32>,
        %mul3A_861 = arith.mulf %gather3A_858, %gather3A_860 : vector<16xf32>
        %add3A_862 = arith.addf %add3A_854, %mul3A_861 : vector<16xf32>
        %broadcast_in_dim3A_863 = arith.constant 98 : i32
        %broadcast_in_dim3A_864 = vector.broadcast %broadcast_in_dim3A_863 : i32 to vector<16xi32>
        %add3A_865 = arith.addi %mul3A_73, %broadcast_in_dim3A_864 : vector<16xi32>
        %gather3A_866 = tpu.vector_load_idx %arg9[%add3A_865] : memref<51200xf32, #tpu.memory_space<vmem>>[vector<16xi32>], vector<16xf32>,
        %add3A_867 = arith.addi %mul3A_80, %broadcast_in_dim3A_864 : vector<16xi32>
        %gather3A_868 = tpu.vector_load_idx %arg7[%add3A_867] : memref<512xf32, #tpu.memory_space<vmem>>[vector<16xi32>], vector<16xf32>,
        %mul3A_869 = arith.mulf %gather3A_866, %gather3A_868 : vector<16xf32>
        %add3A_870 = arith.addf %add3A_862, %mul3A_869 : vector<16xf32>
        %broadcast_in_dim3A_871 = arith.constant 99 : i32
        %broadcast_in_dim3A_872 = vector.broadcast %broadcast_in_dim3A_871 : i32 to vector<16xi32>
        %add3A_873 = arith.addi %mul3A_73, %broadcast_in_dim3A_872 : vector<16xi32>
        %gather3A_874 = tpu.vector_load_idx %arg9[%add3A_873] : memref<51200xf32, #tpu.memory_space<vmem>>[vector<16xi32>], vector<16xf32>,
        %add3A_875 = arith.addi %mul3A_80, %broadcast_in_dim3A_872 : vector<16xi32>
        %gather3A_876 = tpu.vector_load_idx %arg7[%add3A_875] : memref<512xf32, #tpu.memory_space<vmem>>[vector<16xi32>], vector<16xf32>,
        %mul3A_877 = arith.mulf %gather3A_874, %gather3A_876 : vector<16xf32>
        %add3A_878 = arith.addf %add3A_870, %mul3A_877 : vector<16xf32>
        %broadcast_in_dim3A_879 = arith.constant 100 : i32
        %broadcast_in_dim3A_880 = vector.broadcast %broadcast_in_dim3A_879 : i32 to vector<16xi32>
        %add3A_881 = arith.addi %mul3A_73, %broadcast_in_dim3A_880 : vector<16xi32>
        %gather3A_882 = tpu.vector_load_idx %arg9[%add3A_881] : memref<51200xf32, #tpu.memory_space<vmem>>[vector<16xi32>], vector<16xf32>,
        %add3A_883 = arith.addi %mul3A_80, %broadcast_in_dim3A_880 : vector<16xi32>
        %gather3A_884 = tpu.vector_load_idx %arg7[%add3A_883] : memref<512xf32, #tpu.memory_space<vmem>>[vector<16xi32>], vector<16xf32>,
        %mul3A_885 = arith.mulf %gather3A_882, %gather3A_884 : vector<16xf32>
        %add3A_886 = arith.addf %add3A_878, %mul3A_885 : vector<16xf32>
        %broadcast_in_dim3A_887 = arith.constant 101 : i32
        %broadcast_in_dim3A_888 = vector.broadcast %broadcast_in_dim3A_887 : i32 to vector<16xi32>
        %add3A_889 = arith.addi %mul3A_73, %broadcast_in_dim3A_888 : vector<16xi32>
        %gather3A_890 = tpu.vector_load_idx %arg9[%add3A_889] : memref<51200xf32, #tpu.memory_space<vmem>>[vector<16xi32>], vector<16xf32>,
        %add3A_891 = arith.addi %mul3A_80, %broadcast_in_dim3A_888 : vector<16xi32>
        %gather3A_892 = tpu.vector_load_idx %arg7[%add3A_891] : memref<512xf32, #tpu.memory_space<vmem>>[vector<16xi32>], vector<16xf32>,
        %mul3A_893 = arith.mulf %gather3A_890, %gather3A_892 : vector<16xf32>
        %add3A_894 = arith.addf %add3A_886, %mul3A_893 : vector<16xf32>
        %broadcast_in_dim3A_895 = arith.constant 102 : i32
        %broadcast_in_dim3A_896 = vector.broadcast %broadcast_in_dim3A_895 : i32 to vector<16xi32>
        %add3A_897 = arith.addi %mul3A_73, %broadcast_in_dim3A_896 : vector<16xi32>
        %gather3A_898 = tpu.vector_load_idx %arg9[%add3A_897] : memref<51200xf32, #tpu.memory_space<vmem>>[vector<16xi32>], vector<16xf32>,
        %add3A_899 = arith.addi %mul3A_80, %broadcast_in_dim3A_896 : vector<16xi32>
        %gather3A_900 = tpu.vector_load_idx %arg7[%add3A_899] : memref<512xf32, #tpu.memory_space<vmem>>[vector<16xi32>], vector<16xf32>,
        %mul3A_901 = arith.mulf %gather3A_898, %gather3A_900 : vector<16xf32>
        %add3A_902 = arith.addf %add3A_894, %mul3A_901 : vector<16xf32>
        %broadcast_in_dim3A_903 = arith.constant 103 : i32
        %broadcast_in_dim3A_904 = vector.broadcast %broadcast_in_dim3A_903 : i32 to vector<16xi32>
        %add3A_905 = arith.addi %mul3A_73, %broadcast_in_dim3A_904 : vector<16xi32>
        %gather3A_906 = tpu.vector_load_idx %arg9[%add3A_905] : memref<51200xf32, #tpu.memory_space<vmem>>[vector<16xi32>], vector<16xf32>,
        %add3A_907 = arith.addi %mul3A_80, %broadcast_in_dim3A_904 : vector<16xi32>
        %gather3A_908 = tpu.vector_load_idx %arg7[%add3A_907] : memref<512xf32, #tpu.memory_space<vmem>>[vector<16xi32>], vector<16xf32>,
        %mul3A_909 = arith.mulf %gather3A_906, %gather3A_908 : vector<16xf32>
        %add3A_910 = arith.addf %add3A_902, %mul3A_909 : vector<16xf32>
        %broadcast_in_dim3A_911 = arith.constant 104 : i32
        %broadcast_in_dim3A_912 = vector.broadcast %broadcast_in_dim3A_911 : i32 to vector<16xi32>
        %add3A_913 = arith.addi %mul3A_73, %broadcast_in_dim3A_912 : vector<16xi32>
        %gather3A_914 = tpu.vector_load_idx %arg9[%add3A_913] : memref<51200xf32, #tpu.memory_space<vmem>>[vector<16xi32>], vector<16xf32>,
        %add3A_915 = arith.addi %mul3A_80, %broadcast_in_dim3A_912 : vector<16xi32>
        %gather3A_916 = tpu.vector_load_idx %arg7[%add3A_915] : memref<512xf32, #tpu.memory_space<vmem>>[vector<16xi32>], vector<16xf32>,
        %mul3A_917 = arith.mulf %gather3A_914, %gather3A_916 : vector<16xf32>
        %add3A_918 = arith.addf %add3A_910, %mul3A_917 : vector<16xf32>
        %broadcast_in_dim3A_919 = arith.constant 105 : i32
        %broadcast_in_dim3A_920 = vector.broadcast %broadcast_in_dim3A_919 : i32 to vector<16xi32>
        %add3A_921 = arith.addi %mul3A_73, %broadcast_in_dim3A_920 : vector<16xi32>
        %gather3A_922 = tpu.vector_load_idx %arg9[%add3A_921] : memref<51200xf32, #tpu.memory_space<vmem>>[vector<16xi32>], vector<16xf32>,
        %add3A_923 = arith.addi %mul3A_80, %broadcast_in_dim3A_920 : vector<16xi32>
        %gather3A_924 = tpu.vector_load_idx %arg7[%add3A_923] : memref<512xf32, #tpu.memory_space<vmem>>[vector<16xi32>], vector<16xf32>,
        %mul3A_925 = arith.mulf %gather3A_922, %gather3A_924 : vector<16xf32>
        %add3A_926 = arith.addf %add3A_918, %mul3A_925 : vector<16xf32>
        %broadcast_in_dim3A_927 = arith.constant 106 : i32
        %broadcast_in_dim3A_928 = vector.broadcast %broadcast_in_dim3A_927 : i32 to vector<16xi32>
        %add3A_929 = arith.addi %mul3A_73, %broadcast_in_dim3A_928 : vector<16xi32>
        %gather3A_930 = tpu.vector_load_idx %arg9[%add3A_929] : memref<51200xf32, #tpu.memory_space<vmem>>[vector<16xi32>], vector<16xf32>,
        %add3A_931 = arith.addi %mul3A_80, %broadcast_in_dim3A_928 : vector<16xi32>
        %gather3A_932 = tpu.vector_load_idx %arg7[%add3A_931] : memref<512xf32, #tpu.memory_space<vmem>>[vector<16xi32>], vector<16xf32>,
        %mul3A_933 = arith.mulf %gather3A_930, %gather3A_932 : vector<16xf32>
        %add3A_934 = arith.addf %add3A_926, %mul3A_933 : vector<16xf32>
        %broadcast_in_dim3A_935 = arith.constant 107 : i32
        %broadcast_in_dim3A_936 = vector.broadcast %broadcast_in_dim3A_935 : i32 to vector<16xi32>
        %add3A_937 = arith.addi %mul3A_73, %broadcast_in_dim3A_936 : vector<16xi32>
        %gather3A_938 = tpu.vector_load_idx %arg9[%add3A_937] : memref<51200xf32, #tpu.memory_space<vmem>>[vector<16xi32>], vector<16xf32>,
        %add3A_939 = arith.addi %mul3A_80, %broadcast_in_dim3A_936 : vector<16xi32>
        %gather3A_940 = tpu.vector_load_idx %arg7[%add3A_939] : memref<512xf32, #tpu.memory_space<vmem>>[vector<16xi32>], vector<16xf32>,
        %mul3A_941 = arith.mulf %gather3A_938, %gather3A_940 : vector<16xf32>
        %add3A_942 = arith.addf %add3A_934, %mul3A_941 : vector<16xf32>
        %broadcast_in_dim3A_943 = arith.constant 108 : i32
        %broadcast_in_dim3A_944 = vector.broadcast %broadcast_in_dim3A_943 : i32 to vector<16xi32>
        %add3A_945 = arith.addi %mul3A_73, %broadcast_in_dim3A_944 : vector<16xi32>
        %gather3A_946 = tpu.vector_load_idx %arg9[%add3A_945] : memref<51200xf32, #tpu.memory_space<vmem>>[vector<16xi32>], vector<16xf32>,
        %add3A_947 = arith.addi %mul3A_80, %broadcast_in_dim3A_944 : vector<16xi32>
        %gather3A_948 = tpu.vector_load_idx %arg7[%add3A_947] : memref<512xf32, #tpu.memory_space<vmem>>[vector<16xi32>], vector<16xf32>,
        %mul3A_949 = arith.mulf %gather3A_946, %gather3A_948 : vector<16xf32>
        %add3A_950 = arith.addf %add3A_942, %mul3A_949 : vector<16xf32>
        %broadcast_in_dim3A_951 = arith.constant 109 : i32
        %broadcast_in_dim3A_952 = vector.broadcast %broadcast_in_dim3A_951 : i32 to vector<16xi32>
        %add3A_953 = arith.addi %mul3A_73, %broadcast_in_dim3A_952 : vector<16xi32>
        %gather3A_954 = tpu.vector_load_idx %arg9[%add3A_953] : memref<51200xf32, #tpu.memory_space<vmem>>[vector<16xi32>], vector<16xf32>,
        %add3A_955 = arith.addi %mul3A_80, %broadcast_in_dim3A_952 : vector<16xi32>
        %gather3A_956 = tpu.vector_load_idx %arg7[%add3A_955] : memref<512xf32, #tpu.memory_space<vmem>>[vector<16xi32>], vector<16xf32>,
        %mul3A_957 = arith.mulf %gather3A_954, %gather3A_956 : vector<16xf32>
        %add3A_958 = arith.addf %add3A_950, %mul3A_957 : vector<16xf32>
        %broadcast_in_dim3A_959 = arith.constant 110 : i32
        %broadcast_in_dim3A_960 = vector.broadcast %broadcast_in_dim3A_959 : i32 to vector<16xi32>
        %add3A_961 = arith.addi %mul3A_73, %broadcast_in_dim3A_960 : vector<16xi32>
        %gather3A_962 = tpu.vector_load_idx %arg9[%add3A_961] : memref<51200xf32, #tpu.memory_space<vmem>>[vector<16xi32>], vector<16xf32>,
        %add3A_963 = arith.addi %mul3A_80, %broadcast_in_dim3A_960 : vector<16xi32>
        %gather3A_964 = tpu.vector_load_idx %arg7[%add3A_963] : memref<512xf32, #tpu.memory_space<vmem>>[vector<16xi32>], vector<16xf32>,
        %mul3A_965 = arith.mulf %gather3A_962, %gather3A_964 : vector<16xf32>
        %add3A_966 = arith.addf %add3A_958, %mul3A_965 : vector<16xf32>
        %broadcast_in_dim3A_967 = arith.constant 111 : i32
        %broadcast_in_dim3A_968 = vector.broadcast %broadcast_in_dim3A_967 : i32 to vector<16xi32>
        %add3A_969 = arith.addi %mul3A_73, %broadcast_in_dim3A_968 : vector<16xi32>
        %gather3A_970 = tpu.vector_load_idx %arg9[%add3A_969] : memref<51200xf32, #tpu.memory_space<vmem>>[vector<16xi32>], vector<16xf32>,
        %add3A_971 = arith.addi %mul3A_80, %broadcast_in_dim3A_968 : vector<16xi32>
        %gather3A_972 = tpu.vector_load_idx %arg7[%add3A_971] : memref<512xf32, #tpu.memory_space<vmem>>[vector<16xi32>], vector<16xf32>,
        %mul3A_973 = arith.mulf %gather3A_970, %gather3A_972 : vector<16xf32>
        %add3A_974 = arith.addf %add3A_966, %mul3A_973 : vector<16xf32>
        %broadcast_in_dim3A_975 = arith.constant 112 : i32
        %broadcast_in_dim3A_976 = vector.broadcast %broadcast_in_dim3A_975 : i32 to vector<16xi32>
        %add3A_977 = arith.addi %mul3A_73, %broadcast_in_dim3A_976 : vector<16xi32>
        %gather3A_978 = tpu.vector_load_idx %arg9[%add3A_977] : memref<51200xf32, #tpu.memory_space<vmem>>[vector<16xi32>], vector<16xf32>,
        %add3A_979 = arith.addi %mul3A_80, %broadcast_in_dim3A_976 : vector<16xi32>
        %gather3A_980 = tpu.vector_load_idx %arg7[%add3A_979] : memref<512xf32, #tpu.memory_space<vmem>>[vector<16xi32>], vector<16xf32>,
        %mul3A_981 = arith.mulf %gather3A_978, %gather3A_980 : vector<16xf32>
        %add3A_982 = arith.addf %add3A_974, %mul3A_981 : vector<16xf32>
        %broadcast_in_dim3A_983 = arith.constant 113 : i32
        %broadcast_in_dim3A_984 = vector.broadcast %broadcast_in_dim3A_983 : i32 to vector<16xi32>
        %add3A_985 = arith.addi %mul3A_73, %broadcast_in_dim3A_984 : vector<16xi32>
        %gather3A_986 = tpu.vector_load_idx %arg9[%add3A_985] : memref<51200xf32, #tpu.memory_space<vmem>>[vector<16xi32>], vector<16xf32>,
        %add3A_987 = arith.addi %mul3A_80, %broadcast_in_dim3A_984 : vector<16xi32>
        %gather3A_988 = tpu.vector_load_idx %arg7[%add3A_987] : memref<512xf32, #tpu.memory_space<vmem>>[vector<16xi32>], vector<16xf32>,
        %mul3A_989 = arith.mulf %gather3A_986, %gather3A_988 : vector<16xf32>
        %add3A_990 = arith.addf %add3A_982, %mul3A_989 : vector<16xf32>
        %broadcast_in_dim3A_991 = arith.constant 114 : i32
        %broadcast_in_dim3A_992 = vector.broadcast %broadcast_in_dim3A_991 : i32 to vector<16xi32>
        %add3A_993 = arith.addi %mul3A_73, %broadcast_in_dim3A_992 : vector<16xi32>
        %gather3A_994 = tpu.vector_load_idx %arg9[%add3A_993] : memref<51200xf32, #tpu.memory_space<vmem>>[vector<16xi32>], vector<16xf32>,
        %add3A_995 = arith.addi %mul3A_80, %broadcast_in_dim3A_992 : vector<16xi32>
        %gather3A_996 = tpu.vector_load_idx %arg7[%add3A_995] : memref<512xf32, #tpu.memory_space<vmem>>[vector<16xi32>], vector<16xf32>,
        %mul3A_997 = arith.mulf %gather3A_994, %gather3A_996 : vector<16xf32>
        %add3A_998 = arith.addf %add3A_990, %mul3A_997 : vector<16xf32>
        %broadcast_in_dim3A_999 = arith.constant 115 : i32
        %broadcast_in_dim3A_1000 = vector.broadcast %broadcast_in_dim3A_999 : i32 to vector<16xi32>
        %add3A_1001 = arith.addi %mul3A_73, %broadcast_in_dim3A_1000 : vector<16xi32>
        %gather3A_1002 = tpu.vector_load_idx %arg9[%add3A_1001] : memref<51200xf32, #tpu.memory_space<vmem>>[vector<16xi32>], vector<16xf32>,
        %add3A_1003 = arith.addi %mul3A_80, %broadcast_in_dim3A_1000 : vector<16xi32>
        %gather3A_1004 = tpu.vector_load_idx %arg7[%add3A_1003] : memref<512xf32, #tpu.memory_space<vmem>>[vector<16xi32>], vector<16xf32>,
        %mul3A_1005 = arith.mulf %gather3A_1002, %gather3A_1004 : vector<16xf32>
        %add3A_1006 = arith.addf %add3A_998, %mul3A_1005 : vector<16xf32>
        %broadcast_in_dim3A_1007 = arith.constant 116 : i32
        %broadcast_in_dim3A_1008 = vector.broadcast %broadcast_in_dim3A_1007 : i32 to vector<16xi32>
        %add3A_1009 = arith.addi %mul3A_73, %broadcast_in_dim3A_1008 : vector<16xi32>
        %gather3A_1010 = tpu.vector_load_idx %arg9[%add3A_1009] : memref<51200xf32, #tpu.memory_space<vmem>>[vector<16xi32>], vector<16xf32>,
        %add3A_1011 = arith.addi %mul3A_80, %broadcast_in_dim3A_1008 : vector<16xi32>
        %gather3A_1012 = tpu.vector_load_idx %arg7[%add3A_1011] : memref<512xf32, #tpu.memory_space<vmem>>[vector<16xi32>], vector<16xf32>,
        %mul3A_1013 = arith.mulf %gather3A_1010, %gather3A_1012 : vector<16xf32>
        %add3A_1014 = arith.addf %add3A_1006, %mul3A_1013 : vector<16xf32>
        %broadcast_in_dim3A_1015 = arith.constant 117 : i32
        %broadcast_in_dim3A_1016 = vector.broadcast %broadcast_in_dim3A_1015 : i32 to vector<16xi32>
        %add3A_1017 = arith.addi %mul3A_73, %broadcast_in_dim3A_1016 : vector<16xi32>
        %gather3A_1018 = tpu.vector_load_idx %arg9[%add3A_1017] : memref<51200xf32, #tpu.memory_space<vmem>>[vector<16xi32>], vector<16xf32>,
        %add3A_1019 = arith.addi %mul3A_80, %broadcast_in_dim3A_1016 : vector<16xi32>
        %gather3A_1020 = tpu.vector_load_idx %arg7[%add3A_1019] : memref<512xf32, #tpu.memory_space<vmem>>[vector<16xi32>], vector<16xf32>,
        %mul3A_1021 = arith.mulf %gather3A_1018, %gather3A_1020 : vector<16xf32>
        %add3A_1022 = arith.addf %add3A_1014, %mul3A_1021 : vector<16xf32>
        %broadcast_in_dim3A_1023 = arith.constant 118 : i32
        %broadcast_in_dim3A_1024 = vector.broadcast %broadcast_in_dim3A_1023 : i32 to vector<16xi32>
        %add3A_1025 = arith.addi %mul3A_73, %broadcast_in_dim3A_1024 : vector<16xi32>
        %gather3A_1026 = tpu.vector_load_idx %arg9[%add3A_1025] : memref<51200xf32, #tpu.memory_space<vmem>>[vector<16xi32>], vector<16xf32>,
        %add3A_1027 = arith.addi %mul3A_80, %broadcast_in_dim3A_1024 : vector<16xi32>
        %gather3A_1028 = tpu.vector_load_idx %arg7[%add3A_1027] : memref<512xf32, #tpu.memory_space<vmem>>[vector<16xi32>], vector<16xf32>,
        %mul3A_1029 = arith.mulf %gather3A_1026, %gather3A_1028 : vector<16xf32>
        %add3A_1030 = arith.addf %add3A_1022, %mul3A_1029 : vector<16xf32>
        %broadcast_in_dim3A_1031 = arith.constant 119 : i32
        %broadcast_in_dim3A_1032 = vector.broadcast %broadcast_in_dim3A_1031 : i32 to vector<16xi32>
        %add3A_1033 = arith.addi %mul3A_73, %broadcast_in_dim3A_1032 : vector<16xi32>
        %gather3A_1034 = tpu.vector_load_idx %arg9[%add3A_1033] : memref<51200xf32, #tpu.memory_space<vmem>>[vector<16xi32>], vector<16xf32>,
        %add3A_1035 = arith.addi %mul3A_80, %broadcast_in_dim3A_1032 : vector<16xi32>
        %gather3A_1036 = tpu.vector_load_idx %arg7[%add3A_1035] : memref<512xf32, #tpu.memory_space<vmem>>[vector<16xi32>], vector<16xf32>,
        %mul3A_1037 = arith.mulf %gather3A_1034, %gather3A_1036 : vector<16xf32>
        %add3A_1038 = arith.addf %add3A_1030, %mul3A_1037 : vector<16xf32>
        %broadcast_in_dim3A_1039 = arith.constant 120 : i32
        %broadcast_in_dim3A_1040 = vector.broadcast %broadcast_in_dim3A_1039 : i32 to vector<16xi32>
        %add3A_1041 = arith.addi %mul3A_73, %broadcast_in_dim3A_1040 : vector<16xi32>
        %gather3A_1042 = tpu.vector_load_idx %arg9[%add3A_1041] : memref<51200xf32, #tpu.memory_space<vmem>>[vector<16xi32>], vector<16xf32>,
        %add3A_1043 = arith.addi %mul3A_80, %broadcast_in_dim3A_1040 : vector<16xi32>
        %gather3A_1044 = tpu.vector_load_idx %arg7[%add3A_1043] : memref<512xf32, #tpu.memory_space<vmem>>[vector<16xi32>], vector<16xf32>,
        %mul3A_1045 = arith.mulf %gather3A_1042, %gather3A_1044 : vector<16xf32>
        %add3A_1046 = arith.addf %add3A_1038, %mul3A_1045 : vector<16xf32>
        %broadcast_in_dim3A_1047 = arith.constant 121 : i32
        %broadcast_in_dim3A_1048 = vector.broadcast %broadcast_in_dim3A_1047 : i32 to vector<16xi32>
        %add3A_1049 = arith.addi %mul3A_73, %broadcast_in_dim3A_1048 : vector<16xi32>
        %gather3A_1050 = tpu.vector_load_idx %arg9[%add3A_1049] : memref<51200xf32, #tpu.memory_space<vmem>>[vector<16xi32>], vector<16xf32>,
        %add3A_1051 = arith.addi %mul3A_80, %broadcast_in_dim3A_1048 : vector<16xi32>
        %gather3A_1052 = tpu.vector_load_idx %arg7[%add3A_1051] : memref<512xf32, #tpu.memory_space<vmem>>[vector<16xi32>], vector<16xf32>,
        %mul3A_1053 = arith.mulf %gather3A_1050, %gather3A_1052 : vector<16xf32>
        %add3A_1054 = arith.addf %add3A_1046, %mul3A_1053 : vector<16xf32>
        %broadcast_in_dim3A_1055 = arith.constant 122 : i32
        %broadcast_in_dim3A_1056 = vector.broadcast %broadcast_in_dim3A_1055 : i32 to vector<16xi32>
        %add3A_1057 = arith.addi %mul3A_73, %broadcast_in_dim3A_1056 : vector<16xi32>
        %gather3A_1058 = tpu.vector_load_idx %arg9[%add3A_1057] : memref<51200xf32, #tpu.memory_space<vmem>>[vector<16xi32>], vector<16xf32>,
        %add3A_1059 = arith.addi %mul3A_80, %broadcast_in_dim3A_1056 : vector<16xi32>
        %gather3A_1060 = tpu.vector_load_idx %arg7[%add3A_1059] : memref<512xf32, #tpu.memory_space<vmem>>[vector<16xi32>], vector<16xf32>,
        %mul3A_1061 = arith.mulf %gather3A_1058, %gather3A_1060 : vector<16xf32>
        %add3A_1062 = arith.addf %add3A_1054, %mul3A_1061 : vector<16xf32>
        %broadcast_in_dim3A_1063 = arith.constant 123 : i32
        %broadcast_in_dim3A_1064 = vector.broadcast %broadcast_in_dim3A_1063 : i32 to vector<16xi32>
        %add3A_1065 = arith.addi %mul3A_73, %broadcast_in_dim3A_1064 : vector<16xi32>
        %gather3A_1066 = tpu.vector_load_idx %arg9[%add3A_1065] : memref<51200xf32, #tpu.memory_space<vmem>>[vector<16xi32>], vector<16xf32>,
        %add3A_1067 = arith.addi %mul3A_80, %broadcast_in_dim3A_1064 : vector<16xi32>
        %gather3A_1068 = tpu.vector_load_idx %arg7[%add3A_1067] : memref<512xf32, #tpu.memory_space<vmem>>[vector<16xi32>], vector<16xf32>,
        %mul3A_1069 = arith.mulf %gather3A_1066, %gather3A_1068 : vector<16xf32>
        %add3A_1070 = arith.addf %add3A_1062, %mul3A_1069 : vector<16xf32>
        %broadcast_in_dim3A_1071 = arith.constant 124 : i32
        %broadcast_in_dim3A_1072 = vector.broadcast %broadcast_in_dim3A_1071 : i32 to vector<16xi32>
        %add3A_1073 = arith.addi %mul3A_73, %broadcast_in_dim3A_1072 : vector<16xi32>
        %gather3A_1074 = tpu.vector_load_idx %arg9[%add3A_1073] : memref<51200xf32, #tpu.memory_space<vmem>>[vector<16xi32>], vector<16xf32>,
        %add3A_1075 = arith.addi %mul3A_80, %broadcast_in_dim3A_1072 : vector<16xi32>
        %gather3A_1076 = tpu.vector_load_idx %arg7[%add3A_1075] : memref<512xf32, #tpu.memory_space<vmem>>[vector<16xi32>], vector<16xf32>,
        %mul3A_1077 = arith.mulf %gather3A_1074, %gather3A_1076 : vector<16xf32>
        %add3A_1078 = arith.addf %add3A_1070, %mul3A_1077 : vector<16xf32>
        %broadcast_in_dim3A_1079 = arith.constant 125 : i32
        %broadcast_in_dim3A_1080 = vector.broadcast %broadcast_in_dim3A_1079 : i32 to vector<16xi32>
        %add3A_1081 = arith.addi %mul3A_73, %broadcast_in_dim3A_1080 : vector<16xi32>
        %gather3A_1082 = tpu.vector_load_idx %arg9[%add3A_1081] : memref<51200xf32, #tpu.memory_space<vmem>>[vector<16xi32>], vector<16xf32>,
        %add3A_1083 = arith.addi %mul3A_80, %broadcast_in_dim3A_1080 : vector<16xi32>
        %gather3A_1084 = tpu.vector_load_idx %arg7[%add3A_1083] : memref<512xf32, #tpu.memory_space<vmem>>[vector<16xi32>], vector<16xf32>,
        %mul3A_1085 = arith.mulf %gather3A_1082, %gather3A_1084 : vector<16xf32>
        %add3A_1086 = arith.addf %add3A_1078, %mul3A_1085 : vector<16xf32>
        %broadcast_in_dim3A_1087 = arith.constant 126 : i32
        %broadcast_in_dim3A_1088 = vector.broadcast %broadcast_in_dim3A_1087 : i32 to vector<16xi32>
        %add3A_1089 = arith.addi %mul3A_73, %broadcast_in_dim3A_1088 : vector<16xi32>
        %gather3A_1090 = tpu.vector_load_idx %arg9[%add3A_1089] : memref<51200xf32, #tpu.memory_space<vmem>>[vector<16xi32>], vector<16xf32>,
        %add3A_1091 = arith.addi %mul3A_80, %broadcast_in_dim3A_1088 : vector<16xi32>
        %gather3A_1092 = tpu.vector_load_idx %arg7[%add3A_1091] : memref<512xf32, #tpu.memory_space<vmem>>[vector<16xi32>], vector<16xf32>,
        %mul3A_1093 = arith.mulf %gather3A_1090, %gather3A_1092 : vector<16xf32>
        %add3A_1094 = arith.addf %add3A_1086, %mul3A_1093 : vector<16xf32>
        %broadcast_in_dim3A_1095 = arith.constant 127 : i32
        %broadcast_in_dim3A_1096 = vector.broadcast %broadcast_in_dim3A_1095 : i32 to vector<16xi32>
        %add3A_1097 = arith.addi %mul3A_73, %broadcast_in_dim3A_1096 : vector<16xi32>
        %gather3A_1098 = tpu.vector_load_idx %arg9[%add3A_1097] : memref<51200xf32, #tpu.memory_space<vmem>>[vector<16xi32>], vector<16xf32>,
        %add3A_1099 = arith.addi %mul3A_80, %broadcast_in_dim3A_1096 : vector<16xi32>
        %gather3A_1100 = tpu.vector_load_idx %arg7[%add3A_1099] : memref<512xf32, #tpu.memory_space<vmem>>[vector<16xi32>], vector<16xf32>,
        %mul3A_1101 = arith.mulf %gather3A_1098, %gather3A_1100 : vector<16xf32>
        %add3A_1102 = arith.addf %add3A_1094, %mul3A_1101 : vector<16xf32>
        %mul3A_1103 = arith.constant 16 : i32
        %mul3A_1104 = arith.muli %scan3A_66, %mul3A_1103 : i32
        %swap3A = arith.index_cast %mul3A_1104 : i32 to index
        %swap3A_1105 = tpu.vector_load %arg11[%swap3A] {strides = array<i32>} : memref<400xf32, #tpu.memory_space<vmem>>, vector<16xf32>,
        tpu.vector_store %arg11[%swap3A], %add3A_1102 {strides = array<i32>} : memref<400xf32, #tpu.memory_space<vmem>>, vector<16xf32>,
      }
      %scan3A_65 = arith.constant 25 : i32
      "tpu.region"() ({
        %run_scoped3A = tpu.sem_alloc : memref<!tpu.dma_semaphore, #tpu.memory_space<semaphore_mem>>
        %dma_start3A = tpu.memref_slice %arg6[%mul3A_58] : memref<100000xf32, #tpu.memory_space<hbm>> -> memref<400xf32, #tpu.memory_space<hbm>>
        %dma_start3A_66 = tpu.memref_slice %arg6[%mul3A_58] : memref<100000xf32, #tpu.memory_space<hbm>> -> memref<400xf32, #tpu.memory_space<hbm>>
        tpu.enqueue_dma source(%arg11 : memref<400xf32, #tpu.memory_space<vmem>>) target(%dma_start3A_66 : memref<400xf32, #tpu.memory_space<hbm>>) target_semaphore(%run_scoped3A : memref<!tpu.dma_semaphore, #tpu.memory_space<semaphore_mem>>)
        %dma_wait3A = tpu.memref_slice %arg6[%mul3A_58] : memref<100000xf32, #tpu.memory_space<hbm>> -> memref<400xf32, #tpu.memory_space<hbm>>
        %dma_wait3A_67 = tpu.memref_slice %arg6[%mul3A_58] : memref<100000xf32, #tpu.memory_space<hbm>> -> memref<400xf32, #tpu.memory_space<hbm>>
        tpu.wait_dma2 semaphore(%run_scoped3A : memref<!tpu.dma_semaphore, #tpu.memory_space<semaphore_mem>>) src(%arg11 : memref<400xf32, #tpu.memory_space<vmem>>) dst(%dma_wait3A_67 : memref<400xf32, #tpu.memory_space<hbm>>)
        tpu.yield
      }) : () -> ()
    }
    return
  }
}

</mosaic_0001>

<sc_bundles>
// kernel: kernel.3.cloned.1.call-start
scs
__scs_entry_jumppad:
0x0: {  	(pc) =	sbr.rel $0x88, $3  }
0x1: {  	(tag) =	ssettag $0x0;
	lr =	simm.s32 $0x1  }
0x2: {  	[smem:$0x3F9D] =	sst lr;
	_ =	strace $0xD0000000  }
0x3: {  	_ = 	snop  }
0x4: {  	_ = 	snop  }
0x5: {  	_ = 	snop  }
0x6: {  	_ = 	snop  }
0x7: {  	_ = 	snop  }
__scs_overlays_trampoline_lowered:
0x8: {  	[smem:$0x3FAC] =	sst s0  }
0x9: {  	[smem:$0x3FAD] =	sst s1  }
0xa: {  	[smem:$0x3FAE] =	sst s2  }
0xb: {  	[smem:$0x3FAF] =	sst s3  }
0xc: {  	[smem:$0x3FB0] =	sst s4  }
0xd: {  	[smem:$0x3FB1] =	sst s5  }
0xe: {  	[smem:$0x3FB2] =	sst s6  }
0xf: {  	[smem:$0x3FB3] =	sst s7  }
0x10: {  	[smem:$0x3FB4] =	sst s8  }
0x11: {  	[smem:$0x3FB5] =	sst s9;
	s0 =	simm.s32 @!p0 $0x0  }
0x12: {  	s1 =	sld [smem:$0x3F9B];
	s0 =	simm.s32 @p0 $0x1  }
0x13: {  	[smem:$0x3FB6] =	sst s0;
	s0 =	simm.s32 @!p1 $0x0  }
0x14: {  	s2 =	sld [smem:$0x3F9A];
	s0 =	simm.s32 @p1 $0x1  }
0x15: {  	[smem:$0x3FB7] =	sst s0;
	s0 =	simm.s32 @!p2 $0x0  }
0x16: {  	s3 =	sld [smem:$0x3FDB];
	s0 =	simm.s32 @p2 $0x1  }
0x17: {  	s4 =	simm.s32 $0x1BF5;
	[smem:$0x3FB9] =	sst s0  }
0x18: {  	s0 =	sld [smem:$0x3F9C];
	_ =	swait.ge [sflag:s4], $0x0  }
0x19: {  	s7 =	sld [smem:$0x3F9D]  }
0x1a: {  	s8 =	sadd.s32 $0xFFFFE003, lr  }
0x1b: {  	s9 =	sadd.s32 $0xFFFFFEF7, lr;
	s5 =	simm.s32 $0xFFFFFFFF;
	p2 =	slt.u32 s8, $0xFFFFF086  }
0x1c: {  	p1 =	slt.u32 s9, $0xF7A;
	s5 =	simm.s32 @!p2 $0x0  }
0x1d: {  	s5 =	simm.s32 @p1 $0x1;
	p0 =	seq.s32 s7, s2  }
0x1e: {  	s7 =	smul.u32 @!p0 $0xF7A, s2;
	p2 =	seq.s32 @!p0 s5, $0x0  }
0x1f: {  	s9 =	smul.u32 $0xF7A, s1;
	s8 =	simm.s32 @!p0 $0x1BF5;
	p2 =	por !p2, p0  }
0x20: {  	[sflag:s8] =	ssyncset.s32 @!p0 $0xFFFFF086;
	s6 =	sadd.s32 @!p0 s3, s7;
	s7 =	simm.s32 @!p0 $0x108  }
0x21: {  	s3 =	sadd.s32 s3, s9;
	s6 =	sadd.s32 @!p0 $0x88, s6;
	s7 =	simm.s32 @p2 $0x1082  }
0x22: {  	[simem:s7], [sflag:s8] =	dma.local @!p0 [hbm:s6], $0xF7A  }
0x23: {  	s9 =	sor.u32 $0xD0000000, s2;
	s6 =	simm.s32 $0x108;
	_ =	swait.ge @!p0 [sflag:s8], $0x0  }
0x24: {  	s3 =	sadd.s32 $0x88, s3;
	s6 =	simm.s32 @!p1 $0x1082;
	[sflag:s4] =	ssyncset.s32 $0xFFFFF086  }
0x25: {  	[simem:s6], [sflag:s4] =	dma.local [hbm:s3], $0xF7A  }
0x26: {  	[smem:$0x3F9D] =	sst s1;
	(tag) =	ssettag s2;
	_ =	strace s9  }
0x27: {  	s1 =	sld [smem:$0x3FAD]  }
0x28: {  	s2 =	sld [smem:$0x3FAE]  }
0x29: {  	s4 =	sld [smem:$0x3FB0]  }
0x2a: {  	p0 =	seq.s32 s5, $0x0;
	s5 =	sld [smem:$0x3FB1]  }
0x2b: {  	s6 =	sld [smem:$0x3FB2]  }
0x2c: {  	s7 =	sld [smem:$0x3FB3]  }
0x2d: {  	s3 =	simm.s32 $0x108;
	s8 =	sld [smem:$0x3FB4]  }
0x2e: {  	s3 =	simm.s32 @!p0 $0x1082;
	s9 =	sld [smem:$0x3FB5]  }
0x2f: {  	lr =	sadd.s32 s0, s3;
	s0 =	sld [smem:$0x3FAC]  }
0x30: {  	s3 =	sld [smem:$0x3FAF]  }
0x31: {  	[smem:$0x3FB8] =	sst s10  }
0x32: {  	s10 =	sld [smem:$0x3FB6];
	_ =	sdelay $0x3  }
0x33: {  	p0 =	seq.s32 s10, $0x1;
	s10 =	sld [smem:$0x3FB8];
	_ =	sdelay $0x3  }
0x34: {  	[smem:$0x3FB8] =	sst s10  }
0x35: {  	s10 =	sld [smem:$0x3FB7];
	_ =	sdelay $0x3  }
0x36: {  	p1 =	seq.s32 s10, $0x1;
	s10 =	sld [smem:$0x3FB8];
	_ =	sdelay $0x3  }
0x37: {  	[smem:$0x3FB8] =	sst s10  }
0x38: {  	s10 =	sld [smem:$0x3FB9]  }
0x39: {  	_ = 	snop;
	(pc) =	sbr.ind lr, $3  }
0x3a: {  	_ = 	snop  }
0x3b: {  	_ = 	snop  }
0x3c: {  	p2 =	seq.s32 s10, $0x1;
	s10 =	sld [smem:$0x3FB8]  }
0x3d: {  	_ =	shalt  }
0x3e: {  	_ =	shalt  }
0x3f: {  	_ =	shalt  }
0x40: {  	_ =	shalt  }
0x41: {  	_ =	shalt  }
0x42: {  	_ =	shalt  }
0x43: {  	_ =	shalt  }
0x44: {  	_ =	shalt  }
0x45: {  	_ =	shalt  }
0x46: {  	_ =	shalt  }
0x47: {  	_ =	shalt  }
0x48: {  	_ =	shalt  }
0x49: {  	_ =	shalt  }
0x4a: {  	_ =	shalt  }
0x4b: {  	_ =	shalt  }
0x4c: {  	_ =	shalt  }
0x4d: {  	_ =	shalt  }
0x4e: {  	_ =	shalt  }
0x4f: {  	_ =	shalt  }
0x50: {  	_ =	shalt  }
0x51: {  	_ =	shalt  }
0x52: {  	_ =	shalt  }
0x53: {  	_ =	shalt  }
0x54: {  	_ =	shalt  }
0x55: {  	_ =	shalt  }
0x56: {  	_ =	shalt  }
0x57: {  	_ =	shalt  }
0x58: {  	_ =	shalt  }
0x59: {  	_ =	shalt  }
0x5a: {  	_ =	shalt  }
0x5b: {  	_ =	shalt  }
0x5c: {  	_ =	shalt  }
0x5d: {  	_ =	shalt  }
0x5e: {  	_ =	shalt  }
0x5f: {  	_ =	shalt  }
0x60: {  	_ =	shalt  }
0x61: {  	_ =	shalt  }
0x62: {  	_ =	shalt  }
0x63: {  	_ =	shalt  }
0x64: {  	_ =	shalt  }
0x65: {  	_ =	shalt  }
0x66: {  	_ =	shalt  }
0x67: {  	_ =	shalt  }
0x68: {  	_ =	shalt  }
0x69: {  	_ =	shalt  }
0x6a: {  	_ =	shalt  }
0x6b: {  	_ =	shalt  }
0x6c: {  	_ =	shalt  }
0x6d: {  	_ =	shalt  }
0x6e: {  	_ =	shalt  }
0x6f: {  	_ =	shalt  }
0x70: {  	_ =	shalt  }
0x71: {  	_ =	shalt  }
0x72: {  	_ =	shalt  }
0x73: {  	_ =	shalt  }
0x74: {  	_ =	shalt  }
0x75: {  	_ =	shalt  }
0x76: {  	_ =	shalt  }
0x77: {  	_ =	shalt  }
0x78: {  	_ =	shalt  }
0x79: {  	_ =	shalt  }
0x7a: {  	_ =	shalt  }
0x7b: {  	_ =	shalt  }
0x7c: {  	_ =	shalt  }
0x7d: {  	_ =	shalt  }
0x7e: {  	_ =	shalt  }
0x7f: {  	_ =	shalt  }
0x80: {  	_ =	shalt  }
0x81: {  	_ =	shalt  }
0x82: {  	_ =	shalt  }
0x83: {  	_ =	shalt  }
0x84: {  	_ =	shalt  }
0x85: {  	_ =	shalt  }
0x86: {  	_ =	shalt  }
0x87: {  	_ =	shalt  }
.Lfunc_end0:
.L_simem_size_0:
called_computation_lowered:
.L_overlay_start_0:
0x88: {  	s2 =	sld [smem:$0x3FD9]  }
0x89: {  	s3 =	sld [smem:$0x3FFE];
	_ =	sdelay $0x1  }
0x8a: {  	s1 =	srdreg.scid  }
0x8b: {  	s0 =	sand.u32 $0x1, s1  }
0x8c: {  	s17 =	sshll.u32 s0, $0xA;
	s2 =	sadd.s32 s3, s2  }
0x8d: {  	s2 =	sadd.s32 s2, s17  }
0x8e: {  	[smem:$0x3FC4] =	sst s2  }
0x8f: {  	_ = 	snop  }
0x90: {  	s2 =	sld [smem:$0x3FC9]  }
0x91: {  	s18 =	sld [smem:$0x3FC8]  }
0x92: {  	s4 =	sld [smem:$0x3FC7];
	(tm) =	ssettm $0x1  }
0x93: {  	s5 =	sld [smem:$0x3FFB];
	_ =	sdelay $0x3  }
0x94: {  	_ =	strace s5  }
0x95: {  	s5 =	sld [smem:$0x3FFC];
	_ =	sdelay $0x3  }
0x96: {  	_ =	strace s5  }
0x97: {  	s5 =	sld [smem:$0x3FFD];
	_ =	sdelay $0x3  }
0x98: {  	_ =	strace s5  }
0x99: {  	_ =	strace $0x8FFFFFFF  }
0x9a: {  	s19 =	sld [smem:$0x3FDB];
	_ =	sdelay $0x1  }
0x9b: {  	s6 =	simm.s32 $_scs_section_size  }
0x9c: {  	s7 =	simm.s32 $_size__tile_overlayer_lowered;
	s8 =	simm.s32 $_tile_overlayer_lowered  }
0x9d: {  	s22 =	simm.s32 $0x1BFF;
	s21 =	sshll.u32 s8, $0x1;
	s5 =	sadd.s32 s6, s19  }
0x9e: {  	s9 =	simm.s32 $0x0;
	s20 =	sshll.u32 s7, $0x1;
	s7 =	sadd.s32 s21, s5  }
0x9f: {  	[timem:s9], [sflag:s22] =	dma.local [hbm:s7], s20  }
0xa0: {  	_ =	swait.ge [sflag:s22], s20  }
0xa1: {  	s6 =	ssub.s32 $0x0, s20;
	[sflag:s22] =	ssyncset.done $0x0  }
0xa2: {  	[sflag:s22] =	ssyncadd.s32 s6;
	_ =	sdelay $0x1  }
0xa3: {  	s23 =	simm.s32 $0x1B8B  }
0xa4: {  	_ =	swait.ge [sflag:s23], $0x1  }
0xa5: {  	[sflag:s23] =	ssyncset.done $0x0  }
0xa6: {  	s25 =	simm.s32 $0x1B8E;
	s24 =	sld [smem:$0x3FFE];
	[sflag:s23] =	ssyncadd.s32 $0xFFFFFFFF  }
0xa7: {  	s26 =	simm.s32 $execute0_lowered;
	[smem:$0x3FD2] =	sst s25  }
0xa8: {  	s7 =	sshll.u32 s26, $0x1;
	_ =	strace $0x80000046;
	[dreg:$0x1] =	wrdreg $0xFFFFFFFF  }
0xa9: {  	s28 =	simm.s32 $_size_execute0_lowered;
	s5 =	sadd.s32 s5, s7;
	[dreg:$0x0] =	wrdreg $0x0  }
0xaa: {  	s7 =	sshll.u32 s28, $0x1;
	[dreg:$0x2] =	wrdreg s5  }
0xab: {  	[dreg:$0x3] =	wrdreg s7  }
0xac: {  	[dreg:$0x4] =	wrdreg $0xC0  }
0xad: {  	_ =	task [dreg:s9], $0x5FFFF  }
0xae: {  	[dreg:$0x1] =	wrdreg $0xFFFFFFFF  }
0xaf: {  	[dreg:$0x0] =	wrdreg $0x60  }
0xb0: {  	[dreg:$0x2] =	wrdreg s2  }
0xb1: {  	[dreg:$0x3] =	wrdreg s18  }
0xb2: {  	[dreg:$0x4] =	wrdreg s4  }
0xb3: {  	[dreg:$0x5] =	wrdreg s24  }
0xb4: {  	[dreg:$0x6] =	wrdreg $0x9  }
0xb5: {  	_ =	task.clear_ibuf [dreg:s9], $0x7FFFF;
	_ =	strace $0x90000046  }
0xb6: {  	s29 =	simm.s32 $0x9;
	_ =	strace $0x80000048  }
0xb7: {  	_ =	swait.ge [sflag:s29], $0x1  }
0xb8: {  	[sflag:s29] =	ssyncadd.s32 $0xFFFFFFFF  }
0xb9: {  	_ =	strace $0x90000048  }
0xba: {  	_ =	sfence  }
0xbb: {  	s30 =	sld [smem:$0x0];
	_ =	sdelay $0x2  }
0xbc: {  	s31 =	sshll.u32 s1, $0xD;
	s1 =	sshrl.u32 s1, $0x2  }
0xbd: {  	s3 =	sand.u32 $0x4000, s31;
	s1 =	sadd.s32 s1, s30  }
0xbe: {  	s0 =	sor.u32 s3, s0;
	s1 =	sshll.u32 s1, $0x11  }
0xbf: {  	s0 =	sor.u32 s1, s0  }
0xc0: {  	s0 =	sadd.s32 $0x8F2B, s0  }
0xc1: {  	[sflag:s0] =	ssyncadd.remote.s32 $0x1  }
0xc2: {  	_ =	sfence.sel $0xFFFF  }
0xc3: {  	[dreg:$0x0] =	wrdreg $0xFFFFFFFF;
	(pc) =	sbr.abs _section_cstart, $3  }
0xc4: {  	[dreg:$0x1] =	wrdreg $0xFFFFFFFF  }
0xc5: {  	_ =	task.clear_ibuf [dreg:s9], $0x2FFFF;
	_ =	strace $0x9FFFFFFF  }
0xc6: {  	(tm) =	ssettm $0x7FFFFFFF  }
0xc7: {  	_ =	shalt  }
tec
execute0_lowered:
.L_overlay_start_1:
0x0: {  	(tag) =	ssettag $0x1  }
0x1: {  	s1 =	rddreg [dreg:$0x0]  }
0x2: {  	s2 =	rddreg [dreg:$0x1]  }
0x3: {  	s4 =	rddreg [dreg:$0x2];
	s3 =	srdreg.scid  }
0x4: {  	s0 =	stileid.u32;
	s7 =	rddreg [dreg:$0x3]  }
0x5: {  	s5 =	simm.s32 $0x0;
	s6 =	sand.u32 $0x1, s3;
	s8 =	sshll.u32 s0, $0x1  }
0x6: {  	s11 =	simm.s32 $0x1;
	s12 =	simm.s32 $0x200;
	s8 =	sor.u32 s6, s8  }
0x7: {  	s13 =	simm.s32 $0x280;
	s14 =	simm.s32 $0xCC80;
	s8 =	smul.u32 $0xFA, s8  }
.Ltmp0:
0x8: {  	s15 =	simm.s32 $0x0;
	[smem:$0x7FF] =	sst s5;
	(pc) =	sbr.rel .LBB2_1-.Ltmp0, $4  }
0x9: {  	s3 =	rddreg [dreg:$0x4];
	s9 =	ssub.s32 $0x2, s6;
	_ =	strace $0x80000047  }
0xa: {  	s6 =	sadd.s32 $0x400, s7;
	s10 =	sshrl.u32 s9, $0x1;
	s31 =	sadd.s32 $0xFA, s8  }
0xb: {  	v0 =	vlaneseq.u32;
	s10 =	ssub.s32 s9, s10;
	s8 =	sshrl.u32 s8, $0x5;
	s9 =	sshrl.u32 s31, $0x5  }
0xc: {  	v0 =	vmul.u32 $0x80, v0;
	s7 =	sadd.s32 $0x600, s7;
	s10 =	smax.u32 s10, $0x1;
	p0 =	sge.u32 s8, s9  }
.LBB2_6:
0xd: {  	s15 =	sadd.s32 $0x1, s15  }
0xe: {  	p1 =	sne.s32 s15, s10  }
.Ltmp1:
0xf: {  	_ = 	snop;
	(pc) =	sbr.rel @!p1 .LBB2_7-.Ltmp1, $1  }
0x10: {  	_ =	sdelay $0x3  }
.LBB2_1:
0x11: {  	[tilespmem:s5], [sflag:$0x1] =	stream.linear.gather [hbm4b:s4+s5], $0x200, $0x38;
	[tilespmem:$0xCE80] =	vst v63  }
0x12: {  	_ =	swait.ge [sflag:s11], $0x200  }
0x13: {  	[sflag:s11] =	ssyncset.done $0x0  }
.Ltmp2:
0x14: {  	[sflag:s11] =	ssyncadd.s32 $0xFFFFFE00;
	(pc) =	sbr.rel @p0 .LBB2_6-.Ltmp2, $4  }
0x15: {  	[tilespmem:s12], [sflag:$0x1] =	stream.linear.gather [hbm4b:s6+s5], $0x80, $0x38;
	[tilespmem:$0xCE80] =	vst v63  }
0x16: {  	_ =	swait.ge [sflag:s11], $0x80  }
0x17: {  	[sflag:s11] =	ssyncset.done $0x0  }
0x18: {  	[sflag:s11] =	ssyncadd.s32 $0xFFFFFF80  }
0x19: {  	v1 =	vld [tilespmem:$0x200];
	s16 =	smov.u32 s8  }
.LBB2_3:
0x1a: {  	s17 =	smul.u32 $0x1900, s16;
	_ =	sdelay $0x1  }
0x1b: {  	s19 =	simm.s32 $0x0;
	s17 =	sadd.s32 s1, s17  }
0x1c: {  	[tilespmem:s13], [sflag:$0x1] =	stream.linear.gather [hbm4b:s17+s19], $0xC800, $0x38;
	[tilespmem:$0xCE80] =	vst v63  }
0x1d: {  	s17 =	smul.u32 $0x32, s16;
	_ =	swait.ge [sflag:s11], $0xC800  }
0x1e: {  	[sflag:s11] =	ssyncset.done $0x0  }
0x1f: {  	s18 =	simm.s32 $0xCA80;
	s20 =	sadd.s32 s2, s17;
	[sflag:s11] =	ssyncadd.s32 $0xFFFF3800  }
0x20: {  	[tilespmem:s18], [sflag:$0x1] =	stream.linear.gather [hbm4b:s20+s19], $0x190, $0x38;
	[tilespmem:$0xCE80] =	vst v63  }
0x21: {  	_ =	swait.ge [sflag:s11], $0x190  }
0x22: {  	[sflag:s11] =	ssyncset.done $0x0  }
0x23: {  	[sflag:s11] =	ssyncadd.s32 $0xFFFFFE70  }
0x24: {  	v2 =	vld [tilespmem:s18+$0x0];
	_ =	sdelay $0x1  }
0x25: {  	v3 =	vmov s19  }
0x26: {  	v3 =	vshll.u32 v3, $0x7  }
0x27: {  	v3 =	vor.u32 v0, v3  }
0x28: {  	v2 =	vshll.u32 v2, $0x7  }
0x29: {  	v5 =	vor.u32 $0x1, v3  }
0x2a: {  	v4 =	vor.u32 $0x1, v2  }
0x2b: {  	v6 =	vor.u32 $0x2, v3  }
0x2c: {  	v7 =	vld.idx.msk [tilespmem:v3+s13+$0x0], $0xffff;
	v8 =	vor.u32 $0x2, v2  }
0x2d: {  	v10 =	vor.u32 $0x3, v3;
	v9 =	vld.idx.msk [tilespmem:v2+s5+$0x0], $0xffff  }
0x2e: {  	v5 =	vld.idx.msk [tilespmem:v5+s13+$0x0], $0xffff;
	v11 =	vor.u32 $0x3, v2  }
0x2f: {  	v12 =	vor.u32 $0x4, v3;
	v4 =	vld.idx.msk [tilespmem:v4+s5+$0x0], $0xffff  }
0x30: {  	v6 =	vld.idx.msk [tilespmem:v6+s13+$0x0], $0xffff;
	v13 =	vor.u32 $0x4, v2  }
0x31: {  	v14 =	vor.u32 $0x5, v3;
	v8 =	vld.idx.msk [tilespmem:v8+s5+$0x0], $0xffff  }
0x32: {  	v10 =	vld.idx.msk [tilespmem:v10+s13+$0x0], $0xffff;
	v15 =	vor.u32 $0x5, v2;
	v7 =	vmul.f32 v9, v7  }
0x33: {  	v60 =	vor.u32 $0x6, v3;
	v59 =	vld.idx.msk [tilespmem:v11+s5+$0x0], $0xffff  }
0x34: {  	v12 =	vld.idx.msk [tilespmem:v12+s13+$0x0], $0xffff;
	v16 =	vor.u32 $0x6, v2;
	v4 =	vmul.f32 v4, v5;
	v7 =	vadd.f32 v7, v1  }
0x35: {  	v62 =	vor.u32 $0x7, v3;
	v61 =	vld.idx.msk [tilespmem:v13+s5+$0x0], $0xffff  }
0x36: {  	v14 =	vld.idx.msk [tilespmem:v14+s13+$0x0], $0xffff;
	v17 =	vor.u32 $0x7, v2;
	v6 =	vmul.f32 v8, v6;
	v4 =	vadd.f32 v4, v7  }
0x37: {  	v21 =	vor.u32 $0x8, v2;
	v63 =	vld.idx.msk [tilespmem:v15+s5+$0x0], $0xffff  }
0x38: {  	v20 =	vor.u32 $0x8, v3;
	v11 =	vld.idx.msk [tilespmem:v60+s13+$0x0], $0xffff;
	v22 =	vmul.f32 v59, v10;
	v4 =	vadd.f32 v6, v4  }
0x39: {  	v25 =	vor.u32 $0x9, v2;
	v23 =	vld.idx.msk [tilespmem:v16+s5+$0x0], $0xffff  }
0x3a: {  	v24 =	vor.u32 $0x9, v3;
	v13 =	vld.idx.msk [tilespmem:v62+s13+$0x0], $0xffff;
	v5 =	vmul.f32 v61, v12;
	v4 =	vadd.f32 v22, v4  }
0x3b: {  	v28 =	vor.u32 $0xA, v2;
	v26 =	vld.idx.msk [tilespmem:v17+s5+$0x0], $0xffff  }
0x3c: {  	v27 =	vor.u32 $0xA, v3;
	v30 =	vld.idx.msk [tilespmem:v21+s5+$0x0], $0xffff;
	v29 =	vmul.f32 v63, v14;
	v4 =	vadd.f32 v5, v4  }
0x3d: {  	v32 =	vor.u32 $0xB, v2;
	v8 =	vld.idx.msk [tilespmem:v20+s13+$0x0], $0xffff  }
0x3e: {  	v31 =	vor.u32 $0xB, v3;
	v34 =	vld.idx.msk [tilespmem:v25+s5+$0x0], $0xffff;
	v33 =	vmul.f32 v23, v11;
	v4 =	vadd.f32 v29, v4  }
0x3f: {  	v36 =	vor.u32 $0xC, v2;
	v10 =	vld.idx.msk [tilespmem:v24+s13+$0x0], $0xffff  }
0x40: {  	v35 =	vor.u32 $0xC, v3;
	v38 =	vld.idx.msk [tilespmem:v28+s5+$0x0], $0xffff;
	v37 =	vmul.f32 v26, v13;
	v4 =	vadd.f32 v33, v4  }
0x41: {  	v40 =	vor.u32 $0xD, v2;
	v12 =	vld.idx.msk [tilespmem:v27+s13+$0x0], $0xffff  }
0x42: {  	v39 =	vor.u32 $0xD, v3;
	v42 =	vld.idx.msk [tilespmem:v32+s5+$0x0], $0xffff;
	v41 =	vmul.f32 v30, v8;
	v4 =	vadd.f32 v37, v4  }
0x43: {  	v44 =	vor.u32 $0xE, v2;
	v14 =	vld.idx.msk [tilespmem:v31+s13+$0x0], $0xffff  }
0x44: {  	v43 =	vor.u32 $0xE, v3;
	v46 =	vld.idx.msk [tilespmem:v36+s5+$0x0], $0xffff;
	v45 =	vmul.f32 v34, v10;
	v4 =	vadd.f32 v41, v4  }
0x45: {  	v48 =	vor.u32 $0xF, v2;
	v11 =	vld.idx.msk [tilespmem:v35+s13+$0x0], $0xffff  }
0x46: {  	v47 =	vor.u32 $0xF, v3;
	v50 =	vld.idx.msk [tilespmem:v40+s5+$0x0], $0xffff;
	v49 =	vmul.f32 v38, v12;
	v4 =	vadd.f32 v45, v4  }
0x47: {  	v52 =	vor.u32 $0x10, v2;
	v13 =	vld.idx.msk [tilespmem:v39+s13+$0x0], $0xffff  }
0x48: {  	v51 =	vor.u32 $0x10, v3;
	v54 =	vld.idx.msk [tilespmem:v44+s5+$0x0], $0xffff;
	v53 =	vmul.f32 v42, v14;
	v4 =	vadd.f32 v49, v4  }
0x49: {  	v55 =	vor.u32 $0x11, v3;
	v8 =	vld.idx.msk [tilespmem:v43+s13+$0x0], $0xffff  }
0x4a: {  	v56 =	vor.u32 $0x11, v2;
	v58 =	vld.idx.msk [tilespmem:v48+s5+$0x0], $0xffff;
	v57 =	vmul.f32 v46, v11;
	v4 =	vadd.f32 v53, v4  }
0x4b: {  	v60 =	vor.u32 $0x12, v2;
	v10 =	vld.idx.msk [tilespmem:v47+s13+$0x0], $0xffff  }
0x4c: {  	v62 =	vld.idx.msk [tilespmem:v52+s5+$0x0], $0xffff;
	v59 =	vor.u32 $0x12, v3;
	v61 =	vmul.f32 v50, v13;
	v4 =	vadd.f32 v57, v4  }
0x4d: {  	v63 =	vor.u32 $0x13, v3;
	v12 =	vld.idx.msk [tilespmem:v51+s13+$0x0], $0xffff  }
0x4e: {  	v20 =	vor.u32 $0x13, v2;
	v14 =	vld.idx.msk [tilespmem:v55+s13+$0x0], $0xffff;
	v21 =	vmul.f32 v54, v8;
	v4 =	vadd.f32 v61, v4  }
0x4f: {  	v24 =	vor.u32 $0x14, v2;
	v22 =	vld.idx.msk [tilespmem:v56+s5+$0x0], $0xffff  }
0x50: {  	v23 =	vor.u32 $0x14, v3;
	v26 =	vld.idx.msk [tilespmem:v60+s5+$0x0], $0xffff;
	v25 =	vmul.f32 v58, v10;
	v4 =	vadd.f32 v21, v4  }
0x51: {  	v28 =	vor.u32 $0x15, v2;
	v11 =	vld.idx.msk [tilespmem:v59+s13+$0x0], $0xffff  }
0x52: {  	v27 =	vor.u32 $0x15, v3;
	v13 =	vld.idx.msk [tilespmem:v63+s13+$0x0], $0xffff;
	v29 =	vmul.f32 v62, v12;
	v4 =	vadd.f32 v25, v4  }
0x53: {  	v32 =	vor.u32 $0x16, v2;
	v30 =	vld.idx.msk [tilespmem:v20+s5+$0x0], $0xffff  }
0x54: {  	v31 =	vor.u32 $0x16, v3;
	v34 =	vld.idx.msk [tilespmem:v24+s5+$0x0], $0xffff;
	v33 =	vmul.f32 v22, v14;
	v4 =	vadd.f32 v29, v4  }
0x55: {  	v36 =	vor.u32 $0x17, v2;
	v8 =	vld.idx.msk [tilespmem:v23+s13+$0x0], $0xffff  }
0x56: {  	v35 =	vor.u32 $0x17, v3;
	v38 =	vld.idx.msk [tilespmem:v28+s5+$0x0], $0xffff;
	v37 =	vmul.f32 v26, v11;
	v4 =	vadd.f32 v33, v4  }
0x57: {  	v40 =	vor.u32 $0x18, v2;
	v10 =	vld.idx.msk [tilespmem:v27+s13+$0x0], $0xffff  }
0x58: {  	v39 =	vor.u32 $0x18, v3;
	v42 =	vld.idx.msk [tilespmem:v32+s5+$0x0], $0xffff;
	v41 =	vmul.f32 v30, v13;
	v4 =	vadd.f32 v37, v4  }
0x59: {  	v44 =	vor.u32 $0x19, v2;
	v12 =	vld.idx.msk [tilespmem:v31+s13+$0x0], $0xffff  }
0x5a: {  	v43 =	vor.u32 $0x19, v3;
	v46 =	vld.idx.msk [tilespmem:v36+s5+$0x0], $0xffff;
	v45 =	vmul.f32 v34, v8;
	v4 =	vadd.f32 v41, v4  }
0x5b: {  	v48 =	vor.u32 $0x1A, v2;
	v14 =	vld.idx.msk [tilespmem:v35+s13+$0x0], $0xffff  }
0x5c: {  	v47 =	vor.u32 $0x1A, v3;
	v50 =	vld.idx.msk [tilespmem:v40+s5+$0x0], $0xffff;
	v49 =	vmul.f32 v38, v10;
	v4 =	vadd.f32 v45, v4  }
0x5d: {  	v52 =	vor.u32 $0x1B, v2;
	v11 =	vld.idx.msk [tilespmem:v39+s13+$0x0], $0xffff  }
0x5e: {  	v51 =	vor.u32 $0x1B, v3;
	v54 =	vld.idx.msk [tilespmem:v44+s5+$0x0], $0xffff;
	v53 =	vmul.f32 v42, v12;
	v4 =	vadd.f32 v49, v4  }
0x5f: {  	v56 =	vor.u32 $0x1C, v2;
	v13 =	vld.idx.msk [tilespmem:v43+s13+$0x0], $0xffff  }
0x60: {  	v55 =	vor.u32 $0x1C, v3;
	v58 =	vld.idx.msk [tilespmem:v48+s5+$0x0], $0xffff;
	v57 =	vmul.f32 v46, v14;
	v4 =	vadd.f32 v53, v4  }
0x61: {  	v60 =	vor.u32 $0x1D, v2;
	v8 =	vld.idx.msk [tilespmem:v47+s13+$0x0], $0xffff  }
0x62: {  	v59 =	vor.u32 $0x1D, v3;
	v62 =	vld.idx.msk [tilespmem:v52+s5+$0x0], $0xffff;
	v61 =	vmul.f32 v50, v11;
	v4 =	vadd.f32 v57, v4  }
0x63: {  	v20 =	vor.u32 $0x1E, v2;
	v10 =	vld.idx.msk [tilespmem:v51+s13+$0x0], $0xffff  }
0x64: {  	v63 =	vor.u32 $0x1E, v3;
	v22 =	vld.idx.msk [tilespmem:v56+s5+$0x0], $0xffff;
	v21 =	vmul.f32 v54, v13;
	v4 =	vadd.f32 v61, v4  }
0x65: {  	v24 =	vor.u32 $0x1F, v2;
	v12 =	vld.idx.msk [tilespmem:v55+s13+$0x0], $0xffff  }
0x66: {  	v23 =	vor.u32 $0x1F, v3;
	v26 =	vld.idx.msk [tilespmem:v60+s5+$0x0], $0xffff;
	v25 =	vmul.f32 v58, v8;
	v4 =	vadd.f32 v21, v4  }
0x67: {  	v28 =	vor.u32 $0x20, v2;
	v14 =	vld.idx.msk [tilespmem:v59+s13+$0x0], $0xffff  }
0x68: {  	v27 =	vor.u32 $0x20, v3;
	v30 =	vld.idx.msk [tilespmem:v20+s5+$0x0], $0xffff;
	v29 =	vmul.f32 v62, v10;
	v4 =	vadd.f32 v25, v4  }
0x69: {  	v32 =	vor.u32 $0x21, v2;
	v11 =	vld.idx.msk [tilespmem:v63+s13+$0x0], $0xffff  }
0x6a: {  	v31 =	vor.u32 $0x21, v3;
	v34 =	vld.idx.msk [tilespmem:v24+s5+$0x0], $0xffff;
	v33 =	vmul.f32 v22, v12;
	v4 =	vadd.f32 v29, v4  }
0x6b: {  	v36 =	vor.u32 $0x22, v2;
	v13 =	vld.idx.msk [tilespmem:v23+s13+$0x0], $0xffff  }
0x6c: {  	v35 =	vor.u32 $0x22, v3;
	v38 =	vld.idx.msk [tilespmem:v28+s5+$0x0], $0xffff;
	v37 =	vmul.f32 v26, v14;
	v4 =	vadd.f32 v33, v4  }
0x6d: {  	v40 =	vor.u32 $0x23, v2;
	v8 =	vld.idx.msk [tilespmem:v27+s13+$0x0], $0xffff  }
0x6e: {  	v39 =	vor.u32 $0x23, v3;
	v42 =	vld.idx.msk [tilespmem:v32+s5+$0x0], $0xffff;
	v41 =	vmul.f32 v30, v11;
	v4 =	vadd.f32 v37, v4  }
0x6f: {  	v44 =	vor.u32 $0x24, v2;
	v10 =	vld.idx.msk [tilespmem:v31+s13+$0x0], $0xffff  }
0x70: {  	v43 =	vor.u32 $0x24, v3;
	v46 =	vld.idx.msk [tilespmem:v36+s5+$0x0], $0xffff;
	v45 =	vmul.f32 v34, v13;
	v4 =	vadd.f32 v41, v4  }
0x71: {  	v48 =	vor.u32 $0x25, v2;
	v12 =	vld.idx.msk [tilespmem:v35+s13+$0x0], $0xffff  }
0x72: {  	v47 =	vor.u32 $0x25, v3;
	v50 =	vld.idx.msk [tilespmem:v40+s5+$0x0], $0xffff;
	v49 =	vmul.f32 v38, v8;
	v4 =	vadd.f32 v45, v4  }
0x73: {  	v52 =	vor.u32 $0x26, v2;
	v14 =	vld.idx.msk [tilespmem:v39+s13+$0x0], $0xffff  }
0x74: {  	v51 =	vor.u32 $0x26, v3;
	v54 =	vld.idx.msk [tilespmem:v44+s5+$0x0], $0xffff;
	v53 =	vmul.f32 v42, v10;
	v4 =	vadd.f32 v49, v4  }
0x75: {  	v56 =	vor.u32 $0x27, v2;
	v11 =	vld.idx.msk [tilespmem:v43+s13+$0x0], $0xffff  }
0x76: {  	v55 =	vor.u32 $0x27, v3;
	v58 =	vld.idx.msk [tilespmem:v48+s5+$0x0], $0xffff;
	v57 =	vmul.f32 v46, v12;
	v4 =	vadd.f32 v53, v4  }
0x77: {  	v60 =	vor.u32 $0x28, v2;
	v13 =	vld.idx.msk [tilespmem:v47+s13+$0x0], $0xffff  }
0x78: {  	v59 =	vor.u32 $0x28, v3;
	v62 =	vld.idx.msk [tilespmem:v52+s5+$0x0], $0xffff;
	v61 =	vmul.f32 v50, v14;
	v4 =	vadd.f32 v57, v4  }
0x79: {  	v20 =	vor.u32 $0x29, v2;
	v8 =	vld.idx.msk [tilespmem:v51+s13+$0x0], $0xffff  }
0x7a: {  	v63 =	vor.u32 $0x29, v3;
	v22 =	vld.idx.msk [tilespmem:v56+s5+$0x0], $0xffff;
	v21 =	vmul.f32 v54, v11;
	v4 =	vadd.f32 v61, v4  }
0x7b: {  	v24 =	vor.u32 $0x2A, v2;
	v10 =	vld.idx.msk [tilespmem:v55+s13+$0x0], $0xffff  }
0x7c: {  	v23 =	vor.u32 $0x2A, v3;
	v26 =	vld.idx.msk [tilespmem:v60+s5+$0x0], $0xffff;
	v25 =	vmul.f32 v58, v13;
	v4 =	vadd.f32 v21, v4  }
0x7d: {  	v28 =	vor.u32 $0x2B, v2;
	v12 =	vld.idx.msk [tilespmem:v59+s13+$0x0], $0xffff  }
0x7e: {  	v27 =	vor.u32 $0x2B, v3;
	v30 =	vld.idx.msk [tilespmem:v20+s5+$0x0], $0xffff;
	v29 =	vmul.f32 v62, v8;
	v4 =	vadd.f32 v25, v4  }
0x7f: {  	v32 =	vor.u32 $0x2C, v2;
	v14 =	vld.idx.msk [tilespmem:v63+s13+$0x0], $0xffff  }
0x80: {  	v31 =	vor.u32 $0x2C, v3;
	v34 =	vld.idx.msk [tilespmem:v24+s5+$0x0], $0xffff;
	v33 =	vmul.f32 v22, v10;
	v4 =	vadd.f32 v29, v4  }
0x81: {  	v36 =	vor.u32 $0x2D, v2;
	v11 =	vld.idx.msk [tilespmem:v23+s13+$0x0], $0xffff  }
0x82: {  	v35 =	vor.u32 $0x2D, v3;
	v38 =	vld.idx.msk [tilespmem:v28+s5+$0x0], $0xffff;
	v37 =	vmul.f32 v26, v12;
	v4 =	vadd.f32 v33, v4  }
0x83: {  	v40 =	vor.u32 $0x2E, v2;
	v13 =	vld.idx.msk [tilespmem:v27+s13+$0x0], $0xffff  }
0x84: {  	v39 =	vor.u32 $0x2E, v3;
	v42 =	vld.idx.msk [tilespmem:v32+s5+$0x0], $0xffff;
	v41 =	vmul.f32 v30, v14;
	v4 =	vadd.f32 v37, v4  }
0x85: {  	v44 =	vor.u32 $0x2F, v2;
	v8 =	vld.idx.msk [tilespmem:v31+s13+$0x0], $0xffff  }
0x86: {  	v43 =	vor.u32 $0x2F, v3;
	v46 =	vld.idx.msk [tilespmem:v36+s5+$0x0], $0xffff;
	v45 =	vmul.f32 v34, v11;
	v4 =	vadd.f32 v41, v4  }
0x87: {  	v48 =	vor.u32 $0x30, v2;
	v10 =	vld.idx.msk [tilespmem:v35+s13+$0x0], $0xffff  }
0x88: {  	v47 =	vor.u32 $0x30, v3;
	v50 =	vld.idx.msk [tilespmem:v40+s5+$0x0], $0xffff;
	v49 =	vmul.f32 v38, v13;
	v4 =	vadd.f32 v45, v4  }
0x89: {  	v52 =	vor.u32 $0x31, v2;
	v12 =	vld.idx.msk [tilespmem:v39+s13+$0x0], $0xffff  }
0x8a: {  	v51 =	vor.u32 $0x31, v3;
	v54 =	vld.idx.msk [tilespmem:v44+s5+$0x0], $0xffff;
	v53 =	vmul.f32 v42, v8;
	v4 =	vadd.f32 v49, v4  }
0x8b: {  	v56 =	vor.u32 $0x32, v2;
	v14 =	vld.idx.msk [tilespmem:v43+s13+$0x0], $0xffff  }
0x8c: {  	v55 =	vor.u32 $0x32, v3;
	v58 =	vld.idx.msk [tilespmem:v48+s5+$0x0], $0xffff;
	v57 =	vmul.f32 v46, v10;
	v4 =	vadd.f32 v53, v4  }
0x8d: {  	v60 =	vor.u32 $0x33, v2;
	v11 =	vld.idx.msk [tilespmem:v47+s13+$0x0], $0xffff  }
0x8e: {  	v59 =	vor.u32 $0x33, v3;
	v62 =	vld.idx.msk [tilespmem:v52+s5+$0x0], $0xffff;
	v61 =	vmul.f32 v50, v12;
	v4 =	vadd.f32 v57, v4  }
0x8f: {  	v20 =	vor.u32 $0x34, v2;
	v13 =	vld.idx.msk [tilespmem:v51+s13+$0x0], $0xffff  }
0x90: {  	v63 =	vor.u32 $0x34, v3;
	v22 =	vld.idx.msk [tilespmem:v56+s5+$0x0], $0xffff;
	v21 =	vmul.f32 v54, v14;
	v4 =	vadd.f32 v61, v4  }
0x91: {  	v24 =	vor.u32 $0x35, v2;
	v8 =	vld.idx.msk [tilespmem:v55+s13+$0x0], $0xffff  }
0x92: {  	v23 =	vor.u32 $0x35, v3;
	v26 =	vld.idx.msk [tilespmem:v60+s5+$0x0], $0xffff;
	v25 =	vmul.f32 v58, v11;
	v4 =	vadd.f32 v21, v4  }
0x93: {  	v28 =	vor.u32 $0x36, v2;
	v10 =	vld.idx.msk [tilespmem:v59+s13+$0x0], $0xffff  }
0x94: {  	v27 =	vor.u32 $0x36, v3;
	v30 =	vld.idx.msk [tilespmem:v20+s5+$0x0], $0xffff;
	v29 =	vmul.f32 v62, v13;
	v4 =	vadd.f32 v25, v4  }
0x95: {  	v32 =	vor.u32 $0x37, v2;
	v12 =	vld.idx.msk [tilespmem:v63+s13+$0x0], $0xffff  }
0x96: {  	v31 =	vor.u32 $0x37, v3;
	v34 =	vld.idx.msk [tilespmem:v24+s5+$0x0], $0xffff;
	v33 =	vmul.f32 v22, v8;
	v4 =	vadd.f32 v29, v4  }
0x97: {  	v36 =	vor.u32 $0x38, v2;
	v14 =	vld.idx.msk [tilespmem:v23+s13+$0x0], $0xffff  }
0x98: {  	v35 =	vor.u32 $0x38, v3;
	v38 =	vld.idx.msk [tilespmem:v28+s5+$0x0], $0xffff;
	v37 =	vmul.f32 v26, v10;
	v4 =	vadd.f32 v33, v4  }
0x99: {  	v40 =	vor.u32 $0x39, v2;
	v11 =	vld.idx.msk [tilespmem:v27+s13+$0x0], $0xffff  }
0x9a: {  	v39 =	vor.u32 $0x39, v3;
	v42 =	vld.idx.msk [tilespmem:v32+s5+$0x0], $0xffff;
	v41 =	vmul.f32 v30, v12;
	v4 =	vadd.f32 v37, v4  }
0x9b: {  	v44 =	vor.u32 $0x3A, v2;
	v13 =	vld.idx.msk [tilespmem:v31+s13+$0x0], $0xffff  }
0x9c: {  	v43 =	vor.u32 $0x3A, v3;
	v46 =	vld.idx.msk [tilespmem:v36+s5+$0x0], $0xffff;
	v45 =	vmul.f32 v34, v14;
	v4 =	vadd.f32 v41, v4  }
0x9d: {  	v48 =	vor.u32 $0x3B, v2;
	v8 =	vld.idx.msk [tilespmem:v35+s13+$0x0], $0xffff  }
0x9e: {  	v47 =	vor.u32 $0x3B, v3;
	v50 =	vld.idx.msk [tilespmem:v40+s5+$0x0], $0xffff;
	v49 =	vmul.f32 v38, v11;
	v4 =	vadd.f32 v45, v4  }
0x9f: {  	v52 =	vor.u32 $0x3C, v2;
	v10 =	vld.idx.msk [tilespmem:v39+s13+$0x0], $0xffff  }
0xa0: {  	v51 =	vor.u32 $0x3C, v3;
	v54 =	vld.idx.msk [tilespmem:v44+s5+$0x0], $0xffff;
	v53 =	vmul.f32 v42, v13;
	v4 =	vadd.f32 v49, v4  }
0xa1: {  	v56 =	vor.u32 $0x3D, v2;
	v12 =	vld.idx.msk [tilespmem:v43+s13+$0x0], $0xffff  }
0xa2: {  	v55 =	vor.u32 $0x3D, v3;
	v58 =	vld.idx.msk [tilespmem:v48+s5+$0x0], $0xffff;
	v57 =	vmul.f32 v46, v8;
	v4 =	vadd.f32 v53, v4  }
0xa3: {  	v60 =	vor.u32 $0x3E, v2;
	v14 =	vld.idx.msk [tilespmem:v47+s13+$0x0], $0xffff  }
0xa4: {  	v59 =	vor.u32 $0x3E, v3;
	v62 =	vld.idx.msk [tilespmem:v52+s5+$0x0], $0xffff;
	v61 =	vmul.f32 v50, v10;
	v4 =	vadd.f32 v57, v4  }
0xa5: {  	v20 =	vor.u32 $0x3F, v2;
	v11 =	vld.idx.msk [tilespmem:v51+s13+$0x0], $0xffff  }
0xa6: {  	v63 =	vor.u32 $0x3F, v3;
	v22 =	vld.idx.msk [tilespmem:v56+s5+$0x0], $0xffff;
	v21 =	vmul.f32 v54, v12;
	v4 =	vadd.f32 v61, v4  }
0xa7: {  	v24 =	vor.u32 $0x40, v2;
	v13 =	vld.idx.msk [tilespmem:v55+s13+$0x0], $0xffff  }
0xa8: {  	v23 =	vor.u32 $0x40, v3;
	v26 =	vld.idx.msk [tilespmem:v60+s5+$0x0], $0xffff;
	v25 =	vmul.f32 v58, v14;
	v4 =	vadd.f32 v21, v4  }
0xa9: {  	v28 =	vor.u32 $0x41, v2;
	v8 =	vld.idx.msk [tilespmem:v59+s13+$0x0], $0xffff  }
0xaa: {  	v27 =	vor.u32 $0x41, v3;
	v30 =	vld.idx.msk [tilespmem:v20+s5+$0x0], $0xffff;
	v29 =	vmul.f32 v62, v11;
	v4 =	vadd.f32 v25, v4  }
0xab: {  	v32 =	vor.u32 $0x42, v2;
	v10 =	vld.idx.msk [tilespmem:v63+s13+$0x0], $0xffff  }
0xac: {  	v31 =	vor.u32 $0x42, v3;
	v34 =	vld.idx.msk [tilespmem:v24+s5+$0x0], $0xffff;
	v33 =	vmul.f32 v22, v13;
	v4 =	vadd.f32 v29, v4  }
0xad: {  	v36 =	vor.u32 $0x43, v2;
	v12 =	vld.idx.msk [tilespmem:v23+s13+$0x0], $0xffff  }
0xae: {  	v35 =	vor.u32 $0x43, v3;
	v38 =	vld.idx.msk [tilespmem:v28+s5+$0x0], $0xffff;
	v37 =	vmul.f32 v26, v8;
	v4 =	vadd.f32 v33, v4  }
0xaf: {  	v40 =	vor.u32 $0x44, v2;
	v14 =	vld.idx.msk [tilespmem:v27+s13+$0x0], $0xffff  }
0xb0: {  	v39 =	vor.u32 $0x44, v3;
	v42 =	vld.idx.msk [tilespmem:v32+s5+$0x0], $0xffff;
	v41 =	vmul.f32 v30, v10;
	v4 =	vadd.f32 v37, v4  }
0xb1: {  	v44 =	vor.u32 $0x45, v2;
	v11 =	vld.idx.msk [tilespmem:v31+s13+$0x0], $0xffff  }
0xb2: {  	v43 =	vor.u32 $0x45, v3;
	v46 =	vld.idx.msk [tilespmem:v36+s5+$0x0], $0xffff;
	v45 =	vmul.f32 v34, v12;
	v4 =	vadd.f32 v41, v4  }
0xb3: {  	v48 =	vor.u32 $0x46, v2;
	v13 =	vld.idx.msk [tilespmem:v35+s13+$0x0], $0xffff  }
0xb4: {  	v47 =	vor.u32 $0x46, v3;
	v50 =	vld.idx.msk [tilespmem:v40+s5+$0x0], $0xffff;
	v49 =	vmul.f32 v38, v14;
	v4 =	vadd.f32 v45, v4  }
0xb5: {  	v52 =	vor.u32 $0x47, v2;
	v8 =	vld.idx.msk [tilespmem:v39+s13+$0x0], $0xffff  }
0xb6: {  	v51 =	vor.u32 $0x47, v3;
	v54 =	vld.idx.msk [tilespmem:v44+s5+$0x0], $0xffff;
	v53 =	vmul.f32 v42, v11;
	v4 =	vadd.f32 v49, v4  }
0xb7: {  	v56 =	vor.u32 $0x48, v2;
	v10 =	vld.idx.msk [tilespmem:v43+s13+$0x0], $0xffff  }
0xb8: {  	v55 =	vor.u32 $0x48, v3;
	v58 =	vld.idx.msk [tilespmem:v48+s5+$0x0], $0xffff;
	v57 =	vmul.f32 v46, v13;
	v4 =	vadd.f32 v53, v4  }
0xb9: {  	v60 =	vor.u32 $0x49, v2;
	v12 =	vld.idx.msk [tilespmem:v47+s13+$0x0], $0xffff  }
0xba: {  	v59 =	vor.u32 $0x49, v3;
	v62 =	vld.idx.msk [tilespmem:v52+s5+$0x0], $0xffff;
	v61 =	vmul.f32 v50, v8;
	v4 =	vadd.f32 v57, v4  }
0xbb: {  	v20 =	vor.u32 $0x4A, v2;
	v14 =	vld.idx.msk [tilespmem:v51+s13+$0x0], $0xffff  }
0xbc: {  	v63 =	vor.u32 $0x4A, v3;
	v22 =	vld.idx.msk [tilespmem:v56+s5+$0x0], $0xffff;
	v21 =	vmul.f32 v54, v10;
	v4 =	vadd.f32 v61, v4  }
0xbd: {  	v24 =	vor.u32 $0x4B, v2;
	v11 =	vld.idx.msk [tilespmem:v55+s13+$0x0], $0xffff  }
0xbe: {  	v23 =	vor.u32 $0x4B, v3;
	v26 =	vld.idx.msk [tilespmem:v60+s5+$0x0], $0xffff;
	v25 =	vmul.f32 v58, v12;
	v4 =	vadd.f32 v21, v4  }
0xbf: {  	v28 =	vor.u32 $0x4C, v2;
	v13 =	vld.idx.msk [tilespmem:v59+s13+$0x0], $0xffff  }
0xc0: {  	v27 =	vor.u32 $0x4C, v3;
	v30 =	vld.idx.msk [tilespmem:v20+s5+$0x0], $0xffff;
	v29 =	vmul.f32 v62, v14;
	v4 =	vadd.f32 v25, v4  }
0xc1: {  	v32 =	vor.u32 $0x4D, v2;
	v8 =	vld.idx.msk [tilespmem:v63+s13+$0x0], $0xffff  }
0xc2: {  	v31 =	vor.u32 $0x4D, v3;
	v34 =	vld.idx.msk [tilespmem:v24+s5+$0x0], $0xffff;
	v33 =	vmul.f32 v22, v11;
	v4 =	vadd.f32 v29, v4  }
0xc3: {  	v36 =	vor.u32 $0x4E, v2;
	v10 =	vld.idx.msk [tilespmem:v23+s13+$0x0], $0xffff  }
0xc4: {  	v35 =	vor.u32 $0x4E, v3;
	v38 =	vld.idx.msk [tilespmem:v28+s5+$0x0], $0xffff;
	v37 =	vmul.f32 v26, v13;
	v4 =	vadd.f32 v33, v4  }
0xc5: {  	v40 =	vor.u32 $0x4F, v2;
	v12 =	vld.idx.msk [tilespmem:v27+s13+$0x0], $0xffff  }
0xc6: {  	v39 =	vor.u32 $0x4F, v3;
	v42 =	vld.idx.msk [tilespmem:v32+s5+$0x0], $0xffff;
	v41 =	vmul.f32 v30, v8;
	v4 =	vadd.f32 v37, v4  }
0xc7: {  	v44 =	vor.u32 $0x50, v2;
	v14 =	vld.idx.msk [tilespmem:v31+s13+$0x0], $0xffff  }
0xc8: {  	v43 =	vor.u32 $0x50, v3;
	v46 =	vld.idx.msk [tilespmem:v36+s5+$0x0], $0xffff;
	v45 =	vmul.f32 v34, v10;
	v4 =	vadd.f32 v41, v4  }
0xc9: {  	v48 =	vor.u32 $0x51, v2;
	v11 =	vld.idx.msk [tilespmem:v35+s13+$0x0], $0xffff  }
0xca: {  	v47 =	vor.u32 $0x51, v3;
	v50 =	vld.idx.msk [tilespmem:v40+s5+$0x0], $0xffff;
	v49 =	vmul.f32 v38, v12;
	v4 =	vadd.f32 v45, v4  }
0xcb: {  	v52 =	vor.u32 $0x52, v2;
	v13 =	vld.idx.msk [tilespmem:v39+s13+$0x0], $0xffff  }
0xcc: {  	v51 =	vor.u32 $0x52, v3;
	v54 =	vld.idx.msk [tilespmem:v44+s5+$0x0], $0xffff;
	v53 =	vmul.f32 v42, v14;
	v4 =	vadd.f32 v49, v4  }
0xcd: {  	v56 =	vor.u32 $0x53, v2;
	v8 =	vld.idx.msk [tilespmem:v43+s13+$0x0], $0xffff  }
0xce: {  	v55 =	vor.u32 $0x53, v3;
	v58 =	vld.idx.msk [tilespmem:v48+s5+$0x0], $0xffff;
	v57 =	vmul.f32 v46, v11;
	v4 =	vadd.f32 v53, v4  }
0xcf: {  	v60 =	vor.u32 $0x54, v2;
	v10 =	vld.idx.msk [tilespmem:v47+s13+$0x0], $0xffff  }
0xd0: {  	v59 =	vor.u32 $0x54, v3;
	v62 =	vld.idx.msk [tilespmem:v52+s5+$0x0], $0xffff;
	v61 =	vmul.f32 v50, v13;
	v4 =	vadd.f32 v57, v4  }
0xd1: {  	v20 =	vor.u32 $0x55, v2;
	v12 =	vld.idx.msk [tilespmem:v51+s13+$0x0], $0xffff  }
0xd2: {  	v63 =	vor.u32 $0x55, v3;
	v22 =	vld.idx.msk [tilespmem:v56+s5+$0x0], $0xffff;
	v21 =	vmul.f32 v54, v8;
	v4 =	vadd.f32 v61, v4  }
0xd3: {  	v24 =	vor.u32 $0x56, v2;
	v14 =	vld.idx.msk [tilespmem:v55+s13+$0x0], $0xffff  }
0xd4: {  	v23 =	vor.u32 $0x56, v3;
	v26 =	vld.idx.msk [tilespmem:v60+s5+$0x0], $0xffff;
	v25 =	vmul.f32 v58, v10;
	v4 =	vadd.f32 v21, v4  }
0xd5: {  	v28 =	vor.u32 $0x57, v2;
	v11 =	vld.idx.msk [tilespmem:v59+s13+$0x0], $0xffff  }
0xd6: {  	v27 =	vor.u32 $0x57, v3;
	v30 =	vld.idx.msk [tilespmem:v20+s5+$0x0], $0xffff;
	v29 =	vmul.f32 v62, v12;
	v4 =	vadd.f32 v25, v4  }
0xd7: {  	v32 =	vor.u32 $0x58, v2;
	v13 =	vld.idx.msk [tilespmem:v63+s13+$0x0], $0xffff  }
0xd8: {  	v31 =	vor.u32 $0x58, v3;
	v34 =	vld.idx.msk [tilespmem:v24+s5+$0x0], $0xffff;
	v33 =	vmul.f32 v22, v14;
	v4 =	vadd.f32 v29, v4  }
0xd9: {  	v36 =	vor.u32 $0x59, v2;
	v8 =	vld.idx.msk [tilespmem:v23+s13+$0x0], $0xffff  }
0xda: {  	v35 =	vor.u32 $0x59, v3;
	v38 =	vld.idx.msk [tilespmem:v28+s5+$0x0], $0xffff;
	v37 =	vmul.f32 v26, v11;
	v4 =	vadd.f32 v33, v4  }
0xdb: {  	v40 =	vor.u32 $0x5A, v2;
	v10 =	vld.idx.msk [tilespmem:v27+s13+$0x0], $0xffff  }
0xdc: {  	v39 =	vor.u32 $0x5A, v3;
	v42 =	vld.idx.msk [tilespmem:v32+s5+$0x0], $0xffff;
	v41 =	vmul.f32 v30, v13;
	v4 =	vadd.f32 v37, v4  }
0xdd: {  	v44 =	vor.u32 $0x5B, v2;
	v12 =	vld.idx.msk [tilespmem:v31+s13+$0x0], $0xffff  }
0xde: {  	v43 =	vor.u32 $0x5B, v3;
	v46 =	vld.idx.msk [tilespmem:v36+s5+$0x0], $0xffff;
	v45 =	vmul.f32 v34, v8;
	v4 =	vadd.f32 v41, v4  }
0xdf: {  	v48 =	vor.u32 $0x5C, v2;
	v14 =	vld.idx.msk [tilespmem:v35+s13+$0x0], $0xffff  }
0xe0: {  	v47 =	vor.u32 $0x5C, v3;
	v50 =	vld.idx.msk [tilespmem:v40+s5+$0x0], $0xffff;
	v49 =	vmul.f32 v38, v10;
	v4 =	vadd.f32 v45, v4  }
0xe1: {  	v52 =	vor.u32 $0x5D, v2;
	v11 =	vld.idx.msk [tilespmem:v39+s13+$0x0], $0xffff  }
0xe2: {  	v51 =	vor.u32 $0x5D, v3;
	v54 =	vld.idx.msk [tilespmem:v44+s5+$0x0], $0xffff;
	v53 =	vmul.f32 v42, v12;
	v4 =	vadd.f32 v49, v4  }
0xe3: {  	v56 =	vor.u32 $0x5E, v2;
	v13 =	vld.idx.msk [tilespmem:v43+s13+$0x0], $0xffff  }
0xe4: {  	v55 =	vor.u32 $0x5E, v3;
	v58 =	vld.idx.msk [tilespmem:v48+s5+$0x0], $0xffff;
	v57 =	vmul.f32 v46, v14;
	v4 =	vadd.f32 v53, v4  }
0xe5: {  	v60 =	vor.u32 $0x5F, v2;
	v8 =	vld.idx.msk [tilespmem:v47+s13+$0x0], $0xffff  }
0xe6: {  	v59 =	vor.u32 $0x5F, v3;
	v62 =	vld.idx.msk [tilespmem:v52+s5+$0x0], $0xffff;
	v61 =	vmul.f32 v50, v11;
	v4 =	vadd.f32 v57, v4  }
0xe7: {  	v20 =	vor.u32 $0x60, v2;
	v10 =	vld.idx.msk [tilespmem:v51+s13+$0x0], $0xffff  }
0xe8: {  	v63 =	vor.u32 $0x60, v3;
	v22 =	vld.idx.msk [tilespmem:v56+s5+$0x0], $0xffff;
	v21 =	vmul.f32 v54, v13;
	v4 =	vadd.f32 v61, v4  }
0xe9: {  	v24 =	vor.u32 $0x61, v2;
	v12 =	vld.idx.msk [tilespmem:v55+s13+$0x0], $0xffff  }
0xea: {  	v23 =	vor.u32 $0x61, v3;
	v26 =	vld.idx.msk [tilespmem:v60+s5+$0x0], $0xffff;
	v25 =	vmul.f32 v58, v8;
	v4 =	vadd.f32 v21, v4  }
0xeb: {  	v28 =	vor.u32 $0x62, v2;
	v14 =	vld.idx.msk [tilespmem:v59+s13+$0x0], $0xffff  }
0xec: {  	v27 =	vor.u32 $0x62, v3;
	v30 =	vld.idx.msk [tilespmem:v20+s5+$0x0], $0xffff;
	v29 =	vmul.f32 v62, v10;
	v4 =	vadd.f32 v25, v4  }
0xed: {  	v32 =	vor.u32 $0x63, v2;
	v11 =	vld.idx.msk [tilespmem:v63+s13+$0x0], $0xffff  }
0xee: {  	v31 =	vor.u32 $0x63, v3;
	v34 =	vld.idx.msk [tilespmem:v24+s5+$0x0], $0xffff;
	v33 =	vmul.f32 v22, v12;
	v4 =	vadd.f32 v29, v4  }
0xef: {  	v36 =	vor.u32 $0x64, v2;
	v13 =	vld.idx.msk [tilespmem:v23+s13+$0x0], $0xffff  }
0xf0: {  	v35 =	vor.u32 $0x64, v3;
	v38 =	vld.idx.msk [tilespmem:v28+s5+$0x0], $0xffff;
	v37 =	vmul.f32 v26, v14;
	v4 =	vadd.f32 v33, v4  }
0xf1: {  	v40 =	vor.u32 $0x65, v2;
	v8 =	vld.idx.msk [tilespmem:v27+s13+$0x0], $0xffff  }
0xf2: {  	v39 =	vor.u32 $0x65, v3;
	v42 =	vld.idx.msk [tilespmem:v32+s5+$0x0], $0xffff;
	v41 =	vmul.f32 v30, v11;
	v4 =	vadd.f32 v37, v4  }
0xf3: {  	v44 =	vor.u32 $0x66, v2;
	v10 =	vld.idx.msk [tilespmem:v31+s13+$0x0], $0xffff  }
0xf4: {  	v43 =	vor.u32 $0x66, v3;
	v46 =	vld.idx.msk [tilespmem:v36+s5+$0x0], $0xffff;
	v45 =	vmul.f32 v34, v13;
	v4 =	vadd.f32 v41, v4  }
0xf5: {  	v48 =	vor.u32 $0x67, v2;
	v12 =	vld.idx.msk [tilespmem:v35+s13+$0x0], $0xffff  }
0xf6: {  	v47 =	vor.u32 $0x67, v3;
	v50 =	vld.idx.msk [tilespmem:v40+s5+$0x0], $0xffff;
	v49 =	vmul.f32 v38, v8;
	v4 =	vadd.f32 v45, v4  }
0xf7: {  	v52 =	vor.u32 $0x68, v2;
	v14 =	vld.idx.msk [tilespmem:v39+s13+$0x0], $0xffff  }
0xf8: {  	v51 =	vor.u32 $0x68, v3;
	v54 =	vld.idx.msk [tilespmem:v44+s5+$0x0], $0xffff;
	v53 =	vmul.f32 v42, v10;
	v4 =	vadd.f32 v49, v4  }
0xf9: {  	v56 =	vor.u32 $0x69, v2;
	v11 =	vld.idx.msk [tilespmem:v43+s13+$0x0], $0xffff  }
0xfa: {  	v55 =	vor.u32 $0x69, v3;
	v58 =	vld.idx.msk [tilespmem:v48+s5+$0x0], $0xffff;
	v57 =	vmul.f32 v46, v12;
	v4 =	vadd.f32 v53, v4  }
0xfb: {  	v60 =	vor.u32 $0x6A, v2;
	v13 =	vld.idx.msk [tilespmem:v47+s13+$0x0], $0xffff  }
0xfc: {  	v59 =	vor.u32 $0x6A, v3;
	v62 =	vld.idx.msk [tilespmem:v52+s5+$0x0], $0xffff;
	v61 =	vmul.f32 v50, v14;
	v4 =	vadd.f32 v57, v4  }
0xfd: {  	v20 =	vor.u32 $0x6B, v2;
	v8 =	vld.idx.msk [tilespmem:v51+s13+$0x0], $0xffff  }
0xfe: {  	v63 =	vor.u32 $0x6B, v3;
	v22 =	vld.idx.msk [tilespmem:v56+s5+$0x0], $0xffff;
	v21 =	vmul.f32 v54, v11;
	v4 =	vadd.f32 v61, v4  }
0xff: {  	v24 =	vor.u32 $0x6C, v2;
	v10 =	vld.idx.msk [tilespmem:v55+s13+$0x0], $0xffff  }
0x100: {  	v23 =	vor.u32 $0x6C, v3;
	v26 =	vld.idx.msk [tilespmem:v60+s5+$0x0], $0xffff;
	v25 =	vmul.f32 v58, v13;
	v4 =	vadd.f32 v21, v4  }
0x101: {  	v28 =	vor.u32 $0x6D, v2;
	v12 =	vld.idx.msk [tilespmem:v59+s13+$0x0], $0xffff  }
0x102: {  	v27 =	vor.u32 $0x6D, v3;
	v30 =	vld.idx.msk [tilespmem:v20+s5+$0x0], $0xffff;
	v29 =	vmul.f32 v62, v8;
	v4 =	vadd.f32 v25, v4  }
0x103: {  	v32 =	vor.u32 $0x6E, v2;
	v14 =	vld.idx.msk [tilespmem:v63+s13+$0x0], $0xffff  }
0x104: {  	v31 =	vor.u32 $0x6E, v3;
	v34 =	vld.idx.msk [tilespmem:v24+s5+$0x0], $0xffff;
	v33 =	vmul.f32 v22, v10;
	v4 =	vadd.f32 v29, v4  }
0x105: {  	v36 =	vor.u32 $0x6F, v2;
	v11 =	vld.idx.msk [tilespmem:v23+s13+$0x0], $0xffff  }
0x106: {  	v35 =	vor.u32 $0x6F, v3;
	v38 =	vld.idx.msk [tilespmem:v28+s5+$0x0], $0xffff;
	v37 =	vmul.f32 v26, v12;
	v4 =	vadd.f32 v33, v4  }
0x107: {  	v40 =	vor.u32 $0x70, v2;
	v13 =	vld.idx.msk [tilespmem:v27+s13+$0x0], $0xffff  }
0x108: {  	v39 =	vor.u32 $0x70, v3;
	v42 =	vld.idx.msk [tilespmem:v32+s5+$0x0], $0xffff;
	v41 =	vmul.f32 v30, v14;
	v4 =	vadd.f32 v37, v4  }
0x109: {  	v44 =	vor.u32 $0x71, v2;
	v8 =	vld.idx.msk [tilespmem:v31+s13+$0x0], $0xffff  }
0x10a: {  	v43 =	vor.u32 $0x71, v3;
	v46 =	vld.idx.msk [tilespmem:v36+s5+$0x0], $0xffff;
	v45 =	vmul.f32 v34, v11;
	v4 =	vadd.f32 v41, v4  }
0x10b: {  	v48 =	vor.u32 $0x72, v2;
	v10 =	vld.idx.msk [tilespmem:v35+s13+$0x0], $0xffff  }
0x10c: {  	v47 =	vor.u32 $0x72, v3;
	v50 =	vld.idx.msk [tilespmem:v40+s5+$0x0], $0xffff;
	v49 =	vmul.f32 v38, v13;
	v4 =	vadd.f32 v45, v4  }
0x10d: {  	v52 =	vor.u32 $0x73, v2;
	v12 =	vld.idx.msk [tilespmem:v39+s13+$0x0], $0xffff  }
0x10e: {  	v51 =	vor.u32 $0x73, v3;
	v54 =	vld.idx.msk [tilespmem:v44+s5+$0x0], $0xffff;
	v53 =	vmul.f32 v42, v8;
	v4 =	vadd.f32 v49, v4  }
0x10f: {  	v56 =	vor.u32 $0x74, v2;
	v14 =	vld.idx.msk [tilespmem:v43+s13+$0x0], $0xffff  }
0x110: {  	v55 =	vor.u32 $0x74, v3;
	v58 =	vld.idx.msk [tilespmem:v48+s5+$0x0], $0xffff;
	v57 =	vmul.f32 v46, v10;
	v4 =	vadd.f32 v53, v4  }
0x111: {  	v60 =	vor.u32 $0x75, v2;
	v11 =	vld.idx.msk [tilespmem:v47+s13+$0x0], $0xffff  }
0x112: {  	v59 =	vor.u32 $0x75, v3;
	v62 =	vld.idx.msk [tilespmem:v52+s5+$0x0], $0xffff;
	v61 =	vmul.f32 v50, v12;
	v4 =	vadd.f32 v57, v4  }
0x113: {  	v20 =	vor.u32 $0x76, v2;
	v13 =	vld.idx.msk [tilespmem:v51+s13+$0x0], $0xffff  }
0x114: {  	v63 =	vor.u32 $0x76, v3;
	v22 =	vld.idx.msk [tilespmem:v56+s5+$0x0], $0xffff;
	v21 =	vmul.f32 v54, v14;
	v4 =	vadd.f32 v61, v4  }
0x115: {  	v24 =	vor.u32 $0x77, v2;
	v8 =	vld.idx.msk [tilespmem:v55+s13+$0x0], $0xffff  }
0x116: {  	v23 =	vor.u32 $0x77, v3;
	v26 =	vld.idx.msk [tilespmem:v60+s5+$0x0], $0xffff;
	v25 =	vmul.f32 v58, v11;
	v4 =	vadd.f32 v21, v4  }
0x117: {  	v28 =	vor.u32 $0x78, v2;
	v10 =	vld.idx.msk [tilespmem:v59+s13+$0x0], $0xffff  }
0x118: {  	v27 =	vor.u32 $0x78, v3;
	v30 =	vld.idx.msk [tilespmem:v20+s5+$0x0], $0xffff;
	v29 =	vmul.f32 v62, v13;
	v4 =	vadd.f32 v25, v4  }
0x119: {  	v32 =	vor.u32 $0x79, v2;
	v12 =	vld.idx.msk [tilespmem:v63+s13+$0x0], $0xffff  }
0x11a: {  	v31 =	vor.u32 $0x79, v3;
	v34 =	vld.idx.msk [tilespmem:v24+s5+$0x0], $0xffff;
	v33 =	vmul.f32 v22, v8;
	v4 =	vadd.f32 v29, v4  }
0x11b: {  	v36 =	vor.u32 $0x7A, v2;
	v14 =	vld.idx.msk [tilespmem:v23+s13+$0x0], $0xffff  }
0x11c: {  	v35 =	vor.u32 $0x7A, v3;
	v38 =	vld.idx.msk [tilespmem:v28+s5+$0x0], $0xffff;
	v37 =	vmul.f32 v26, v10;
	v4 =	vadd.f32 v33, v4  }
0x11d: {  	v40 =	vor.u32 $0x7B, v3;
	v11 =	vld.idx.msk [tilespmem:v27+s13+$0x0], $0xffff  }
0x11e: {  	v39 =	vor.u32 $0x7B, v2;
	v42 =	vld.idx.msk [tilespmem:v32+s5+$0x0], $0xffff;
	v41 =	vmul.f32 v30, v12;
	v4 =	vadd.f32 v37, v4  }
0x11f: {  	v44 =	vor.u32 $0x7C, v2;
	v13 =	vld.idx.msk [tilespmem:v31+s13+$0x0], $0xffff  }
0x120: {  	v43 =	vor.u32 $0x7C, v3;
	v46 =	vld.idx.msk [tilespmem:v36+s5+$0x0], $0xffff;
	v45 =	vmul.f32 v34, v14;
	v4 =	vadd.f32 v41, v4  }
0x121: {  	v47 =	vor.u32 $0x7D, v3;
	v8 =	vld.idx.msk [tilespmem:v35+s13+$0x0], $0xffff  }
0x122: {  	v48 =	vor.u32 $0x7D, v2;
	v50 =	vld.idx.msk [tilespmem:v40+s13+$0x0], $0xffff;
	v49 =	vmul.f32 v38, v11;
	v4 =	vadd.f32 v45, v4  }
0x123: {  	v52 =	vor.u32 $0x7E, v2;
	v10 =	vld.idx.msk [tilespmem:v39+s5+$0x0], $0xffff  }
0x124: {  	v51 =	vor.u32 $0x7E, v3;
	v54 =	vld.idx.msk [tilespmem:v44+s5+$0x0], $0xffff;
	v53 =	vmul.f32 v42, v13;
	v4 =	vadd.f32 v49, v4  }
0x125: {  	v2 =	vor.u32 $0x7F, v2;
	v12 =	vld.idx.msk [tilespmem:v43+s13+$0x0], $0xffff  }
0x126: {  	v3 =	vor.u32 $0x7F, v3;
	v55 =	vld.idx.msk [tilespmem:v47+s13+$0x0], $0xffff;
	v56 =	vmul.f32 v46, v8;
	v4 =	vadd.f32 v53, v4  }
0x127: {  	v57 =	vld.idx.msk [tilespmem:v48+s5+$0x0], $0xffff  }
0x128: {  	v60 =	vld.idx.msk [tilespmem:v52+s5+$0x0], $0xffff;
	v59 =	vmul.f32 v10, v50;
	v4 =	vadd.f32 v56, v4  }
0x129: {  	v58 =	vld.idx.msk [tilespmem:v51+s13+$0x0], $0xffff  }
0x12a: {  	v2 =	vld.idx.msk [tilespmem:v2+s5+$0x0], $0xffff;
	v61 =	vmul.f32 v54, v12;
	v4 =	vadd.f32 v59, v4  }
0x12b: {  	v3 =	vld.idx.msk [tilespmem:v3+s13+$0x0], $0xffff  }
0x12c: {  	v62 =	vmul.f32 v57, v55;
	v4 =	vadd.f32 v61, v4;
	_ =	sdelay $0x1  }
0x12d: {  	v63 =	vmul.f32 v60, v58;
	v4 =	vadd.f32 v62, v4;
	_ =	sdelay $0x1  }
0x12e: {  	v2 =	vmul.f32 v2, v3;
	v4 =	vadd.f32 v63, v4;
	_ =	sdelay $0x1  }
0x12f: {  	s19 =	simm.s32 $0xCC80;
	s20 =	simm.s32 $0x10;
	v2 =	vadd.f32 v2, v4  }
.LBB2_4:
0x130: {  	_ = 	snop  }
0x131: {  	p1 =	sne.s32 s20, $0x180;
	s18 =	sadd.s32 $0x10, s18;
	[tilespmem:s19+$0x0] =	vst v2;
	s19 =	sadd.s32 $0x10, s19  }
0x132: {  	s21 =	smov.u32 s20;
	s20 =	sadd.s32 $0x10, s20;
	v2 =	vld [tilespmem:s18+$0x0];
	_ =	sdelay $0x1  }
0x133: {  	v3 =	vmov s21  }
0x134: {  	v3 =	vshll.u32 v3, $0x7  }
0x135: {  	v3 =	vor.u32 v0, v3  }
0x136: {  	v2 =	vshll.u32 v2, $0x7  }
0x137: {  	v4 =	vor.u32 $0x1, v2  }
0x138: {  	v5 =	vor.u32 $0x1, v3  }
0x139: {  	v6 =	vor.u32 $0x2, v3  }
0x13a: {  	v8 =	vor.u32 $0x2, v2;
	v7 =	vld.idx.msk [tilespmem:v3+s13+$0x0], $0xffff  }
0x13b: {  	v10 =	vor.u32 $0x3, v3;
	v9 =	vld.idx.msk [tilespmem:v2+s5+$0x0], $0xffff  }
0x13c: {  	v11 =	vor.u32 $0x3, v2;
	v4 =	vld.idx.msk [tilespmem:v4+s5+$0x0], $0xffff  }
0x13d: {  	v12 =	vor.u32 $0x4, v3;
	v5 =	vld.idx.msk [tilespmem:v5+s13+$0x0], $0xffff  }
0x13e: {  	v13 =	vor.u32 $0x4, v2;
	v6 =	vld.idx.msk [tilespmem:v6+s13+$0x0], $0xffff  }
0x13f: {  	v14 =	vor.u32 $0x5, v3;
	v8 =	vld.idx.msk [tilespmem:v8+s5+$0x0], $0xffff  }
0x140: {  	v15 =	vor.u32 $0x5, v2;
	v10 =	vld.idx.msk [tilespmem:v10+s13+$0x0], $0xffff  }
0x141: {  	v7 =	vmul.f32 v9, v7;
	v9 =	vld.idx.msk [tilespmem:v11+s5+$0x0], $0xffff;
	v11 =	vor.u32 $0x6, v3  }
0x142: {  	v16 =	vor.u32 $0x6, v2;
	v12 =	vld.idx.msk [tilespmem:v12+s13+$0x0], $0xffff  }
0x143: {  	v7 =	vadd.f32 v7, v1;
	v4 =	vmul.f32 v4, v5;
	v5 =	vld.idx.msk [tilespmem:v13+s5+$0x0], $0xffff;
	v13 =	vor.u32 $0x7, v3  }
0x144: {  	v17 =	vor.u32 $0x7, v2;
	v14 =	vld.idx.msk [tilespmem:v14+s13+$0x0], $0xffff  }
0x145: {  	v4 =	vadd.f32 v4, v7;
	v6 =	vmul.f32 v8, v6;
	v8 =	vor.u32 $0x8, v3;
	v7 =	vld.idx.msk [tilespmem:v15+s5+$0x0], $0xffff  }
0x146: {  	v15 =	vor.u32 $0x8, v2;
	v11 =	vld.idx.msk [tilespmem:v11+s13+$0x0], $0xffff  }
0x147: {  	v4 =	vadd.f32 v6, v4;
	v6 =	vmul.f32 v9, v10;
	v10 =	vor.u32 $0x9, v3;
	v9 =	vld.idx.msk [tilespmem:v16+s5+$0x0], $0xffff  }
0x148: {  	v16 =	vor.u32 $0x9, v2;
	v13 =	vld.idx.msk [tilespmem:v13+s13+$0x0], $0xffff  }
0x149: {  	v4 =	vadd.f32 v6, v4;
	v5 =	vmul.f32 v5, v12;
	v12 =	vor.u32 $0xA, v3;
	v6 =	vld.idx.msk [tilespmem:v17+s5+$0x0], $0xffff  }
0x14a: {  	v17 =	vor.u32 $0xA, v2;
	v8 =	vld.idx.msk [tilespmem:v8+s13+$0x0], $0xffff  }
0x14b: {  	v4 =	vadd.f32 v5, v4;
	v5 =	vmul.f32 v7, v14;
	v14 =	vor.u32 $0xB, v3;
	v7 =	vld.idx.msk [tilespmem:v15+s5+$0x0], $0xffff  }
0x14c: {  	v15 =	vor.u32 $0xB, v2;
	v10 =	vld.idx.msk [tilespmem:v10+s13+$0x0], $0xffff  }
0x14d: {  	v4 =	vadd.f32 v5, v4;
	v5 =	vmul.f32 v9, v11;
	v11 =	vor.u32 $0xC, v3;
	v9 =	vld.idx.msk [tilespmem:v16+s5+$0x0], $0xffff  }
0x14e: {  	v16 =	vor.u32 $0xC, v2;
	v12 =	vld.idx.msk [tilespmem:v12+s13+$0x0], $0xffff  }
0x14f: {  	v4 =	vadd.f32 v5, v4;
	v5 =	vmul.f32 v6, v13;
	v13 =	vor.u32 $0xD, v3;
	v6 =	vld.idx.msk [tilespmem:v17+s5+$0x0], $0xffff  }
0x150: {  	v17 =	vor.u32 $0xD, v2;
	v14 =	vld.idx.msk [tilespmem:v14+s13+$0x0], $0xffff  }
0x151: {  	v4 =	vadd.f32 v5, v4;
	v5 =	vmul.f32 v7, v8;
	v8 =	vor.u32 $0xE, v3;
	v7 =	vld.idx.msk [tilespmem:v15+s5+$0x0], $0xffff  }
0x152: {  	v15 =	vor.u32 $0xE, v2;
	v11 =	vld.idx.msk [tilespmem:v11+s13+$0x0], $0xffff  }
0x153: {  	v4 =	vadd.f32 v5, v4;
	v5 =	vmul.f32 v9, v10;
	v10 =	vor.u32 $0xF, v3;
	v9 =	vld.idx.msk [tilespmem:v16+s5+$0x0], $0xffff  }
0x154: {  	v16 =	vor.u32 $0xF, v2;
	v13 =	vld.idx.msk [tilespmem:v13+s13+$0x0], $0xffff  }
0x155: {  	v4 =	vadd.f32 v5, v4;
	v5 =	vmul.f32 v6, v12;
	v12 =	vor.u32 $0x10, v3;
	v6 =	vld.idx.msk [tilespmem:v17+s5+$0x0], $0xffff  }
0x156: {  	v17 =	vor.u32 $0x10, v2;
	v8 =	vld.idx.msk [tilespmem:v8+s13+$0x0], $0xffff  }
0x157: {  	v4 =	vadd.f32 v5, v4;
	v5 =	vmul.f32 v7, v14;
	v14 =	vor.u32 $0x11, v3;
	v7 =	vld.idx.msk [tilespmem:v15+s5+$0x0], $0xffff  }
0x158: {  	v15 =	vor.u32 $0x11, v2;
	v10 =	vld.idx.msk [tilespmem:v10+s13+$0x0], $0xffff  }
0x159: {  	v4 =	vadd.f32 v5, v4;
	v5 =	vmul.f32 v9, v11;
	v11 =	vor.u32 $0x12, v3;
	v9 =	vld.idx.msk [tilespmem:v16+s5+$0x0], $0xffff  }
0x15a: {  	v16 =	vor.u32 $0x12, v2;
	v12 =	vld.idx.msk [tilespmem:v12+s13+$0x0], $0xffff  }
0x15b: {  	v4 =	vadd.f32 v5, v4;
	v5 =	vmul.f32 v6, v13;
	v13 =	vor.u32 $0x13, v3;
	v6 =	vld.idx.msk [tilespmem:v17+s5+$0x0], $0xffff  }
0x15c: {  	v17 =	vor.u32 $0x13, v2;
	v14 =	vld.idx.msk [tilespmem:v14+s13+$0x0], $0xffff  }
0x15d: {  	v4 =	vadd.f32 v5, v4;
	v5 =	vmul.f32 v7, v8;
	v8 =	vor.u32 $0x14, v3;
	v7 =	vld.idx.msk [tilespmem:v15+s5+$0x0], $0xffff  }
0x15e: {  	v15 =	vor.u32 $0x14, v2;
	v11 =	vld.idx.msk [tilespmem:v11+s13+$0x0], $0xffff  }
0x15f: {  	v4 =	vadd.f32 v5, v4;
	v5 =	vmul.f32 v9, v10;
	v10 =	vor.u32 $0x15, v3;
	v9 =	vld.idx.msk [tilespmem:v16+s5+$0x0], $0xffff  }
0x160: {  	v16 =	vor.u32 $0x15, v2;
	v13 =	vld.idx.msk [tilespmem:v13+s13+$0x0], $0xffff  }
0x161: {  	v4 =	vadd.f32 v5, v4;
	v5 =	vmul.f32 v6, v12;
	v12 =	vor.u32 $0x16, v3;
	v6 =	vld.idx.msk [tilespmem:v17+s5+$0x0], $0xffff  }
0x162: {  	v17 =	vor.u32 $0x16, v2;
	v8 =	vld.idx.msk [tilespmem:v8+s13+$0x0], $0xffff  }
0x163: {  	v4 =	vadd.f32 v5, v4;
	v5 =	vmul.f32 v7, v14;
	v14 =	vor.u32 $0x17, v3;
	v7 =	vld.idx.msk [tilespmem:v15+s5+$0x0], $0xffff  }
0x164: {  	v15 =	vor.u32 $0x17, v2;
	v10 =	vld.idx.msk [tilespmem:v10+s13+$0x0], $0xffff  }
0x165: {  	v4 =	vadd.f32 v5, v4;
	v5 =	vmul.f32 v9, v11;
	v11 =	vor.u32 $0x18, v3;
	v9 =	vld.idx.msk [tilespmem:v16+s5+$0x0], $0xffff  }
0x166: {  	v16 =	vor.u32 $0x18, v2;
	v12 =	vld.idx.msk [tilespmem:v12+s13+$0x0], $0xffff  }
0x167: {  	v4 =	vadd.f32 v5, v4;
	v5 =	vmul.f32 v6, v13;
	v13 =	vor.u32 $0x19, v3;
	v6 =	vld.idx.msk [tilespmem:v17+s5+$0x0], $0xffff  }
0x168: {  	v17 =	vor.u32 $0x19, v2;
	v14 =	vld.idx.msk [tilespmem:v14+s13+$0x0], $0xffff  }
0x169: {  	v4 =	vadd.f32 v5, v4;
	v5 =	vmul.f32 v7, v8;
	v8 =	vor.u32 $0x1A, v3;
	v7 =	vld.idx.msk [tilespmem:v15+s5+$0x0], $0xffff  }
0x16a: {  	v15 =	vor.u32 $0x1A, v2;
	v11 =	vld.idx.msk [tilespmem:v11+s13+$0x0], $0xffff  }
0x16b: {  	v4 =	vadd.f32 v5, v4;
	v5 =	vmul.f32 v9, v10;
	v10 =	vor.u32 $0x1B, v3;
	v9 =	vld.idx.msk [tilespmem:v16+s5+$0x0], $0xffff  }
0x16c: {  	v16 =	vor.u32 $0x1B, v2;
	v13 =	vld.idx.msk [tilespmem:v13+s13+$0x0], $0xffff  }
0x16d: {  	v4 =	vadd.f32 v5, v4;
	v5 =	vmul.f32 v6, v12;
	v12 =	vor.u32 $0x1C, v3;
	v6 =	vld.idx.msk [tilespmem:v17+s5+$0x0], $0xffff  }
0x16e: {  	v17 =	vor.u32 $0x1C, v2;
	v8 =	vld.idx.msk [tilespmem:v8+s13+$0x0], $0xffff  }
0x16f: {  	v4 =	vadd.f32 v5, v4;
	v5 =	vmul.f32 v7, v14;
	v14 =	vor.u32 $0x1D, v3;
	v7 =	vld.idx.msk [tilespmem:v15+s5+$0x0], $0xffff  }
0x170: {  	v15 =	vor.u32 $0x1D, v2;
	v10 =	vld.idx.msk [tilespmem:v10+s13+$0x0], $0xffff  }
0x171: {  	v4 =	vadd.f32 v5, v4;
	v5 =	vmul.f32 v9, v11;
	v11 =	vor.u32 $0x1E, v3;
	v9 =	vld.idx.msk [tilespmem:v16+s5+$0x0], $0xffff  }
0x172: {  	v16 =	vor.u32 $0x1E, v2;
	v12 =	vld.idx.msk [tilespmem:v12+s13+$0x0], $0xffff  }
0x173: {  	v4 =	vadd.f32 v5, v4;
	v5 =	vmul.f32 v6, v13;
	v13 =	vor.u32 $0x1F, v3;
	v6 =	vld.idx.msk [tilespmem:v17+s5+$0x0], $0xffff  }
0x174: {  	v17 =	vor.u32 $0x1F, v2;
	v14 =	vld.idx.msk [tilespmem:v14+s13+$0x0], $0xffff  }
0x175: {  	v4 =	vadd.f32 v5, v4;
	v5 =	vmul.f32 v7, v8;
	v8 =	vor.u32 $0x20, v3;
	v7 =	vld.idx.msk [tilespmem:v15+s5+$0x0], $0xffff  }
0x176: {  	v15 =	vor.u32 $0x20, v2;
	v11 =	vld.idx.msk [tilespmem:v11+s13+$0x0], $0xffff  }
0x177: {  	v4 =	vadd.f32 v5, v4;
	v5 =	vmul.f32 v9, v10;
	v10 =	vor.u32 $0x21, v3;
	v9 =	vld.idx.msk [tilespmem:v16+s5+$0x0], $0xffff  }
0x178: {  	v16 =	vor.u32 $0x21, v2;
	v13 =	vld.idx.msk [tilespmem:v13+s13+$0x0], $0xffff  }
0x179: {  	v4 =	vadd.f32 v5, v4;
	v5 =	vmul.f32 v6, v12;
	v12 =	vor.u32 $0x22, v3;
	v6 =	vld.idx.msk [tilespmem:v17+s5+$0x0], $0xffff  }
0x17a: {  	v17 =	vor.u32 $0x22, v2;
	v8 =	vld.idx.msk [tilespmem:v8+s13+$0x0], $0xffff  }
0x17b: {  	v4 =	vadd.f32 v5, v4;
	v5 =	vmul.f32 v7, v14;
	v14 =	vor.u32 $0x23, v3;
	v7 =	vld.idx.msk [tilespmem:v15+s5+$0x0], $0xffff  }
0x17c: {  	v15 =	vor.u32 $0x23, v2;
	v10 =	vld.idx.msk [tilespmem:v10+s13+$0x0], $0xffff  }
0x17d: {  	v4 =	vadd.f32 v5, v4;
	v5 =	vmul.f32 v9, v11;
	v11 =	vor.u32 $0x24, v3;
	v9 =	vld.idx.msk [tilespmem:v16+s5+$0x0], $0xffff  }
0x17e: {  	v16 =	vor.u32 $0x24, v2;
	v12 =	vld.idx.msk [tilespmem:v12+s13+$0x0], $0xffff  }
0x17f: {  	v4 =	vadd.f32 v5, v4;
	v5 =	vmul.f32 v6, v13;
	v13 =	vor.u32 $0x25, v3;
	v6 =	vld.idx.msk [tilespmem:v17+s5+$0x0], $0xffff  }
0x180: {  	v17 =	vor.u32 $0x25, v2;
	v14 =	vld.idx.msk [tilespmem:v14+s13+$0x0], $0xffff  }
0x181: {  	v4 =	vadd.f32 v5, v4;
	v5 =	vmul.f32 v7, v8;
	v8 =	vor.u32 $0x26, v3;
	v7 =	vld.idx.msk [tilespmem:v15+s5+$0x0], $0xffff  }
0x182: {  	v15 =	vor.u32 $0x26, v2;
	v11 =	vld.idx.msk [tilespmem:v11+s13+$0x0], $0xffff  }
0x183: {  	v4 =	vadd.f32 v5, v4;
	v5 =	vmul.f32 v9, v10;
	v10 =	vor.u32 $0x27, v3;
	v9 =	vld.idx.msk [tilespmem:v16+s5+$0x0], $0xffff  }
0x184: {  	v16 =	vor.u32 $0x27, v2;
	v13 =	vld.idx.msk [tilespmem:v13+s13+$0x0], $0xffff  }
0x185: {  	v4 =	vadd.f32 v5, v4;
	v5 =	vmul.f32 v6, v12;
	v12 =	vor.u32 $0x28, v3;
	v6 =	vld.idx.msk [tilespmem:v17+s5+$0x0], $0xffff  }
0x186: {  	v17 =	vor.u32 $0x28, v2;
	v8 =	vld.idx.msk [tilespmem:v8+s13+$0x0], $0xffff  }
0x187: {  	v4 =	vadd.f32 v5, v4;
	v5 =	vmul.f32 v7, v14;
	v14 =	vor.u32 $0x29, v3;
	v7 =	vld.idx.msk [tilespmem:v15+s5+$0x0], $0xffff  }
0x188: {  	v15 =	vor.u32 $0x29, v2;
	v10 =	vld.idx.msk [tilespmem:v10+s13+$0x0], $0xffff  }
0x189: {  	v4 =	vadd.f32 v5, v4;
	v5 =	vmul.f32 v9, v11;
	v11 =	vor.u32 $0x2A, v3;
	v9 =	vld.idx.msk [tilespmem:v16+s5+$0x0], $0xffff  }
0x18a: {  	v16 =	vor.u32 $0x2A, v2;
	v12 =	vld.idx.msk [tilespmem:v12+s13+$0x0], $0xffff  }
0x18b: {  	v4 =	vadd.f32 v5, v4;
	v5 =	vmul.f32 v6, v13;
	v13 =	vor.u32 $0x2B, v3;
	v6 =	vld.idx.msk [tilespmem:v17+s5+$0x0], $0xffff  }
0x18c: {  	v17 =	vor.u32 $0x2B, v2;
	v14 =	vld.idx.msk [tilespmem:v14+s13+$0x0], $0xffff  }
0x18d: {  	v4 =	vadd.f32 v5, v4;
	v5 =	vmul.f32 v7, v8;
	v8 =	vor.u32 $0x2C, v3;
	v7 =	vld.idx.msk [tilespmem:v15+s5+$0x0], $0xffff  }
0x18e: {  	v15 =	vor.u32 $0x2C, v2;
	v11 =	vld.idx.msk [tilespmem:v11+s13+$0x0], $0xffff  }
0x18f: {  	v4 =	vadd.f32 v5, v4;
	v5 =	vmul.f32 v9, v10;
	v10 =	vor.u32 $0x2D, v3;
	v9 =	vld.idx.msk [tilespmem:v16+s5+$0x0], $0xffff  }
0x190: {  	v16 =	vor.u32 $0x2D, v2;
	v13 =	vld.idx.msk [tilespmem:v13+s13+$0x0], $0xffff  }
0x191: {  	v4 =	vadd.f32 v5, v4;
	v5 =	vmul.f32 v6, v12;
	v12 =	vor.u32 $0x2E, v3;
	v6 =	vld.idx.msk [tilespmem:v17+s5+$0x0], $0xffff  }
0x192: {  	v17 =	vor.u32 $0x2E, v2;
	v8 =	vld.idx.msk [tilespmem:v8+s13+$0x0], $0xffff  }
0x193: {  	v4 =	vadd.f32 v5, v4;
	v5 =	vmul.f32 v7, v14;
	v14 =	vor.u32 $0x2F, v3;
	v7 =	vld.idx.msk [tilespmem:v15+s5+$0x0], $0xffff  }
0x194: {  	v15 =	vor.u32 $0x2F, v2;
	v10 =	vld.idx.msk [tilespmem:v10+s13+$0x0], $0xffff  }
0x195: {  	v4 =	vadd.f32 v5, v4;
	v5 =	vmul.f32 v9, v11;
	v11 =	vor.u32 $0x30, v3;
	v9 =	vld.idx.msk [tilespmem:v16+s5+$0x0], $0xffff  }
0x196: {  	v16 =	vor.u32 $0x30, v2;
	v12 =	vld.idx.msk [tilespmem:v12+s13+$0x0], $0xffff  }
0x197: {  	v4 =	vadd.f32 v5, v4;
	v5 =	vmul.f32 v6, v13;
	v13 =	vor.u32 $0x31, v3;
	v6 =	vld.idx.msk [tilespmem:v17+s5+$0x0], $0xffff  }
0x198: {  	v17 =	vor.u32 $0x31, v2;
	v14 =	vld.idx.msk [tilespmem:v14+s13+$0x0], $0xffff  }
0x199: {  	v4 =	vadd.f32 v5, v4;
	v5 =	vmul.f32 v7, v8;
	v8 =	vor.u32 $0x32, v3;
	v7 =	vld.idx.msk [tilespmem:v15+s5+$0x0], $0xffff  }
0x19a: {  	v15 =	vor.u32 $0x32, v2;
	v11 =	vld.idx.msk [tilespmem:v11+s13+$0x0], $0xffff  }
0x19b: {  	v4 =	vadd.f32 v5, v4;
	v5 =	vmul.f32 v9, v10;
	v10 =	vor.u32 $0x33, v3;
	v9 =	vld.idx.msk [tilespmem:v16+s5+$0x0], $0xffff  }
0x19c: {  	v16 =	vor.u32 $0x33, v2;
	v13 =	vld.idx.msk [tilespmem:v13+s13+$0x0], $0xffff  }
0x19d: {  	v4 =	vadd.f32 v5, v4;
	v5 =	vmul.f32 v6, v12;
	v12 =	vor.u32 $0x34, v3;
	v6 =	vld.idx.msk [tilespmem:v17+s5+$0x0], $0xffff  }
0x19e: {  	v17 =	vor.u32 $0x34, v2;
	v8 =	vld.idx.msk [tilespmem:v8+s13+$0x0], $0xffff  }
0x19f: {  	v4 =	vadd.f32 v5, v4;
	v5 =	vmul.f32 v7, v14;
	v14 =	vor.u32 $0x35, v3;
	v7 =	vld.idx.msk [tilespmem:v15+s5+$0x0], $0xffff  }
0x1a0: {  	v15 =	vor.u32 $0x35, v2;
	v10 =	vld.idx.msk [tilespmem:v10+s13+$0x0], $0xffff  }
0x1a1: {  	v4 =	vadd.f32 v5, v4;
	v5 =	vmul.f32 v9, v11;
	v11 =	vor.u32 $0x36, v3;
	v9 =	vld.idx.msk [tilespmem:v16+s5+$0x0], $0xffff  }
0x1a2: {  	v16 =	vor.u32 $0x36, v2;
	v12 =	vld.idx.msk [tilespmem:v12+s13+$0x0], $0xffff  }
0x1a3: {  	v4 =	vadd.f32 v5, v4;
	v5 =	vmul.f32 v6, v13;
	v13 =	vor.u32 $0x37, v3;
	v6 =	vld.idx.msk [tilespmem:v17+s5+$0x0], $0xffff  }
0x1a4: {  	v17 =	vor.u32 $0x37, v2;
	v14 =	vld.idx.msk [tilespmem:v14+s13+$0x0], $0xffff  }
0x1a5: {  	v4 =	vadd.f32 v5, v4;
	v5 =	vmul.f32 v7, v8;
	v8 =	vor.u32 $0x38, v3;
	v7 =	vld.idx.msk [tilespmem:v15+s5+$0x0], $0xffff  }
0x1a6: {  	v15 =	vor.u32 $0x38, v2;
	v11 =	vld.idx.msk [tilespmem:v11+s13+$0x0], $0xffff  }
0x1a7: {  	v4 =	vadd.f32 v5, v4;
	v5 =	vmul.f32 v9, v10;
	v10 =	vor.u32 $0x39, v3;
	v9 =	vld.idx.msk [tilespmem:v16+s5+$0x0], $0xffff  }
0x1a8: {  	v16 =	vor.u32 $0x39, v2;
	v13 =	vld.idx.msk [tilespmem:v13+s13+$0x0], $0xffff  }
0x1a9: {  	v4 =	vadd.f32 v5, v4;
	v5 =	vmul.f32 v6, v12;
	v12 =	vor.u32 $0x3A, v3;
	v6 =	vld.idx.msk [tilespmem:v17+s5+$0x0], $0xffff  }
0x1aa: {  	v17 =	vor.u32 $0x3A, v2;
	v8 =	vld.idx.msk [tilespmem:v8+s13+$0x0], $0xffff  }
0x1ab: {  	v4 =	vadd.f32 v5, v4;
	v5 =	vmul.f32 v7, v14;
	v14 =	vor.u32 $0x3B, v3;
	v7 =	vld.idx.msk [tilespmem:v15+s5+$0x0], $0xffff  }
0x1ac: {  	v15 =	vor.u32 $0x3B, v2;
	v10 =	vld.idx.msk [tilespmem:v10+s13+$0x0], $0xffff  }
0x1ad: {  	v4 =	vadd.f32 v5, v4;
	v5 =	vmul.f32 v9, v11;
	v11 =	vor.u32 $0x3C, v3;
	v9 =	vld.idx.msk [tilespmem:v16+s5+$0x0], $0xffff  }
0x1ae: {  	v16 =	vor.u32 $0x3C, v2;
	v12 =	vld.idx.msk [tilespmem:v12+s13+$0x0], $0xffff  }
0x1af: {  	v4 =	vadd.f32 v5, v4;
	v5 =	vmul.f32 v6, v13;
	v13 =	vor.u32 $0x3D, v3;
	v6 =	vld.idx.msk [tilespmem:v17+s5+$0x0], $0xffff  }
0x1b0: {  	v17 =	vor.u32 $0x3D, v2;
	v14 =	vld.idx.msk [tilespmem:v14+s13+$0x0], $0xffff  }
0x1b1: {  	v4 =	vadd.f32 v5, v4;
	v5 =	vmul.f32 v7, v8;
	v8 =	vor.u32 $0x3E, v3;
	v7 =	vld.idx.msk [tilespmem:v15+s5+$0x0], $0xffff  }
0x1b2: {  	v15 =	vor.u32 $0x3E, v2;
	v11 =	vld.idx.msk [tilespmem:v11+s13+$0x0], $0xffff  }
0x1b3: {  	v4 =	vadd.f32 v5, v4;
	v5 =	vmul.f32 v9, v10;
	v10 =	vor.u32 $0x3F, v3;
	v9 =	vld.idx.msk [tilespmem:v16+s5+$0x0], $0xffff  }
0x1b4: {  	v16 =	vor.u32 $0x3F, v2;
	v13 =	vld.idx.msk [tilespmem:v13+s13+$0x0], $0xffff  }
0x1b5: {  	v4 =	vadd.f32 v5, v4;
	v5 =	vmul.f32 v6, v12;
	v12 =	vor.u32 $0x40, v3;
	v6 =	vld.idx.msk [tilespmem:v17+s5+$0x0], $0xffff  }
0x1b6: {  	v17 =	vor.u32 $0x40, v2;
	v8 =	vld.idx.msk [tilespmem:v8+s13+$0x0], $0xffff  }
0x1b7: {  	v4 =	vadd.f32 v5, v4;
	v5 =	vmul.f32 v7, v14;
	v14 =	vor.u32 $0x41, v3;
	v7 =	vld.idx.msk [tilespmem:v15+s5+$0x0], $0xffff  }
0x1b8: {  	v15 =	vor.u32 $0x41, v2;
	v10 =	vld.idx.msk [tilespmem:v10+s13+$0x0], $0xffff  }
0x1b9: {  	v4 =	vadd.f32 v5, v4;
	v5 =	vmul.f32 v9, v11;
	v11 =	vor.u32 $0x42, v3;
	v9 =	vld.idx.msk [tilespmem:v16+s5+$0x0], $0xffff  }
0x1ba: {  	v16 =	vor.u32 $0x42, v2;
	v12 =	vld.idx.msk [tilespmem:v12+s13+$0x0], $0xffff  }
0x1bb: {  	v4 =	vadd.f32 v5, v4;
	v5 =	vmul.f32 v6, v13;
	v13 =	vor.u32 $0x43, v3;
	v6 =	vld.idx.msk [tilespmem:v17+s5+$0x0], $0xffff  }
0x1bc: {  	v17 =	vor.u32 $0x43, v2;
	v14 =	vld.idx.msk [tilespmem:v14+s13+$0x0], $0xffff  }
0x1bd: {  	v4 =	vadd.f32 v5, v4;
	v5 =	vmul.f32 v7, v8;
	v8 =	vor.u32 $0x44, v3;
	v7 =	vld.idx.msk [tilespmem:v15+s5+$0x0], $0xffff  }
0x1be: {  	v15 =	vor.u32 $0x44, v2;
	v11 =	vld.idx.msk [tilespmem:v11+s13+$0x0], $0xffff  }
0x1bf: {  	v4 =	vadd.f32 v5, v4;
	v5 =	vmul.f32 v9, v10;
	v10 =	vor.u32 $0x45, v3;
	v9 =	vld.idx.msk [tilespmem:v16+s5+$0x0], $0xffff  }
0x1c0: {  	v16 =	vor.u32 $0x45, v2;
	v13 =	vld.idx.msk [tilespmem:v13+s13+$0x0], $0xffff  }
0x1c1: {  	v4 =	vadd.f32 v5, v4;
	v5 =	vmul.f32 v6, v12;
	v12 =	vor.u32 $0x46, v3;
	v6 =	vld.idx.msk [tilespmem:v17+s5+$0x0], $0xffff  }
0x1c2: {  	v17 =	vor.u32 $0x46, v2;
	v8 =	vld.idx.msk [tilespmem:v8+s13+$0x0], $0xffff  }
0x1c3: {  	v4 =	vadd.f32 v5, v4;
	v5 =	vmul.f32 v7, v14;
	v14 =	vor.u32 $0x47, v3;
	v7 =	vld.idx.msk [tilespmem:v15+s5+$0x0], $0xffff  }
0x1c4: {  	v15 =	vor.u32 $0x47, v2;
	v10 =	vld.idx.msk [tilespmem:v10+s13+$0x0], $0xffff  }
0x1c5: {  	v4 =	vadd.f32 v5, v4;
	v5 =	vmul.f32 v9, v11;
	v11 =	vor.u32 $0x48, v3;
	v9 =	vld.idx.msk [tilespmem:v16+s5+$0x0], $0xffff  }
0x1c6: {  	v16 =	vor.u32 $0x48, v2;
	v12 =	vld.idx.msk [tilespmem:v12+s13+$0x0], $0xffff  }
0x1c7: {  	v4 =	vadd.f32 v5, v4;
	v5 =	vmul.f32 v6, v13;
	v13 =	vor.u32 $0x49, v3;
	v6 =	vld.idx.msk [tilespmem:v17+s5+$0x0], $0xffff  }
0x1c8: {  	v17 =	vor.u32 $0x49, v2;
	v14 =	vld.idx.msk [tilespmem:v14+s13+$0x0], $0xffff  }
0x1c9: {  	v4 =	vadd.f32 v5, v4;
	v5 =	vmul.f32 v7, v8;
	v8 =	vor.u32 $0x4A, v3;
	v7 =	vld.idx.msk [tilespmem:v15+s5+$0x0], $0xffff  }
0x1ca: {  	v15 =	vor.u32 $0x4A, v2;
	v11 =	vld.idx.msk [tilespmem:v11+s13+$0x0], $0xffff  }
0x1cb: {  	v4 =	vadd.f32 v5, v4;
	v5 =	vmul.f32 v9, v10;
	v10 =	vor.u32 $0x4B, v3;
	v9 =	vld.idx.msk [tilespmem:v16+s5+$0x0], $0xffff  }
0x1cc: {  	v16 =	vor.u32 $0x4B, v2;
	v13 =	vld.idx.msk [tilespmem:v13+s13+$0x0], $0xffff  }
0x1cd: {  	v4 =	vadd.f32 v5, v4;
	v5 =	vmul.f32 v6, v12;
	v12 =	vor.u32 $0x4C, v3;
	v6 =	vld.idx.msk [tilespmem:v17+s5+$0x0], $0xffff  }
0x1ce: {  	v17 =	vor.u32 $0x4C, v2;
	v8 =	vld.idx.msk [tilespmem:v8+s13+$0x0], $0xffff  }
0x1cf: {  	v4 =	vadd.f32 v5, v4;
	v5 =	vmul.f32 v7, v14;
	v14 =	vor.u32 $0x4D, v3;
	v7 =	vld.idx.msk [tilespmem:v15+s5+$0x0], $0xffff  }
0x1d0: {  	v15 =	vor.u32 $0x4D, v2;
	v10 =	vld.idx.msk [tilespmem:v10+s13+$0x0], $0xffff  }
0x1d1: {  	v4 =	vadd.f32 v5, v4;
	v5 =	vmul.f32 v9, v11;
	v11 =	vor.u32 $0x4E, v3;
	v9 =	vld.idx.msk [tilespmem:v16+s5+$0x0], $0xffff  }
0x1d2: {  	v16 =	vor.u32 $0x4E, v2;
	v12 =	vld.idx.msk [tilespmem:v12+s13+$0x0], $0xffff  }
0x1d3: {  	v4 =	vadd.f32 v5, v4;
	v5 =	vmul.f32 v6, v13;
	v13 =	vor.u32 $0x4F, v3;
	v6 =	vld.idx.msk [tilespmem:v17+s5+$0x0], $0xffff  }
0x1d4: {  	v17 =	vor.u32 $0x4F, v2;
	v14 =	vld.idx.msk [tilespmem:v14+s13+$0x0], $0xffff  }
0x1d5: {  	v4 =	vadd.f32 v5, v4;
	v5 =	vmul.f32 v7, v8;
	v8 =	vor.u32 $0x50, v3;
	v7 =	vld.idx.msk [tilespmem:v15+s5+$0x0], $0xffff  }
0x1d6: {  	v15 =	vor.u32 $0x50, v2;
	v11 =	vld.idx.msk [tilespmem:v11+s13+$0x0], $0xffff  }
0x1d7: {  	v4 =	vadd.f32 v5, v4;
	v5 =	vmul.f32 v9, v10;
	v10 =	vor.u32 $0x51, v3;
	v9 =	vld.idx.msk [tilespmem:v16+s5+$0x0], $0xffff  }
0x1d8: {  	v16 =	vor.u32 $0x51, v2;
	v13 =	vld.idx.msk [tilespmem:v13+s13+$0x0], $0xffff  }
0x1d9: {  	v4 =	vadd.f32 v5, v4;
	v5 =	vmul.f32 v6, v12;
	v12 =	vor.u32 $0x52, v3;
	v6 =	vld.idx.msk [tilespmem:v17+s5+$0x0], $0xffff  }
0x1da: {  	v17 =	vor.u32 $0x52, v2;
	v8 =	vld.idx.msk [tilespmem:v8+s13+$0x0], $0xffff  }
0x1db: {  	v4 =	vadd.f32 v5, v4;
	v5 =	vmul.f32 v7, v14;
	v14 =	vor.u32 $0x53, v3;
	v7 =	vld.idx.msk [tilespmem:v15+s5+$0x0], $0xffff  }
0x1dc: {  	v15 =	vor.u32 $0x53, v2;
	v10 =	vld.idx.msk [tilespmem:v10+s13+$0x0], $0xffff  }
0x1dd: {  	v4 =	vadd.f32 v5, v4;
	v5 =	vmul.f32 v9, v11;
	v11 =	vor.u32 $0x54, v3;
	v9 =	vld.idx.msk [tilespmem:v16+s5+$0x0], $0xffff  }
0x1de: {  	v16 =	vor.u32 $0x54, v2;
	v12 =	vld.idx.msk [tilespmem:v12+s13+$0x0], $0xffff  }
0x1df: {  	v4 =	vadd.f32 v5, v4;
	v5 =	vmul.f32 v6, v13;
	v13 =	vor.u32 $0x55, v3;
	v6 =	vld.idx.msk [tilespmem:v17+s5+$0x0], $0xffff  }
0x1e0: {  	v17 =	vor.u32 $0x55, v2;
	v14 =	vld.idx.msk [tilespmem:v14+s13+$0x0], $0xffff  }
0x1e1: {  	v4 =	vadd.f32 v5, v4;
	v5 =	vmul.f32 v7, v8;
	v8 =	vor.u32 $0x56, v3;
	v7 =	vld.idx.msk [tilespmem:v15+s5+$0x0], $0xffff  }
0x1e2: {  	v15 =	vor.u32 $0x56, v2;
	v11 =	vld.idx.msk [tilespmem:v11+s13+$0x0], $0xffff  }
0x1e3: {  	v4 =	vadd.f32 v5, v4;
	v5 =	vmul.f32 v9, v10;
	v10 =	vor.u32 $0x57, v3;
	v9 =	vld.idx.msk [tilespmem:v16+s5+$0x0], $0xffff  }
0x1e4: {  	v16 =	vor.u32 $0x57, v2;
	v13 =	vld.idx.msk [tilespmem:v13+s13+$0x0], $0xffff  }
0x1e5: {  	v4 =	vadd.f32 v5, v4;
	v5 =	vmul.f32 v6, v12;
	v12 =	vor.u32 $0x58, v3;
	v6 =	vld.idx.msk [tilespmem:v17+s5+$0x0], $0xffff  }
0x1e6: {  	v17 =	vor.u32 $0x58, v2;
	v8 =	vld.idx.msk [tilespmem:v8+s13+$0x0], $0xffff  }
0x1e7: {  	v4 =	vadd.f32 v5, v4;
	v5 =	vmul.f32 v7, v14;
	v14 =	vor.u32 $0x59, v3;
	v7 =	vld.idx.msk [tilespmem:v15+s5+$0x0], $0xffff  }
0x1e8: {  	v15 =	vor.u32 $0x59, v2;
	v10 =	vld.idx.msk [tilespmem:v10+s13+$0x0], $0xffff  }
0x1e9: {  	v4 =	vadd.f32 v5, v4;
	v5 =	vmul.f32 v9, v11;
	v11 =	vor.u32 $0x5A, v3;
	v9 =	vld.idx.msk [tilespmem:v16+s5+$0x0], $0xffff  }
0x1ea: {  	v16 =	vor.u32 $0x5A, v2;
	v12 =	vld.idx.msk [tilespmem:v12+s13+$0x0], $0xffff  }
0x1eb: {  	v4 =	vadd.f32 v5, v4;
	v5 =	vmul.f32 v6, v13;
	v13 =	vor.u32 $0x5B, v3;
	v6 =	vld.idx.msk [tilespmem:v17+s5+$0x0], $0xffff  }
0x1ec: {  	v17 =	vor.u32 $0x5B, v2;
	v14 =	vld.idx.msk [tilespmem:v14+s13+$0x0], $0xffff  }
0x1ed: {  	v4 =	vadd.f32 v5, v4;
	v5 =	vmul.f32 v7, v8;
	v8 =	vor.u32 $0x5C, v3;
	v7 =	vld.idx.msk [tilespmem:v15+s5+$0x0], $0xffff  }
0x1ee: {  	v15 =	vor.u32 $0x5C, v2;
	v11 =	vld.idx.msk [tilespmem:v11+s13+$0x0], $0xffff  }
0x1ef: {  	v4 =	vadd.f32 v5, v4;
	v5 =	vmul.f32 v9, v10;
	v10 =	vor.u32 $0x5D, v3;
	v9 =	vld.idx.msk [tilespmem:v16+s5+$0x0], $0xffff  }
0x1f0: {  	v16 =	vor.u32 $0x5D, v2;
	v13 =	vld.idx.msk [tilespmem:v13+s13+$0x0], $0xffff  }
0x1f1: {  	v4 =	vadd.f32 v5, v4;
	v5 =	vmul.f32 v6, v12;
	v12 =	vor.u32 $0x5E, v3;
	v6 =	vld.idx.msk [tilespmem:v17+s5+$0x0], $0xffff  }
0x1f2: {  	v17 =	vor.u32 $0x5E, v2;
	v8 =	vld.idx.msk [tilespmem:v8+s13+$0x0], $0xffff  }
0x1f3: {  	v4 =	vadd.f32 v5, v4;
	v5 =	vmul.f32 v7, v14;
	v14 =	vor.u32 $0x5F, v3;
	v7 =	vld.idx.msk [tilespmem:v15+s5+$0x0], $0xffff  }
0x1f4: {  	v15 =	vor.u32 $0x5F, v2;
	v10 =	vld.idx.msk [tilespmem:v10+s13+$0x0], $0xffff  }
0x1f5: {  	v4 =	vadd.f32 v5, v4;
	v5 =	vmul.f32 v9, v11;
	v11 =	vor.u32 $0x60, v3;
	v9 =	vld.idx.msk [tilespmem:v16+s5+$0x0], $0xffff  }
0x1f6: {  	v16 =	vor.u32 $0x60, v2;
	v12 =	vld.idx.msk [tilespmem:v12+s13+$0x0], $0xffff  }
0x1f7: {  	v4 =	vadd.f32 v5, v4;
	v5 =	vmul.f32 v6, v13;
	v13 =	vor.u32 $0x61, v3;
	v6 =	vld.idx.msk [tilespmem:v17+s5+$0x0], $0xffff  }
0x1f8: {  	v17 =	vor.u32 $0x61, v2;
	v14 =	vld.idx.msk [tilespmem:v14+s13+$0x0], $0xffff  }
0x1f9: {  	v4 =	vadd.f32 v5, v4;
	v5 =	vmul.f32 v7, v8;
	v8 =	vor.u32 $0x62, v3;
	v7 =	vld.idx.msk [tilespmem:v15+s5+$0x0], $0xffff  }
0x1fa: {  	v15 =	vor.u32 $0x62, v2;
	v11 =	vld.idx.msk [tilespmem:v11+s13+$0x0], $0xffff  }
0x1fb: {  	v4 =	vadd.f32 v5, v4;
	v5 =	vmul.f32 v9, v10;
	v10 =	vor.u32 $0x63, v3;
	v9 =	vld.idx.msk [tilespmem:v16+s5+$0x0], $0xffff  }
0x1fc: {  	v16 =	vor.u32 $0x63, v2;
	v13 =	vld.idx.msk [tilespmem:v13+s13+$0x0], $0xffff  }
0x1fd: {  	v4 =	vadd.f32 v5, v4;
	v5 =	vmul.f32 v6, v12;
	v12 =	vor.u32 $0x64, v3;
	v6 =	vld.idx.msk [tilespmem:v17+s5+$0x0], $0xffff  }
0x1fe: {  	v17 =	vor.u32 $0x64, v2;
	v8 =	vld.idx.msk [tilespmem:v8+s13+$0x0], $0xffff  }
0x1ff: {  	v4 =	vadd.f32 v5, v4;
	v5 =	vmul.f32 v7, v14;
	v14 =	vor.u32 $0x65, v3;
	v7 =	vld.idx.msk [tilespmem:v15+s5+$0x0], $0xffff  }
0x200: {  	v15 =	vor.u32 $0x65, v2;
	v10 =	vld.idx.msk [tilespmem:v10+s13+$0x0], $0xffff  }
0x201: {  	v4 =	vadd.f32 v5, v4;
	v5 =	vmul.f32 v9, v11;
	v11 =	vor.u32 $0x66, v3;
	v9 =	vld.idx.msk [tilespmem:v16+s5+$0x0], $0xffff  }
0x202: {  	v16 =	vor.u32 $0x66, v2;
	v12 =	vld.idx.msk [tilespmem:v12+s13+$0x0], $0xffff  }
0x203: {  	v4 =	vadd.f32 v5, v4;
	v5 =	vmul.f32 v6, v13;
	v13 =	vor.u32 $0x67, v3;
	v6 =	vld.idx.msk [tilespmem:v17+s5+$0x0], $0xffff  }
0x204: {  	v17 =	vor.u32 $0x67, v2;
	v14 =	vld.idx.msk [tilespmem:v14+s13+$0x0], $0xffff  }
0x205: {  	v4 =	vadd.f32 v5, v4;
	v5 =	vmul.f32 v7, v8;
	v8 =	vor.u32 $0x68, v3;
	v7 =	vld.idx.msk [tilespmem:v15+s5+$0x0], $0xffff  }
0x206: {  	v15 =	vor.u32 $0x68, v2;
	v11 =	vld.idx.msk [tilespmem:v11+s13+$0x0], $0xffff  }
0x207: {  	v4 =	vadd.f32 v5, v4;
	v5 =	vmul.f32 v9, v10;
	v10 =	vor.u32 $0x69, v3;
	v9 =	vld.idx.msk [tilespmem:v16+s5+$0x0], $0xffff  }
0x208: {  	v16 =	vor.u32 $0x69, v2;
	v13 =	vld.idx.msk [tilespmem:v13+s13+$0x0], $0xffff  }
0x209: {  	v4 =	vadd.f32 v5, v4;
	v5 =	vmul.f32 v6, v12;
	v12 =	vor.u32 $0x6A, v3;
	v6 =	vld.idx.msk [tilespmem:v17+s5+$0x0], $0xffff  }
0x20a: {  	v17 =	vor.u32 $0x6A, v2;
	v8 =	vld.idx.msk [tilespmem:v8+s13+$0x0], $0xffff  }
0x20b: {  	v4 =	vadd.f32 v5, v4;
	v5 =	vmul.f32 v7, v14;
	v14 =	vor.u32 $0x6B, v3;
	v7 =	vld.idx.msk [tilespmem:v15+s5+$0x0], $0xffff  }
0x20c: {  	v15 =	vor.u32 $0x6B, v2;
	v10 =	vld.idx.msk [tilespmem:v10+s13+$0x0], $0xffff  }
0x20d: {  	v4 =	vadd.f32 v5, v4;
	v5 =	vmul.f32 v9, v11;
	v11 =	vor.u32 $0x6C, v3;
	v9 =	vld.idx.msk [tilespmem:v16+s5+$0x0], $0xffff  }
0x20e: {  	v16 =	vor.u32 $0x6C, v2;
	v12 =	vld.idx.msk [tilespmem:v12+s13+$0x0], $0xffff  }
0x20f: {  	v4 =	vadd.f32 v5, v4;
	v5 =	vmul.f32 v6, v13;
	v13 =	vor.u32 $0x6D, v3;
	v6 =	vld.idx.msk [tilespmem:v17+s5+$0x0], $0xffff  }
0x210: {  	v17 =	vor.u32 $0x6D, v2;
	v14 =	vld.idx.msk [tilespmem:v14+s13+$0x0], $0xffff  }
0x211: {  	v4 =	vadd.f32 v5, v4;
	v5 =	vmul.f32 v7, v8;
	v8 =	vor.u32 $0x6E, v3;
	v7 =	vld.idx.msk [tilespmem:v15+s5+$0x0], $0xffff  }
0x212: {  	v15 =	vor.u32 $0x6E, v2;
	v11 =	vld.idx.msk [tilespmem:v11+s13+$0x0], $0xffff  }
0x213: {  	v4 =	vadd.f32 v5, v4;
	v5 =	vmul.f32 v9, v10;
	v10 =	vor.u32 $0x6F, v3;
	v9 =	vld.idx.msk [tilespmem:v16+s5+$0x0], $0xffff  }
0x214: {  	v16 =	vor.u32 $0x6F, v2;
	v13 =	vld.idx.msk [tilespmem:v13+s13+$0x0], $0xffff  }
0x215: {  	v4 =	vadd.f32 v5, v4;
	v5 =	vmul.f32 v6, v12;
	v12 =	vor.u32 $0x70, v3;
	v6 =	vld.idx.msk [tilespmem:v17+s5+$0x0], $0xffff  }
0x216: {  	v17 =	vor.u32 $0x70, v2;
	v8 =	vld.idx.msk [tilespmem:v8+s13+$0x0], $0xffff  }
0x217: {  	v4 =	vadd.f32 v5, v4;
	v5 =	vmul.f32 v7, v14;
	v14 =	vor.u32 $0x71, v3;
	v7 =	vld.idx.msk [tilespmem:v15+s5+$0x0], $0xffff  }
0x218: {  	v15 =	vor.u32 $0x71, v2;
	v10 =	vld.idx.msk [tilespmem:v10+s13+$0x0], $0xffff  }
0x219: {  	v4 =	vadd.f32 v5, v4;
	v5 =	vmul.f32 v9, v11;
	v11 =	vor.u32 $0x72, v3;
	v9 =	vld.idx.msk [tilespmem:v16+s5+$0x0], $0xffff  }
0x21a: {  	v16 =	vor.u32 $0x72, v2;
	v12 =	vld.idx.msk [tilespmem:v12+s13+$0x0], $0xffff  }
0x21b: {  	v4 =	vadd.f32 v5, v4;
	v5 =	vmul.f32 v6, v13;
	v13 =	vor.u32 $0x73, v3;
	v6 =	vld.idx.msk [tilespmem:v17+s5+$0x0], $0xffff  }
0x21c: {  	v17 =	vor.u32 $0x73, v2;
	v14 =	vld.idx.msk [tilespmem:v14+s13+$0x0], $0xffff  }
0x21d: {  	v4 =	vadd.f32 v5, v4;
	v5 =	vmul.f32 v7, v8;
	v8 =	vor.u32 $0x74, v3;
	v7 =	vld.idx.msk [tilespmem:v15+s5+$0x0], $0xffff  }
0x21e: {  	v15 =	vor.u32 $0x74, v2;
	v11 =	vld.idx.msk [tilespmem:v11+s13+$0x0], $0xffff  }
0x21f: {  	v4 =	vadd.f32 v5, v4;
	v5 =	vmul.f32 v9, v10;
	v10 =	vor.u32 $0x75, v3;
	v9 =	vld.idx.msk [tilespmem:v16+s5+$0x0], $0xffff  }
0x220: {  	v16 =	vor.u32 $0x75, v2;
	v13 =	vld.idx.msk [tilespmem:v13+s13+$0x0], $0xffff  }
0x221: {  	v4 =	vadd.f32 v5, v4;
	v5 =	vmul.f32 v6, v12;
	v12 =	vor.u32 $0x76, v3;
	v6 =	vld.idx.msk [tilespmem:v17+s5+$0x0], $0xffff  }
0x222: {  	v17 =	vor.u32 $0x76, v2;
	v8 =	vld.idx.msk [tilespmem:v8+s13+$0x0], $0xffff  }
0x223: {  	v4 =	vadd.f32 v5, v4;
	v5 =	vmul.f32 v7, v14;
	v14 =	vor.u32 $0x77, v3;
	v7 =	vld.idx.msk [tilespmem:v15+s5+$0x0], $0xffff  }
0x224: {  	v15 =	vor.u32 $0x77, v2;
	v10 =	vld.idx.msk [tilespmem:v10+s13+$0x0], $0xffff  }
0x225: {  	v4 =	vadd.f32 v5, v4;
	v5 =	vmul.f32 v9, v11;
	v11 =	vor.u32 $0x78, v3;
	v9 =	vld.idx.msk [tilespmem:v16+s5+$0x0], $0xffff  }
0x226: {  	v16 =	vor.u32 $0x78, v2;
	v12 =	vld.idx.msk [tilespmem:v12+s13+$0x0], $0xffff  }
0x227: {  	v4 =	vadd.f32 v5, v4;
	v5 =	vmul.f32 v6, v13;
	v13 =	vor.u32 $0x79, v3;
	v6 =	vld.idx.msk [tilespmem:v17+s5+$0x0], $0xffff  }
0x228: {  	v17 =	vor.u32 $0x79, v2;
	v14 =	vld.idx.msk [tilespmem:v14+s13+$0x0], $0xffff  }
0x229: {  	v4 =	vadd.f32 v5, v4;
	v5 =	vmul.f32 v7, v8;
	v8 =	vor.u32 $0x7A, v3;
	v7 =	vld.idx.msk [tilespmem:v15+s5+$0x0], $0xffff  }
0x22a: {  	v15 =	vor.u32 $0x7A, v2;
	v11 =	vld.idx.msk [tilespmem:v11+s13+$0x0], $0xffff  }
0x22b: {  	v4 =	vadd.f32 v5, v4;
	v5 =	vmul.f32 v9, v10;
	v10 =	vor.u32 $0x7B, v2;
	v9 =	vld.idx.msk [tilespmem:v16+s5+$0x0], $0xffff  }
0x22c: {  	v16 =	vor.u32 $0x7B, v3;
	v13 =	vld.idx.msk [tilespmem:v13+s13+$0x0], $0xffff  }
0x22d: {  	v4 =	vadd.f32 v5, v4;
	v5 =	vmul.f32 v6, v12;
	v12 =	vor.u32 $0x7C, v3;
	v6 =	vld.idx.msk [tilespmem:v17+s5+$0x0], $0xffff  }
0x22e: {  	v17 =	vor.u32 $0x7C, v2;
	v8 =	vld.idx.msk [tilespmem:v8+s13+$0x0], $0xffff  }
0x22f: {  	v4 =	vadd.f32 v5, v4;
	v5 =	vmul.f32 v7, v14;
	v14 =	vor.u32 $0x7D, v3;
	v7 =	vld.idx.msk [tilespmem:v15+s5+$0x0], $0xffff  }
0x230: {  	v15 =	vor.u32 $0x7D, v2;
	v10 =	vld.idx.msk [tilespmem:v10+s5+$0x0], $0xffff  }
0x231: {  	v4 =	vadd.f32 v5, v4;
	v5 =	vmul.f32 v9, v11;
	v11 =	vor.u32 $0x7E, v3;
	v9 =	vld.idx.msk [tilespmem:v16+s13+$0x0], $0xffff  }
0x232: {  	v16 =	vor.u32 $0x7E, v2;
	v12 =	vld.idx.msk [tilespmem:v12+s13+$0x0], $0xffff  }
0x233: {  	v3 =	vor.u32 $0x7F, v3;
	v4 =	vadd.f32 v5, v4;
	v5 =	vmul.f32 v6, v13;
	v6 =	vld.idx.msk [tilespmem:v17+s5+$0x0], $0xffff  }
0x234: {  	v2 =	vor.u32 $0x7F, v2;
	v13 =	vld.idx.msk [tilespmem:v14+s13+$0x0], $0xffff  }
0x235: {  	v4 =	vadd.f32 v5, v4;
	v5 =	vmul.f32 v7, v8;
	v7 =	vld.idx.msk [tilespmem:v15+s5+$0x0], $0xffff  }
0x236: {  	v8 =	vld.idx.msk [tilespmem:v11+s13+$0x0], $0xffff  }
0x237: {  	v4 =	vadd.f32 v5, v4;
	v5 =	vmul.f32 v10, v9;
	v9 =	vld.idx.msk [tilespmem:v16+s5+$0x0], $0xffff  }
0x238: {  	v3 =	vld.idx.msk [tilespmem:v3+s13+$0x0], $0xffff  }
0x239: {  	v4 =	vadd.f32 v5, v4;
	v5 =	vmul.f32 v6, v12;
	v2 =	vld.idx.msk [tilespmem:v2+s5+$0x0], $0xffff;
	_ =	sdelay $0x1  }
0x23a: {  	v4 =	vadd.f32 v5, v4;
	v5 =	vmul.f32 v7, v13;
	_ =	sdelay $0x1  }
.Ltmp3:
0x23b: {  	v4 =	vadd.f32 v5, v4;
	v5 =	vmul.f32 v9, v8;
	(pc) =	sbr.rel @p1 .LBB2_4-.Ltmp3, $3  }
0x23c: {  	_ = 	snop  }
0x23d: {  	v4 =	vadd.f32 v5, v4;
	v2 =	vmul.f32 v2, v3;
	_ =	sdelay $0x1  }
0x23e: {  	v2 =	vadd.f32 v2, v4  }
0x23f: {  	s16 =	sadd.s32 $0x1, s16  }
0x240: {  	s17 =	sadd.s32 s7, s17;
	[tilespmem:s19+$0x0] =	vst v2;
	p1 =	slt.u32 s16, s9  }
0x241: {  	[hbm4b:s17+s5] =	stream.linear.scatter [tilespmem:s14], [sflag:$0x1], $0x190, $0x38;
	[tilespmem:$0xCE80] =	vst v63  }
.Ltmp4:
0x242: {  	_ = 	snop;
	(pc) =	sbr.rel @p1 .LBB2_3-.Ltmp4, $4  }
.Ltmp5:
0x243: {  	_ = 	snop;
	(pc) =	sbr.rel @!p1 .LBB2_6-.Ltmp5, $4  }
0x244: {  	_ =	swait.ge [sflag:s11], $0x190  }
0x245: {  	[sflag:s11] =	ssyncset.done $0x0  }
0x246: {  	[sflag:s11] =	ssyncadd.s32 $0xFFFFFE70  }
0x247: {  	_ = 	snop  }
.LBB2_7:
0x248: {  	_ =	sfence.sel $0x180000  }
0x249: {  	[bflag:$0x0] =	sbarrier.arrive $0xFFFF  }
0x24a: {  	p0 =	sne.s32 s0, $0x0;
	_ =	strace $0x90000047  }
0x24b: {  	s0 =	sadd.s32 @!p0 $0x100000, s3;
	[bflag:$0x2] =	sbarrier.arrive $0xFFFF  }
0x24c: {  	[sflag:s0] =	ssyncadd.tile.s32 @!p0 $0x1;
	_ =	shalt  }
.Lfunc_end2:
_tile_overlayer_lowered:
.L_overlay_start_2:
0x24d: {  	(tag) =	ssettag $0x2  }
0x24e: {  	s0 =	rddreg [dreg:$0x0];
	s2 =	stileid.u32  }
0x24f: {  	s1 =	rddreg [dreg:$0x1];
	p0 =	sne.s32 s2, $0x0  }
0x250: {  	s3 =	rddreg [dreg:$0x2];
	[bflag:$0x3] =	sbarrier.arrive $0xFFFF;
	s2 =	simm.s32 @!p0 $0x1C01  }
0x251: {  	[timem:s3], [sflag:s2] =	dma.local @!p0 [hbm:s0], s1  }
0x252: {  	s0 =	simm.s32 @!p0 $0x1  }
0x253: {  	_ =	swait.ge @!p0 [sflag:s0], s1  }
0x254: {  	s1 =	ssub.s32 @!p0 $0x0, s1;
	[sflag:s0] =	ssyncset.done @!p0 $0x0  }
0x255: {  	[sflag:s0] =	ssyncadd.s32 @!p0 s1  }
0x256: {  	[bflag:$0x3] =	sbarrier.arrive $0xFFFF  }
0x257: {  	_ =	shalt  }

</sc_bundles>
